<compile_context>
chip_gen: v7x
topology: tpu7x:2x2x1
jax: 0.10.2.dev20260603
libtpu: 0.0.44.dev20260713+nightly
codegen_flags: <defaults>
</compile_context>

<pallas_src>
import functools
import math

import jax
import jax.numpy as jnp
from jax import lax
from jax.experimental import pallas as pl
from jax.experimental.pallas import tpu as pltpu
from jax.experimental.pallas import tpu_sc as plsc

_D = 768
_SCALE = math.sqrt(float(_D))
_NC = 2
_NS = 16
_NW = _NC * _NS
_LANES = 16
_CHUNK = 56
_NBUF = 3


@functools.cache
def _emb_call(n_batch: int, n_time: int):
    b_per_w = (n_batch * n_time) // _NW
    n_main = b_per_w // _CHUNK
    tail = b_per_w - n_main * _CHUNK
    mesh = plsc.VectorSubcoreMesh(core_axis_name="c", subcore_axis_name="s")

    @functools.partial(
        pl.kernel,
        mesh=mesh,
        out_type=jax.ShapeDtypeStruct((n_batch, n_time, _D), jnp.float32),
        scratch_types=[
            pltpu.VMEM((b_per_w,), jnp.int32),
            pltpu.VMEM((_NBUF, _CHUNK, _D), jnp.float32),
            pltpu.SemaphoreType.DMA,
            pltpu.SemaphoreType.DMA,
            pltpu.SemaphoreType.DMA,
        ],
    )
    def run(idx_hbm, table_hbm, out_hbm, idx_v, buf, gsem, ssem, tsem):
        wid = lax.axis_index("s") * _NC + lax.axis_index("c")
        row = wid * b_per_w // n_time
        col = pl.multiple_of(lax.rem(wid * b_per_w, n_time), 8)
        pltpu.sync_copy(idx_hbm.at[row, pl.ds(col, b_per_w)], idx_v)

        def gather(c, slot, size):
            off = pl.multiple_of(c * _CHUNK, 8)
            return pltpu.async_copy(
                table_hbm.at[idx_v.at[pl.ds(off, size)]],
                buf.at[slot, pl.ds(0, size)], gsem)

        def scatter(c, slot, size):
            off = pl.multiple_of(col + c * _CHUNK, 8)
            return pltpu.async_copy(
                buf.at[slot, pl.ds(0, size)],
                out_hbm.at[row, pl.ds(off, size)], ssem)

        def wait_gather(size):
            pltpu.make_async_copy(
                table_hbm.at[idx_v.at[pl.ds(0, size)]],
                buf.at[0, pl.ds(0, size)], gsem).wait()

        def wait_scatter(size):
            pltpu.make_async_copy(
                buf.at[0, pl.ds(0, size)],
                out_hbm.at[row, pl.ds(col, size)], ssem).wait()

        def scale(slot, size):
            bref = buf.at[slot]

            def srow(r, carry):
                for j in range(_D // _LANES):
                    sl = pl.ds(j * _LANES, _LANES)
                    bref[r, sl] = bref[r, sl] * _SCALE
                return carry

            lax.fori_loop(0, size, srow, 0)

        t_off = pl.multiple_of(n_main * _CHUNK, 8)
        if tail:
            pltpu.async_copy(
                table_hbm.at[idx_v.at[pl.ds(t_off, tail)]],
                buf.at[0, pl.ds(0, tail)], tsem)
        gather(0, 1, _CHUNK)
        if tail:
            pltpu.make_async_copy(
                table_hbm.at[idx_v.at[pl.ds(0, tail)]],
                buf.at[0, pl.ds(0, tail)], tsem).wait()
            scale(0, tail)
            pltpu.async_copy(
                buf.at[0, pl.ds(0, tail)],
                out_hbm.at[row, pl.ds(col + t_off, tail)], tsem)

        def wait_tail_scatter():
            pltpu.make_async_copy(
                buf.at[0, pl.ds(0, tail)],
                out_hbm.at[row, pl.ds(col, tail)], tsem).wait()

        def body(c, carry):
            slot = lax.rem(c + 1, _NBUF)
            nxt = lax.rem(c + 2, _NBUF)

            @pl.when(c >= _NBUF - 1)
            def _drain_prev():
                wait_scatter(_CHUNK)

            if tail:
                @pl.when(c == _NBUF - 2)
                def _drain_tail():
                    wait_tail_scatter()

            @pl.when(c + 1 < n_main)
            def _prefetch():
                gather(c + 1, nxt, _CHUNK)

            wait_gather(_CHUNK)
            scale(slot, _CHUNK)
            scatter(c, slot, _CHUNK)
            return carry

        lax.fori_loop(0, n_main, body, 0)

        if tail and n_main < _NBUF - 1:
            wait_tail_scatter()
        for _ in range(min(_NBUF - 1, n_main)):
            wait_scatter(_CHUNK)

    return run


@jax.jit
def kernel(input_ids, token_emb_weight):
    b, t = input_ids.shape
    return _emb_call(b, t)(input_ids.astype(jnp.int32), token_emb_weight)

# --- scband reference (transcript-rebuilt; emitter-appended) ---
"""Pipeline reference for scband-token-embedding-17300128268755 (READ-ONLY COPY).

The authoritative reference and input builder live on the scoring server;
editing this copy changes nothing except your own understanding.
"""

import jax, jax.numpy as jnp
import numpy as np
import math

VOCAB = 100000
D_MODEL = 768
B = 4
T = 4096

def setup_inputs(seed: int = 0) -> dict:
    key = jax.random.key(seed)
    k_idx, k_w = jax.random.split(key)
    input_ids = jax.random.randint(k_idx, (B, T), 0, VOCAB, dtype=jnp.int64 if jax.config.jax_enable_x64 else jnp.int32)
    token_emb_weight = jax.random.normal(k_w, (VOCAB, D_MODEL), dtype=jnp.float32) * 0.02
    return {"input_ids": input_ids, "token_emb_weight": token_emb_weight}

def reference(input_ids, token_emb_weight):
    # Embedding lookup (gather) followed by sqrt(d_model) scaling.
    # Dropout is identity at inference time.
    x = jnp.take(token_emb_weight, input_ids, axis=0) * math.sqrt(D_MODEL)
    return x

if __name__ == "__main__":
    import jax
    _d = setup_inputs()
    print(jax.jit(kernel)(*tuple(_d.values())))

</pallas_src>

<mosaic_0001>
#map = affine_map<(d0, d1) -> (0, 0)>
#map1 = affine_map<(d0, d1) -> (0, 0, 0)>
module attributes {stable_mosaic.version = 14 : i64} {
  func.func @run(%arg0: i32, %arg1: i32, %arg2: memref<4x4096xi32, #tpu.memory_space<hbm>>, %arg3: memref<100000x768xf32, #tpu.memory_space<hbm>>, %arg4: memref<4x4096x768xf32, #tpu.memory_space<hbm>>, %arg5: memref<512xi32, #tpu.memory_space<vmem>>, %arg6: memref<3x56x768xf32, #tpu.memory_space<vmem>>, %arg7: memref<!tpu.dma_semaphore, #tpu.memory_space<semaphore_mem>>, %arg8: memref<!tpu.dma_semaphore, #tpu.memory_space<semaphore_mem>>, %arg9: memref<!tpu.dma_semaphore, #tpu.memory_space<semaphore_mem>>) attributes {dimension_semantics = [#tpu.dimension_semantics<core_parallel>, #tpu.dimension_semantics<subcore_parallel>], iteration_bounds = array<i64: 2, 16>, scalar_prefetch = 0 : i64, scratch_operands = 5 : i64, tpu.core_type = #tpu.core_type<sc_vector_subcore>, window_params = [{transform_indices = #map}, {transform_indices = #map}, {transform_indices = #map1}]} {
    %mul3A = arith.constant 2 : i32
    %mul3A_0 = arith.muli %arg1, %mul3A : i32
    %add3A = arith.addi %mul3A_0, %arg0 : i32
    %mul3A_1 = arith.constant 512 : i32
    %mul3A_2 = arith.muli %add3A, %mul3A_1 : i32
    %jit3A = arith.constant 4096 : i32
    %div3A = arith.divsi %mul3A_2, %jit3A : i32
    %sign3A = arith.constant 0 : i32
    %sign3A_3 = arith.cmpi sgt, %mul3A_2, %sign3A : i32
    %sign3A_4 = arith.extui %sign3A_3 : i1 to i32
    %sign3A_5 = arith.constant 0 : i32
    %sign3A_6 = arith.cmpi slt, %mul3A_2, %sign3A_5 : i32
    %sign3A_7 = arith.extui %sign3A_6 : i1 to i32
    %sign3A_8 = arith.subi %sign3A_4, %sign3A_7 : i32
    %sign3A_9 = arith.constant 0 : i32
    %sign3A_10 = arith.cmpi sgt, %jit3A, %sign3A_9 : i32
    %sign3A_11 = arith.extui %sign3A_10 : i1 to i32
    %sign3A_12 = arith.constant 0 : i32
    %sign3A_13 = arith.cmpi slt, %jit3A, %sign3A_12 : i32
    %sign3A_14 = arith.extui %sign3A_13 : i1 to i32
    %sign3A_15 = arith.subi %sign3A_11, %sign3A_14 : i32
    %ne3A = arith.cmpi ne, %sign3A_8, %sign3A_15 : i32
    %rem3A = arith.remsi %mul3A_2, %jit3A : i32
    %ne3A_16 = arith.constant 0 : i32
    %ne3A_17 = arith.cmpi ne, %rem3A, %ne3A_16 : i32
    %and3A = arith.andi %ne3A, %ne3A_17 : i1
    %sub3A = arith.constant 1 : i32
    %sub3A_18 = arith.subi %div3A, %sub3A : i32
    %select_n3A = arith.select %and3A, %sub3A_18, %div3A : i32
    %mul3A_19 = arith.constant 512 : i32
    %mul3A_20 = arith.muli %add3A, %mul3A_19 : i32
    %rem3A_21 = arith.constant 4096 : i32
    %rem3A_22 = arith.remsi %mul3A_20, %rem3A_21 : i32
    %multiple_of3A = tpu.assume_multiple %rem3A_22, 8 : i32
    "tpu.region"() ({
      %run_scoped3A = tpu.sem_alloc : memref<!tpu.dma_semaphore, #tpu.memory_space<semaphore_mem>>
      %dma_start3A_111 = tpu.memref_slice %arg2[%select_n3A, %multiple_of3A] : memref<4x4096xi32, #tpu.memory_space<hbm>> -> memref<1x512xi32, #tpu.memory_space<hbm>>
      %dma_start3A_112 = tpu.memref_squeeze %dma_start3A_111 : memref<1x512xi32, #tpu.memory_space<hbm>> -> memref<512xi32, #tpu.memory_space<hbm>>
      %dma_start3A_113 = tpu.memref_slice %arg2[%select_n3A, %multiple_of3A] : memref<4x4096xi32, #tpu.memory_space<hbm>> -> memref<1x512xi32, #tpu.memory_space<hbm>>
      %dma_start3A_114 = tpu.memref_squeeze %dma_start3A_113 : memref<1x512xi32, #tpu.memory_space<hbm>> -> memref<512xi32, #tpu.memory_space<hbm>>
      tpu.enqueue_dma source(%dma_start3A_114 : memref<512xi32, #tpu.memory_space<hbm>>) target(%arg5 : memref<512xi32, #tpu.memory_space<vmem>>) target_semaphore(%run_scoped3A : memref<!tpu.dma_semaphore, #tpu.memory_space<semaphore_mem>>)
      %dma_wait3A_115 = tpu.memref_slice %arg2[%select_n3A, %multiple_of3A] : memref<4x4096xi32, #tpu.memory_space<hbm>> -> memref<1x512xi32, #tpu.memory_space<hbm>>
      %dma_wait3A_116 = tpu.memref_squeeze %dma_wait3A_115 : memref<1x512xi32, #tpu.memory_space<hbm>> -> memref<512xi32, #tpu.memory_space<hbm>>
      %dma_wait3A_117 = tpu.memref_slice %arg2[%select_n3A, %multiple_of3A] : memref<4x4096xi32, #tpu.memory_space<hbm>> -> memref<1x512xi32, #tpu.memory_space<hbm>>
      %dma_wait3A_118 = tpu.memref_squeeze %dma_wait3A_117 : memref<1x512xi32, #tpu.memory_space<hbm>> -> memref<512xi32, #tpu.memory_space<hbm>>
      tpu.wait_dma2 semaphore(%run_scoped3A : memref<!tpu.dma_semaphore, #tpu.memory_space<semaphore_mem>>) src(%dma_wait3A_118 : memref<512xi32, #tpu.memory_space<hbm>>) dst(%arg5 : memref<512xi32, #tpu.memory_space<vmem>>)
      tpu.yield
    }) : () -> ()
    %multiple_of3A_23 = arith.constant 504 : i32
    %multiple_of3A_24 = tpu.assume_multiple %multiple_of3A_23, 8 : i32
    %dma_start3A = arith.constant 0 : i32
    %dma_start3A_25 = arith.constant 0 : i32
    %dma_start3A_26 = arith.constant 0 : i32
    %dma_start3A_27 = tpu.memref_slice %arg6[%dma_start3A, %dma_start3A_25, %dma_start3A_26] : memref<3x56x768xf32, #tpu.memory_space<vmem>> -> memref<1x8x768xf32, #tpu.memory_space<vmem>>
    %dma_start3A_28 = tpu.memref_squeeze %dma_start3A_27 : memref<1x8x768xf32, #tpu.memory_space<vmem>> -> memref<8x768xf32, #tpu.memory_space<vmem>>
    %dma_start3A_29 = tpu.memref_slice %arg5[%multiple_of3A_24] : memref<512xi32, #tpu.memory_space<vmem>> -> memref<8xi32, #tpu.memory_space<vmem>>
    %dma_start3A_30 = arith.constant 0 : i32
    %dma_start3A_31 = arith.constant 0 : i32
    %dma_start3A_32 = tpu.memref_slice %arg3[%dma_start3A_30, %dma_start3A_31] : memref<100000x768xf32, #tpu.memory_space<hbm>> -> memref<100000x768xf32, #tpu.memory_space<hbm>>
    tpu.enqueue_indirect_dma source(%dma_start3A_32 : memref<100000x768xf32, #tpu.memory_space<hbm>>) target(%dma_start3A_28 : memref<8x768xf32, #tpu.memory_space<vmem>>) offsets(%dma_start3A_29 : memref<8xi32, #tpu.memory_space<vmem>>) semaphore(%arg9 : memref<!tpu.dma_semaphore, #tpu.memory_space<semaphore_mem>>)
    %multiple_of3A_33 = arith.constant 0 : i32
    %multiple_of3A_34 = tpu.assume_multiple %multiple_of3A_33, 8 : i32
    %dma_start3A_35 = arith.constant 1 : i32
    %dma_start3A_36 = arith.constant 0 : i32
    %dma_start3A_37 = arith.constant 0 : i32
    %dma_start3A_38 = tpu.memref_slice %arg6[%dma_start3A_35, %dma_start3A_36, %dma_start3A_37] : memref<3x56x768xf32, #tpu.memory_space<vmem>> -> memref<1x56x768xf32, #tpu.memory_space<vmem>>
    %dma_start3A_39 = tpu.memref_squeeze %dma_start3A_38 : memref<1x56x768xf32, #tpu.memory_space<vmem>> -> memref<56x768xf32, #tpu.memory_space<vmem>>
    %dma_start3A_40 = tpu.memref_slice %arg5[%multiple_of3A_34] : memref<512xi32, #tpu.memory_space<vmem>> -> memref<56xi32, #tpu.memory_space<vmem>>
    %dma_start3A_41 = arith.constant 0 : i32
    %dma_start3A_42 = arith.constant 0 : i32
    %dma_start3A_43 = tpu.memref_slice %arg3[%dma_start3A_41, %dma_start3A_42] : memref<100000x768xf32, #tpu.memory_space<hbm>> -> memref<100000x768xf32, #tpu.memory_space<hbm>>
    tpu.enqueue_indirect_dma source(%dma_start3A_43 : memref<100000x768xf32, #tpu.memory_space<hbm>>) target(%dma_start3A_39 : memref<56x768xf32, #tpu.memory_space<vmem>>) offsets(%dma_start3A_40 : memref<56xi32, #tpu.memory_space<vmem>>) semaphore(%arg7 : memref<!tpu.dma_semaphore, #tpu.memory_space<semaphore_mem>>)
    %dma_wait3A = arith.constant 0 : i32
    %dma_wait3A_44 = arith.constant 0 : i32
    %dma_wait3A_45 = arith.constant 0 : i32
    %dma_wait3A_46 = tpu.memref_slice %arg6[%dma_wait3A, %dma_wait3A_44, %dma_wait3A_45] : memref<3x56x768xf32, #tpu.memory_space<vmem>> -> memref<1x8x768xf32, #tpu.memory_space<vmem>>
    %dma_wait3A_47 = tpu.memref_squeeze %dma_wait3A_46 : memref<1x8x768xf32, #tpu.memory_space<vmem>> -> memref<8x768xf32, #tpu.memory_space<vmem>>
    %dma_wait3A_48 = arith.constant 0 : i32
    %dma_wait3A_49 = tpu.memref_slice %arg5[%dma_wait3A_48] : memref<512xi32, #tpu.memory_space<vmem>> -> memref<8xi32, #tpu.memory_space<vmem>>
    %dma_wait3A_50 = arith.constant 0 : i32
    %dma_wait3A_51 = arith.constant 0 : i32
    %dma_wait3A_52 = tpu.memref_slice %arg3[%dma_wait3A_50, %dma_wait3A_51] : memref<100000x768xf32, #tpu.memory_space<hbm>> -> memref<100000x768xf32, #tpu.memory_space<hbm>>
    tpu.wait_indirect_dma semaphore(%arg9 : memref<!tpu.dma_semaphore, #tpu.memory_space<semaphore_mem>>) src(%dma_wait3A_52 : memref<100000x768xf32, #tpu.memory_space<hbm>>) dst(%dma_wait3A_47 : memref<8x768xf32, #tpu.memory_space<vmem>>)
    %scan3A = arith.constant 0 : i32
    %scan3A_53 = arith.constant 0 : i32
    %scan3A_54 = arith.constant 0 : i32
    %scan3A_55 = arith.constant 8 : i32
    %scan3A_56 = arith.addi %scan3A_54, %scan3A_55 : i32
    %scan3A_57 = arith.constant 1 : i32
    scf.for %scan3A_111 = %scan3A_54 to %scan3A_56 step %scan3A_57  : i32 {
      %get3A = arith.constant 0 : i32
      %get3A_112 = arith.constant 0 : i32
      %get3A_113 = tpu.memref_slice %arg6[%scan3A_53, %get3A, %get3A_112] : memref<3x56x768xf32, #tpu.memory_space<vmem>> -> memref<1x56x768xf32, #tpu.memory_space<vmem>>
      %get3A_114 = tpu.memref_squeeze %get3A_113 : memref<1x56x768xf32, #tpu.memory_space<vmem>> -> memref<56x768xf32, #tpu.memory_space<vmem>>
      %get3A_115 = arith.index_cast %scan3A_111 : i32 to index
      %get3A_116 = arith.constant 0 : index
      %get3A_117 = tpu.vector_load %get3A_114[%get3A_115, %get3A_116] {strides = array<i32>} : memref<56x768xf32, #tpu.memory_space<vmem>>, vector<1x16xf32>,
      %get3A_118 = vector.shape_cast %get3A_117 : vector<1x16xf32> to vector<16xf32>
      %mul3A_119 = arith.constant 27.7128124 : f32
      %mul3A_120 = vector.broadcast %mul3A_119 : f32 to vector<16xf32>
      %mul3A_121 = arith.mulf %get3A_118, %mul3A_120 : vector<16xf32>
      %swap3A = arith.constant 0 : i32
      %swap3A_122 = arith.constant 0 : i32
      %swap3A_123 = tpu.memref_slice %arg6[%scan3A_53, %swap3A, %swap3A_122] : memref<3x56x768xf32, #tpu.memory_space<vmem>> -> memref<1x56x768xf32, #tpu.memory_space<vmem>>
      %swap3A_124 = tpu.memref_squeeze %swap3A_123 : memref<1x56x768xf32, #tpu.memory_space<vmem>> -> memref<56x768xf32, #tpu.memory_space<vmem>>
      %swap3A_125 = arith.index_cast %scan3A_111 : i32 to index
      %swap3A_126 = arith.constant 0 : index
      %swap3A_127 = tpu.vector_load %swap3A_124[%swap3A_125, %swap3A_126] {strides = array<i32>} : memref<56x768xf32, #tpu.memory_space<vmem>>, vector<1x16xf32>,
      %swap3A_128 = vector.shape_cast %swap3A_127 : vector<1x16xf32> to vector<16xf32>
      %swap3A_129 = vector.shape_cast %mul3A_121 : vector<16xf32> to vector<1x16xf32>
      tpu.vector_store %swap3A_124[%swap3A_125, %swap3A_126], %swap3A_129 {strides = array<i32>} : memref<56x768xf32, #tpu.memory_space<vmem>>, vector<1x16xf32>,
      %get3A_130 = arith.constant 0 : i32
      %get3A_131 = arith.constant 0 : i32
      %get3A_132 = tpu.memref_slice %arg6[%scan3A_53, %get3A_130, %get3A_131] : memref<3x56x768xf32, #tpu.memory_space<vmem>> -> memref<1x56x768xf32, #tpu.memory_space<vmem>>
      %get3A_133 = tpu.memref_squeeze %get3A_132 : memref<1x56x768xf32, #tpu.memory_space<vmem>> -> memref<56x768xf32, #tpu.memory_space<vmem>>
      %get3A_134 = arith.index_cast %scan3A_111 : i32 to index
      %get3A_135 = arith.constant 16 : index
      %get3A_136 = tpu.vector_load %get3A_133[%get3A_134, %get3A_135] {strides = array<i32>} : memref<56x768xf32, #tpu.memory_space<vmem>>, vector<1x16xf32>,
      %get3A_137 = vector.shape_cast %get3A_136 : vector<1x16xf32> to vector<16xf32>
      %mul3A_138 = arith.constant 27.7128124 : f32
      %mul3A_139 = vector.broadcast %mul3A_138 : f32 to vector<16xf32>
      %mul3A_140 = arith.mulf %get3A_137, %mul3A_139 : vector<16xf32>
      %swap3A_141 = arith.constant 0 : i32
      %swap3A_142 = arith.constant 0 : i32
      %swap3A_143 = tpu.memref_slice %arg6[%scan3A_53, %swap3A_141, %swap3A_142] : memref<3x56x768xf32, #tpu.memory_space<vmem>> -> memref<1x56x768xf32, #tpu.memory_space<vmem>>
      %swap3A_144 = tpu.memref_squeeze %swap3A_143 : memref<1x56x768xf32, #tpu.memory_space<vmem>> -> memref<56x768xf32, #tpu.memory_space<vmem>>
      %swap3A_145 = arith.index_cast %scan3A_111 : i32 to index
      %swap3A_146 = arith.constant 16 : index
      %swap3A_147 = tpu.vector_load %swap3A_144[%swap3A_145, %swap3A_146] {strides = array<i32>} : memref<56x768xf32, #tpu.memory_space<vmem>>, vector<1x16xf32>,
      %swap3A_148 = vector.shape_cast %swap3A_147 : vector<1x16xf32> to vector<16xf32>
      %swap3A_149 = vector.shape_cast %mul3A_140 : vector<16xf32> to vector<1x16xf32>
      tpu.vector_store %swap3A_144[%swap3A_145, %swap3A_146], %swap3A_149 {strides = array<i32>} : memref<56x768xf32, #tpu.memory_space<vmem>>, vector<1x16xf32>,
      %get3A_150 = arith.constant 0 : i32
      %get3A_151 = arith.constant 0 : i32
      %get3A_152 = tpu.memref_slice %arg6[%scan3A_53, %get3A_150, %get3A_151] : memref<3x56x768xf32, #tpu.memory_space<vmem>> -> memref<1x56x768xf32, #tpu.memory_space<vmem>>
      %get3A_153 = tpu.memref_squeeze %get3A_152 : memref<1x56x768xf32, #tpu.memory_space<vmem>> -> memref<56x768xf32, #tpu.memory_space<vmem>>
      %get3A_154 = arith.index_cast %scan3A_111 : i32 to index
      %get3A_155 = arith.constant 32 : index
      %get3A_156 = tpu.vector_load %get3A_153[%get3A_154, %get3A_155] {strides = array<i32>} : memref<56x768xf32, #tpu.memory_space<vmem>>, vector<1x16xf32>,
      %get3A_157 = vector.shape_cast %get3A_156 : vector<1x16xf32> to vector<16xf32>
      %mul3A_158 = arith.constant 27.7128124 : f32
      %mul3A_159 = vector.broadcast %mul3A_158 : f32 to vector<16xf32>
      %mul3A_160 = arith.mulf %get3A_157, %mul3A_159 : vector<16xf32>
      %swap3A_161 = arith.constant 0 : i32
      %swap3A_162 = arith.constant 0 : i32
      %swap3A_163 = tpu.memref_slice %arg6[%scan3A_53, %swap3A_161, %swap3A_162] : memref<3x56x768xf32, #tpu.memory_space<vmem>> -> memref<1x56x768xf32, #tpu.memory_space<vmem>>
      %swap3A_164 = tpu.memref_squeeze %swap3A_163 : memref<1x56x768xf32, #tpu.memory_space<vmem>> -> memref<56x768xf32, #tpu.memory_space<vmem>>
      %swap3A_165 = arith.index_cast %scan3A_111 : i32 to index
      %swap3A_166 = arith.constant 32 : index
      %swap3A_167 = tpu.vector_load %swap3A_164[%swap3A_165, %swap3A_166] {strides = array<i32>} : memref<56x768xf32, #tpu.memory_space<vmem>>, vector<1x16xf32>,
      %swap3A_168 = vector.shape_cast %swap3A_167 : vector<1x16xf32> to vector<16xf32>
      %swap3A_169 = vector.shape_cast %mul3A_160 : vector<16xf32> to vector<1x16xf32>
      tpu.vector_store %swap3A_164[%swap3A_165, %swap3A_166], %swap3A_169 {strides = array<i32>} : memref<56x768xf32, #tpu.memory_space<vmem>>, vector<1x16xf32>,
      %get3A_170 = arith.constant 0 : i32
      %get3A_171 = arith.constant 0 : i32
      %get3A_172 = tpu.memref_slice %arg6[%scan3A_53, %get3A_170, %get3A_171] : memref<3x56x768xf32, #tpu.memory_space<vmem>> -> memref<1x56x768xf32, #tpu.memory_space<vmem>>
      %get3A_173 = tpu.memref_squeeze %get3A_172 : memref<1x56x768xf32, #tpu.memory_space<vmem>> -> memref<56x768xf32, #tpu.memory_space<vmem>>
      %get3A_174 = arith.index_cast %scan3A_111 : i32 to index
      %get3A_175 = arith.constant 48 : index
      %get3A_176 = tpu.vector_load %get3A_173[%get3A_174, %get3A_175] {strides = array<i32>} : memref<56x768xf32, #tpu.memory_space<vmem>>, vector<1x16xf32>,
      %get3A_177 = vector.shape_cast %get3A_176 : vector<1x16xf32> to vector<16xf32>
      %mul3A_178 = arith.constant 27.7128124 : f32
      %mul3A_179 = vector.broadcast %mul3A_178 : f32 to vector<16xf32>
      %mul3A_180 = arith.mulf %get3A_177, %mul3A_179 : vector<16xf32>
      %swap3A_181 = arith.constant 0 : i32
      %swap3A_182 = arith.constant 0 : i32
      %swap3A_183 = tpu.memref_slice %arg6[%scan3A_53, %swap3A_181, %swap3A_182] : memref<3x56x768xf32, #tpu.memory_space<vmem>> -> memref<1x56x768xf32, #tpu.memory_space<vmem>>
      %swap3A_184 = tpu.memref_squeeze %swap3A_183 : memref<1x56x768xf32, #tpu.memory_space<vmem>> -> memref<56x768xf32, #tpu.memory_space<vmem>>
      %swap3A_185 = arith.index_cast %scan3A_111 : i32 to index
      %swap3A_186 = arith.constant 48 : index
      %swap3A_187 = tpu.vector_load %swap3A_184[%swap3A_185, %swap3A_186] {strides = array<i32>} : memref<56x768xf32, #tpu.memory_space<vmem>>, vector<1x16xf32>,
      %swap3A_188 = vector.shape_cast %swap3A_187 : vector<1x16xf32> to vector<16xf32>
      %swap3A_189 = vector.shape_cast %mul3A_180 : vector<16xf32> to vector<1x16xf32>
      tpu.vector_store %swap3A_184[%swap3A_185, %swap3A_186], %swap3A_189 {strides = array<i32>} : memref<56x768xf32, #tpu.memory_space<vmem>>, vector<1x16xf32>,
      %get3A_190 = arith.constant 0 : i32
      %get3A_191 = arith.constant 0 : i32
      %get3A_192 = tpu.memref_slice %arg6[%scan3A_53, %get3A_190, %get3A_191] : memref<3x56x768xf32, #tpu.memory_space<vmem>> -> memref<1x56x768xf32, #tpu.memory_space<vmem>>
      %get3A_193 = tpu.memref_squeeze %get3A_192 : memref<1x56x768xf32, #tpu.memory_space<vmem>> -> memref<56x768xf32, #tpu.memory_space<vmem>>
      %get3A_194 = arith.index_cast %scan3A_111 : i32 to index
      %get3A_195 = arith.constant 64 : index
      %get3A_196 = tpu.vector_load %get3A_193[%get3A_194, %get3A_195] {strides = array<i32>} : memref<56x768xf32, #tpu.memory_space<vmem>>, vector<1x16xf32>,
      %get3A_197 = vector.shape_cast %get3A_196 : vector<1x16xf32> to vector<16xf32>
      %mul3A_198 = arith.constant 27.7128124 : f32
      %mul3A_199 = vector.broadcast %mul3A_198 : f32 to vector<16xf32>
      %mul3A_200 = arith.mulf %get3A_197, %mul3A_199 : vector<16xf32>
      %swap3A_201 = arith.constant 0 : i32
      %swap3A_202 = arith.constant 0 : i32
      %swap3A_203 = tpu.memref_slice %arg6[%scan3A_53, %swap3A_201, %swap3A_202] : memref<3x56x768xf32, #tpu.memory_space<vmem>> -> memref<1x56x768xf32, #tpu.memory_space<vmem>>
      %swap3A_204 = tpu.memref_squeeze %swap3A_203 : memref<1x56x768xf32, #tpu.memory_space<vmem>> -> memref<56x768xf32, #tpu.memory_space<vmem>>
      %swap3A_205 = arith.index_cast %scan3A_111 : i32 to index
      %swap3A_206 = arith.constant 64 : index
      %swap3A_207 = tpu.vector_load %swap3A_204[%swap3A_205, %swap3A_206] {strides = array<i32>} : memref<56x768xf32, #tpu.memory_space<vmem>>, vector<1x16xf32>,
      %swap3A_208 = vector.shape_cast %swap3A_207 : vector<1x16xf32> to vector<16xf32>
      %swap3A_209 = vector.shape_cast %mul3A_200 : vector<16xf32> to vector<1x16xf32>
      tpu.vector_store %swap3A_204[%swap3A_205, %swap3A_206], %swap3A_209 {strides = array<i32>} : memref<56x768xf32, #tpu.memory_space<vmem>>, vector<1x16xf32>,
      %get3A_210 = arith.constant 0 : i32
      %get3A_211 = arith.constant 0 : i32
      %get3A_212 = tpu.memref_slice %arg6[%scan3A_53, %get3A_210, %get3A_211] : memref<3x56x768xf32, #tpu.memory_space<vmem>> -> memref<1x56x768xf32, #tpu.memory_space<vmem>>
      %get3A_213 = tpu.memref_squeeze %get3A_212 : memref<1x56x768xf32, #tpu.memory_space<vmem>> -> memref<56x768xf32, #tpu.memory_space<vmem>>
      %get3A_214 = arith.index_cast %scan3A_111 : i32 to index
      %get3A_215 = arith.constant 80 : index
      %get3A_216 = tpu.vector_load %get3A_213[%get3A_214, %get3A_215] {strides = array<i32>} : memref<56x768xf32, #tpu.memory_space<vmem>>, vector<1x16xf32>,
      %get3A_217 = vector.shape_cast %get3A_216 : vector<1x16xf32> to vector<16xf32>
      %mul3A_218 = arith.constant 27.7128124 : f32
      %mul3A_219 = vector.broadcast %mul3A_218 : f32 to vector<16xf32>
      %mul3A_220 = arith.mulf %get3A_217, %mul3A_219 : vector<16xf32>
      %swap3A_221 = arith.constant 0 : i32
      %swap3A_222 = arith.constant 0 : i32
      %swap3A_223 = tpu.memref_slice %arg6[%scan3A_53, %swap3A_221, %swap3A_222] : memref<3x56x768xf32, #tpu.memory_space<vmem>> -> memref<1x56x768xf32, #tpu.memory_space<vmem>>
      %swap3A_224 = tpu.memref_squeeze %swap3A_223 : memref<1x56x768xf32, #tpu.memory_space<vmem>> -> memref<56x768xf32, #tpu.memory_space<vmem>>
      %swap3A_225 = arith.index_cast %scan3A_111 : i32 to index
      %swap3A_226 = arith.constant 80 : index
      %swap3A_227 = tpu.vector_load %swap3A_224[%swap3A_225, %swap3A_226] {strides = array<i32>} : memref<56x768xf32, #tpu.memory_space<vmem>>, vector<1x16xf32>,
      %swap3A_228 = vector.shape_cast %swap3A_227 : vector<1x16xf32> to vector<16xf32>
      %swap3A_229 = vector.shape_cast %mul3A_220 : vector<16xf32> to vector<1x16xf32>
      tpu.vector_store %swap3A_224[%swap3A_225, %swap3A_226], %swap3A_229 {strides = array<i32>} : memref<56x768xf32, #tpu.memory_space<vmem>>, vector<1x16xf32>,
      %get3A_230 = arith.constant 0 : i32
      %get3A_231 = arith.constant 0 : i32
      %get3A_232 = tpu.memref_slice %arg6[%scan3A_53, %get3A_230, %get3A_231] : memref<3x56x768xf32, #tpu.memory_space<vmem>> -> memref<1x56x768xf32, #tpu.memory_space<vmem>>
      %get3A_233 = tpu.memref_squeeze %get3A_232 : memref<1x56x768xf32, #tpu.memory_space<vmem>> -> memref<56x768xf32, #tpu.memory_space<vmem>>
      %get3A_234 = arith.index_cast %scan3A_111 : i32 to index
      %get3A_235 = arith.constant 96 : index
      %get3A_236 = tpu.vector_load %get3A_233[%get3A_234, %get3A_235] {strides = array<i32>} : memref<56x768xf32, #tpu.memory_space<vmem>>, vector<1x16xf32>,
      %get3A_237 = vector.shape_cast %get3A_236 : vector<1x16xf32> to vector<16xf32>
      %mul3A_238 = arith.constant 27.7128124 : f32
      %mul3A_239 = vector.broadcast %mul3A_238 : f32 to vector<16xf32>
      %mul3A_240 = arith.mulf %get3A_237, %mul3A_239 : vector<16xf32>
      %swap3A_241 = arith.constant 0 : i32
      %swap3A_242 = arith.constant 0 : i32
      %swap3A_243 = tpu.memref_slice %arg6[%scan3A_53, %swap3A_241, %swap3A_242] : memref<3x56x768xf32, #tpu.memory_space<vmem>> -> memref<1x56x768xf32, #tpu.memory_space<vmem>>
      %swap3A_244 = tpu.memref_squeeze %swap3A_243 : memref<1x56x768xf32, #tpu.memory_space<vmem>> -> memref<56x768xf32, #tpu.memory_space<vmem>>
      %swap3A_245 = arith.index_cast %scan3A_111 : i32 to index
      %swap3A_246 = arith.constant 96 : index
      %swap3A_247 = tpu.vector_load %swap3A_244[%swap3A_245, %swap3A_246] {strides = array<i32>} : memref<56x768xf32, #tpu.memory_space<vmem>>, vector<1x16xf32>,
      %swap3A_248 = vector.shape_cast %swap3A_247 : vector<1x16xf32> to vector<16xf32>
      %swap3A_249 = vector.shape_cast %mul3A_240 : vector<16xf32> to vector<1x16xf32>
      tpu.vector_store %swap3A_244[%swap3A_245, %swap3A_246], %swap3A_249 {strides = array<i32>} : memref<56x768xf32, #tpu.memory_space<vmem>>, vector<1x16xf32>,
      %get3A_250 = arith.constant 0 : i32
      %get3A_251 = arith.constant 0 : i32
      %get3A_252 = tpu.memref_slice %arg6[%scan3A_53, %get3A_250, %get3A_251] : memref<3x56x768xf32, #tpu.memory_space<vmem>> -> memref<1x56x768xf32, #tpu.memory_space<vmem>>
      %get3A_253 = tpu.memref_squeeze %get3A_252 : memref<1x56x768xf32, #tpu.memory_space<vmem>> -> memref<56x768xf32, #tpu.memory_space<vmem>>
      %get3A_254 = arith.index_cast %scan3A_111 : i32 to index
      %get3A_255 = arith.constant 112 : index
      %get3A_256 = tpu.vector_load %get3A_253[%get3A_254, %get3A_255] {strides = array<i32>} : memref<56x768xf32, #tpu.memory_space<vmem>>, vector<1x16xf32>,
      %get3A_257 = vector.shape_cast %get3A_256 : vector<1x16xf32> to vector<16xf32>
      %mul3A_258 = arith.constant 27.7128124 : f32
      %mul3A_259 = vector.broadcast %mul3A_258 : f32 to vector<16xf32>
      %mul3A_260 = arith.mulf %get3A_257, %mul3A_259 : vector<16xf32>
      %swap3A_261 = arith.constant 0 : i32
      %swap3A_262 = arith.constant 0 : i32
      %swap3A_263 = tpu.memref_slice %arg6[%scan3A_53, %swap3A_261, %swap3A_262] : memref<3x56x768xf32, #tpu.memory_space<vmem>> -> memref<1x56x768xf32, #tpu.memory_space<vmem>>
      %swap3A_264 = tpu.memref_squeeze %swap3A_263 : memref<1x56x768xf32, #tpu.memory_space<vmem>> -> memref<56x768xf32, #tpu.memory_space<vmem>>
      %swap3A_265 = arith.index_cast %scan3A_111 : i32 to index
      %swap3A_266 = arith.constant 112 : index
      %swap3A_267 = tpu.vector_load %swap3A_264[%swap3A_265, %swap3A_266] {strides = array<i32>} : memref<56x768xf32, #tpu.memory_space<vmem>>, vector<1x16xf32>,
      %swap3A_268 = vector.shape_cast %swap3A_267 : vector<1x16xf32> to vector<16xf32>
      %swap3A_269 = vector.shape_cast %mul3A_260 : vector<16xf32> to vector<1x16xf32>
      tpu.vector_store %swap3A_264[%swap3A_265, %swap3A_266], %swap3A_269 {strides = array<i32>} : memref<56x768xf32, #tpu.memory_space<vmem>>, vector<1x16xf32>,
      %get3A_270 = arith.constant 0 : i32
      %get3A_271 = arith.constant 0 : i32
      %get3A_272 = tpu.memref_slice %arg6[%scan3A_53, %get3A_270, %get3A_271] : memref<3x56x768xf32, #tpu.memory_space<vmem>> -> memref<1x56x768xf32, #tpu.memory_space<vmem>>
      %get3A_273 = tpu.memref_squeeze %get3A_272 : memref<1x56x768xf32, #tpu.memory_space<vmem>> -> memref<56x768xf32, #tpu.memory_space<vmem>>
      %get3A_274 = arith.index_cast %scan3A_111 : i32 to index
      %get3A_275 = arith.constant 128 : index
      %get3A_276 = tpu.vector_load %get3A_273[%get3A_274, %get3A_275] {strides = array<i32>} : memref<56x768xf32, #tpu.memory_space<vmem>>, vector<1x16xf32>,
      %get3A_277 = vector.shape_cast %get3A_276 : vector<1x16xf32> to vector<16xf32>
      %mul3A_278 = arith.constant 27.7128124 : f32
      %mul3A_279 = vector.broadcast %mul3A_278 : f32 to vector<16xf32>
      %mul3A_280 = arith.mulf %get3A_277, %mul3A_279 : vector<16xf32>
      %swap3A_281 = arith.constant 0 : i32
      %swap3A_282 = arith.constant 0 : i32
      %swap3A_283 = tpu.memref_slice %arg6[%scan3A_53, %swap3A_281, %swap3A_282] : memref<3x56x768xf32, #tpu.memory_space<vmem>> -> memref<1x56x768xf32, #tpu.memory_space<vmem>>
      %swap3A_284 = tpu.memref_squeeze %swap3A_283 : memref<1x56x768xf32, #tpu.memory_space<vmem>> -> memref<56x768xf32, #tpu.memory_space<vmem>>
      %swap3A_285 = arith.index_cast %scan3A_111 : i32 to index
      %swap3A_286 = arith.constant 128 : index
      %swap3A_287 = tpu.vector_load %swap3A_284[%swap3A_285, %swap3A_286] {strides = array<i32>} : memref<56x768xf32, #tpu.memory_space<vmem>>, vector<1x16xf32>,
      %swap3A_288 = vector.shape_cast %swap3A_287 : vector<1x16xf32> to vector<16xf32>
      %swap3A_289 = vector.shape_cast %mul3A_280 : vector<16xf32> to vector<1x16xf32>
      tpu.vector_store %swap3A_284[%swap3A_285, %swap3A_286], %swap3A_289 {strides = array<i32>} : memref<56x768xf32, #tpu.memory_space<vmem>>, vector<1x16xf32>,
      %get3A_290 = arith.constant 0 : i32
      %get3A_291 = arith.constant 0 : i32
      %get3A_292 = tpu.memref_slice %arg6[%scan3A_53, %get3A_290, %get3A_291] : memref<3x56x768xf32, #tpu.memory_space<vmem>> -> memref<1x56x768xf32, #tpu.memory_space<vmem>>
      %get3A_293 = tpu.memref_squeeze %get3A_292 : memref<1x56x768xf32, #tpu.memory_space<vmem>> -> memref<56x768xf32, #tpu.memory_space<vmem>>
      %get3A_294 = arith.index_cast %scan3A_111 : i32 to index
      %get3A_295 = arith.constant 144 : index
      %get3A_296 = tpu.vector_load %get3A_293[%get3A_294, %get3A_295] {strides = array<i32>} : memref<56x768xf32, #tpu.memory_space<vmem>>, vector<1x16xf32>,
      %get3A_297 = vector.shape_cast %get3A_296 : vector<1x16xf32> to vector<16xf32>
      %mul3A_298 = arith.constant 27.7128124 : f32
      %mul3A_299 = vector.broadcast %mul3A_298 : f32 to vector<16xf32>
      %mul3A_300 = arith.mulf %get3A_297, %mul3A_299 : vector<16xf32>
      %swap3A_301 = arith.constant 0 : i32
      %swap3A_302 = arith.constant 0 : i32
      %swap3A_303 = tpu.memref_slice %arg6[%scan3A_53, %swap3A_301, %swap3A_302] : memref<3x56x768xf32, #tpu.memory_space<vmem>> -> memref<1x56x768xf32, #tpu.memory_space<vmem>>
      %swap3A_304 = tpu.memref_squeeze %swap3A_303 : memref<1x56x768xf32, #tpu.memory_space<vmem>> -> memref<56x768xf32, #tpu.memory_space<vmem>>
      %swap3A_305 = arith.index_cast %scan3A_111 : i32 to index
      %swap3A_306 = arith.constant 144 : index
      %swap3A_307 = tpu.vector_load %swap3A_304[%swap3A_305, %swap3A_306] {strides = array<i32>} : memref<56x768xf32, #tpu.memory_space<vmem>>, vector<1x16xf32>,
      %swap3A_308 = vector.shape_cast %swap3A_307 : vector<1x16xf32> to vector<16xf32>
      %swap3A_309 = vector.shape_cast %mul3A_300 : vector<16xf32> to vector<1x16xf32>
      tpu.vector_store %swap3A_304[%swap3A_305, %swap3A_306], %swap3A_309 {strides = array<i32>} : memref<56x768xf32, #tpu.memory_space<vmem>>, vector<1x16xf32>,
      %get3A_310 = arith.constant 0 : i32
      %get3A_311 = arith.constant 0 : i32
      %get3A_312 = tpu.memref_slice %arg6[%scan3A_53, %get3A_310, %get3A_311] : memref<3x56x768xf32, #tpu.memory_space<vmem>> -> memref<1x56x768xf32, #tpu.memory_space<vmem>>
      %get3A_313 = tpu.memref_squeeze %get3A_312 : memref<1x56x768xf32, #tpu.memory_space<vmem>> -> memref<56x768xf32, #tpu.memory_space<vmem>>
      %get3A_314 = arith.index_cast %scan3A_111 : i32 to index
      %get3A_315 = arith.constant 160 : index
      %get3A_316 = tpu.vector_load %get3A_313[%get3A_314, %get3A_315] {strides = array<i32>} : memref<56x768xf32, #tpu.memory_space<vmem>>, vector<1x16xf32>,
      %get3A_317 = vector.shape_cast %get3A_316 : vector<1x16xf32> to vector<16xf32>
      %mul3A_318 = arith.constant 27.7128124 : f32
      %mul3A_319 = vector.broadcast %mul3A_318 : f32 to vector<16xf32>
      %mul3A_320 = arith.mulf %get3A_317, %mul3A_319 : vector<16xf32>
      %swap3A_321 = arith.constant 0 : i32
      %swap3A_322 = arith.constant 0 : i32
      %swap3A_323 = tpu.memref_slice %arg6[%scan3A_53, %swap3A_321, %swap3A_322] : memref<3x56x768xf32, #tpu.memory_space<vmem>> -> memref<1x56x768xf32, #tpu.memory_space<vmem>>
      %swap3A_324 = tpu.memref_squeeze %swap3A_323 : memref<1x56x768xf32, #tpu.memory_space<vmem>> -> memref<56x768xf32, #tpu.memory_space<vmem>>
      %swap3A_325 = arith.index_cast %scan3A_111 : i32 to index
      %swap3A_326 = arith.constant 160 : index
      %swap3A_327 = tpu.vector_load %swap3A_324[%swap3A_325, %swap3A_326] {strides = array<i32>} : memref<56x768xf32, #tpu.memory_space<vmem>>, vector<1x16xf32>,
      %swap3A_328 = vector.shape_cast %swap3A_327 : vector<1x16xf32> to vector<16xf32>
      %swap3A_329 = vector.shape_cast %mul3A_320 : vector<16xf32> to vector<1x16xf32>
      tpu.vector_store %swap3A_324[%swap3A_325, %swap3A_326], %swap3A_329 {strides = array<i32>} : memref<56x768xf32, #tpu.memory_space<vmem>>, vector<1x16xf32>,
      %get3A_330 = arith.constant 0 : i32
      %get3A_331 = arith.constant 0 : i32
      %get3A_332 = tpu.memref_slice %arg6[%scan3A_53, %get3A_330, %get3A_331] : memref<3x56x768xf32, #tpu.memory_space<vmem>> -> memref<1x56x768xf32, #tpu.memory_space<vmem>>
      %get3A_333 = tpu.memref_squeeze %get3A_332 : memref<1x56x768xf32, #tpu.memory_space<vmem>> -> memref<56x768xf32, #tpu.memory_space<vmem>>
      %get3A_334 = arith.index_cast %scan3A_111 : i32 to index
      %get3A_335 = arith.constant 176 : index
      %get3A_336 = tpu.vector_load %get3A_333[%get3A_334, %get3A_335] {strides = array<i32>} : memref<56x768xf32, #tpu.memory_space<vmem>>, vector<1x16xf32>,
      %get3A_337 = vector.shape_cast %get3A_336 : vector<1x16xf32> to vector<16xf32>
      %mul3A_338 = arith.constant 27.7128124 : f32
      %mul3A_339 = vector.broadcast %mul3A_338 : f32 to vector<16xf32>
      %mul3A_340 = arith.mulf %get3A_337, %mul3A_339 : vector<16xf32>
      %swap3A_341 = arith.constant 0 : i32
      %swap3A_342 = arith.constant 0 : i32
      %swap3A_343 = tpu.memref_slice %arg6[%scan3A_53, %swap3A_341, %swap3A_342] : memref<3x56x768xf32, #tpu.memory_space<vmem>> -> memref<1x56x768xf32, #tpu.memory_space<vmem>>
      %swap3A_344 = tpu.memref_squeeze %swap3A_343 : memref<1x56x768xf32, #tpu.memory_space<vmem>> -> memref<56x768xf32, #tpu.memory_space<vmem>>
      %swap3A_345 = arith.index_cast %scan3A_111 : i32 to index
      %swap3A_346 = arith.constant 176 : index
      %swap3A_347 = tpu.vector_load %swap3A_344[%swap3A_345, %swap3A_346] {strides = array<i32>} : memref<56x768xf32, #tpu.memory_space<vmem>>, vector<1x16xf32>,
      %swap3A_348 = vector.shape_cast %swap3A_347 : vector<1x16xf32> to vector<16xf32>
      %swap3A_349 = vector.shape_cast %mul3A_340 : vector<16xf32> to vector<1x16xf32>
      tpu.vector_store %swap3A_344[%swap3A_345, %swap3A_346], %swap3A_349 {strides = array<i32>} : memref<56x768xf32, #tpu.memory_space<vmem>>, vector<1x16xf32>,
      %get3A_350 = arith.constant 0 : i32
      %get3A_351 = arith.constant 0 : i32
      %get3A_352 = tpu.memref_slice %arg6[%scan3A_53, %get3A_350, %get3A_351] : memref<3x56x768xf32, #tpu.memory_space<vmem>> -> memref<1x56x768xf32, #tpu.memory_space<vmem>>
      %get3A_353 = tpu.memref_squeeze %get3A_352 : memref<1x56x768xf32, #tpu.memory_space<vmem>> -> memref<56x768xf32, #tpu.memory_space<vmem>>
      %get3A_354 = arith.index_cast %scan3A_111 : i32 to index
      %get3A_355 = arith.constant 192 : index
      %get3A_356 = tpu.vector_load %get3A_353[%get3A_354, %get3A_355] {strides = array<i32>} : memref<56x768xf32, #tpu.memory_space<vmem>>, vector<1x16xf32>,
      %get3A_357 = vector.shape_cast %get3A_356 : vector<1x16xf32> to vector<16xf32>
      %mul3A_358 = arith.constant 27.7128124 : f32
      %mul3A_359 = vector.broadcast %mul3A_358 : f32 to vector<16xf32>
      %mul3A_360 = arith.mulf %get3A_357, %mul3A_359 : vector<16xf32>
      %swap3A_361 = arith.constant 0 : i32
      %swap3A_362 = arith.constant 0 : i32
      %swap3A_363 = tpu.memref_slice %arg6[%scan3A_53, %swap3A_361, %swap3A_362] : memref<3x56x768xf32, #tpu.memory_space<vmem>> -> memref<1x56x768xf32, #tpu.memory_space<vmem>>
      %swap3A_364 = tpu.memref_squeeze %swap3A_363 : memref<1x56x768xf32, #tpu.memory_space<vmem>> -> memref<56x768xf32, #tpu.memory_space<vmem>>
      %swap3A_365 = arith.index_cast %scan3A_111 : i32 to index
      %swap3A_366 = arith.constant 192 : index
      %swap3A_367 = tpu.vector_load %swap3A_364[%swap3A_365, %swap3A_366] {strides = array<i32>} : memref<56x768xf32, #tpu.memory_space<vmem>>, vector<1x16xf32>,
      %swap3A_368 = vector.shape_cast %swap3A_367 : vector<1x16xf32> to vector<16xf32>
      %swap3A_369 = vector.shape_cast %mul3A_360 : vector<16xf32> to vector<1x16xf32>
      tpu.vector_store %swap3A_364[%swap3A_365, %swap3A_366], %swap3A_369 {strides = array<i32>} : memref<56x768xf32, #tpu.memory_space<vmem>>, vector<1x16xf32>,
      %get3A_370 = arith.constant 0 : i32
      %get3A_371 = arith.constant 0 : i32
      %get3A_372 = tpu.memref_slice %arg6[%scan3A_53, %get3A_370, %get3A_371] : memref<3x56x768xf32, #tpu.memory_space<vmem>> -> memref<1x56x768xf32, #tpu.memory_space<vmem>>
      %get3A_373 = tpu.memref_squeeze %get3A_372 : memref<1x56x768xf32, #tpu.memory_space<vmem>> -> memref<56x768xf32, #tpu.memory_space<vmem>>
      %get3A_374 = arith.index_cast %scan3A_111 : i32 to index
      %get3A_375 = arith.constant 208 : index
      %get3A_376 = tpu.vector_load %get3A_373[%get3A_374, %get3A_375] {strides = array<i32>} : memref<56x768xf32, #tpu.memory_space<vmem>>, vector<1x16xf32>,
      %get3A_377 = vector.shape_cast %get3A_376 : vector<1x16xf32> to vector<16xf32>
      %mul3A_378 = arith.constant 27.7128124 : f32
      %mul3A_379 = vector.broadcast %mul3A_378 : f32 to vector<16xf32>
      %mul3A_380 = arith.mulf %get3A_377, %mul3A_379 : vector<16xf32>
      %swap3A_381 = arith.constant 0 : i32
      %swap3A_382 = arith.constant 0 : i32
      %swap3A_383 = tpu.memref_slice %arg6[%scan3A_53, %swap3A_381, %swap3A_382] : memref<3x56x768xf32, #tpu.memory_space<vmem>> -> memref<1x56x768xf32, #tpu.memory_space<vmem>>
      %swap3A_384 = tpu.memref_squeeze %swap3A_383 : memref<1x56x768xf32, #tpu.memory_space<vmem>> -> memref<56x768xf32, #tpu.memory_space<vmem>>
      %swap3A_385 = arith.index_cast %scan3A_111 : i32 to index
      %swap3A_386 = arith.constant 208 : index
      %swap3A_387 = tpu.vector_load %swap3A_384[%swap3A_385, %swap3A_386] {strides = array<i32>} : memref<56x768xf32, #tpu.memory_space<vmem>>, vector<1x16xf32>,
      %swap3A_388 = vector.shape_cast %swap3A_387 : vector<1x16xf32> to vector<16xf32>
      %swap3A_389 = vector.shape_cast %mul3A_380 : vector<16xf32> to vector<1x16xf32>
      tpu.vector_store %swap3A_384[%swap3A_385, %swap3A_386], %swap3A_389 {strides = array<i32>} : memref<56x768xf32, #tpu.memory_space<vmem>>, vector<1x16xf32>,
      %get3A_390 = arith.constant 0 : i32
      %get3A_391 = arith.constant 0 : i32
      %get3A_392 = tpu.memref_slice %arg6[%scan3A_53, %get3A_390, %get3A_391] : memref<3x56x768xf32, #tpu.memory_space<vmem>> -> memref<1x56x768xf32, #tpu.memory_space<vmem>>
      %get3A_393 = tpu.memref_squeeze %get3A_392 : memref<1x56x768xf32, #tpu.memory_space<vmem>> -> memref<56x768xf32, #tpu.memory_space<vmem>>
      %get3A_394 = arith.index_cast %scan3A_111 : i32 to index
      %get3A_395 = arith.constant 224 : index
      %get3A_396 = tpu.vector_load %get3A_393[%get3A_394, %get3A_395] {strides = array<i32>} : memref<56x768xf32, #tpu.memory_space<vmem>>, vector<1x16xf32>,
      %get3A_397 = vector.shape_cast %get3A_396 : vector<1x16xf32> to vector<16xf32>
      %mul3A_398 = arith.constant 27.7128124 : f32
      %mul3A_399 = vector.broadcast %mul3A_398 : f32 to vector<16xf32>
      %mul3A_400 = arith.mulf %get3A_397, %mul3A_399 : vector<16xf32>
      %swap3A_401 = arith.constant 0 : i32
      %swap3A_402 = arith.constant 0 : i32
      %swap3A_403 = tpu.memref_slice %arg6[%scan3A_53, %swap3A_401, %swap3A_402] : memref<3x56x768xf32, #tpu.memory_space<vmem>> -> memref<1x56x768xf32, #tpu.memory_space<vmem>>
      %swap3A_404 = tpu.memref_squeeze %swap3A_403 : memref<1x56x768xf32, #tpu.memory_space<vmem>> -> memref<56x768xf32, #tpu.memory_space<vmem>>
      %swap3A_405 = arith.index_cast %scan3A_111 : i32 to index
      %swap3A_406 = arith.constant 224 : index
      %swap3A_407 = tpu.vector_load %swap3A_404[%swap3A_405, %swap3A_406] {strides = array<i32>} : memref<56x768xf32, #tpu.memory_space<vmem>>, vector<1x16xf32>,
      %swap3A_408 = vector.shape_cast %swap3A_407 : vector<1x16xf32> to vector<16xf32>
      %swap3A_409 = vector.shape_cast %mul3A_400 : vector<16xf32> to vector<1x16xf32>
      tpu.vector_store %swap3A_404[%swap3A_405, %swap3A_406], %swap3A_409 {strides = array<i32>} : memref<56x768xf32, #tpu.memory_space<vmem>>, vector<1x16xf32>,
      %get3A_410 = arith.constant 0 : i32
      %get3A_411 = arith.constant 0 : i32
      %get3A_412 = tpu.memref_slice %arg6[%scan3A_53, %get3A_410, %get3A_411] : memref<3x56x768xf32, #tpu.memory_space<vmem>> -> memref<1x56x768xf32, #tpu.memory_space<vmem>>
      %get3A_413 = tpu.memref_squeeze %get3A_412 : memref<1x56x768xf32, #tpu.memory_space<vmem>> -> memref<56x768xf32, #tpu.memory_space<vmem>>
      %get3A_414 = arith.index_cast %scan3A_111 : i32 to index
      %get3A_415 = arith.constant 240 : index
      %get3A_416 = tpu.vector_load %get3A_413[%get3A_414, %get3A_415] {strides = array<i32>} : memref<56x768xf32, #tpu.memory_space<vmem>>, vector<1x16xf32>,
      %get3A_417 = vector.shape_cast %get3A_416 : vector<1x16xf32> to vector<16xf32>
      %mul3A_418 = arith.constant 27.7128124 : f32
      %mul3A_419 = vector.broadcast %mul3A_418 : f32 to vector<16xf32>
      %mul3A_420 = arith.mulf %get3A_417, %mul3A_419 : vector<16xf32>
      %swap3A_421 = arith.constant 0 : i32
      %swap3A_422 = arith.constant 0 : i32
      %swap3A_423 = tpu.memref_slice %arg6[%scan3A_53, %swap3A_421, %swap3A_422] : memref<3x56x768xf32, #tpu.memory_space<vmem>> -> memref<1x56x768xf32, #tpu.memory_space<vmem>>
      %swap3A_424 = tpu.memref_squeeze %swap3A_423 : memref<1x56x768xf32, #tpu.memory_space<vmem>> -> memref<56x768xf32, #tpu.memory_space<vmem>>
      %swap3A_425 = arith.index_cast %scan3A_111 : i32 to index
      %swap3A_426 = arith.constant 240 : index
      %swap3A_427 = tpu.vector_load %swap3A_424[%swap3A_425, %swap3A_426] {strides = array<i32>} : memref<56x768xf32, #tpu.memory_space<vmem>>, vector<1x16xf32>,
      %swap3A_428 = vector.shape_cast %swap3A_427 : vector<1x16xf32> to vector<16xf32>
      %swap3A_429 = vector.shape_cast %mul3A_420 : vector<16xf32> to vector<1x16xf32>
      tpu.vector_store %swap3A_424[%swap3A_425, %swap3A_426], %swap3A_429 {strides = array<i32>} : memref<56x768xf32, #tpu.memory_space<vmem>>, vector<1x16xf32>,
      %get3A_430 = arith.constant 0 : i32
      %get3A_431 = arith.constant 0 : i32
      %get3A_432 = tpu.memref_slice %arg6[%scan3A_53, %get3A_430, %get3A_431] : memref<3x56x768xf32, #tpu.memory_space<vmem>> -> memref<1x56x768xf32, #tpu.memory_space<vmem>>
      %get3A_433 = tpu.memref_squeeze %get3A_432 : memref<1x56x768xf32, #tpu.memory_space<vmem>> -> memref<56x768xf32, #tpu.memory_space<vmem>>
      %get3A_434 = arith.index_cast %scan3A_111 : i32 to index
      %get3A_435 = arith.constant 256 : index
      %get3A_436 = tpu.vector_load %get3A_433[%get3A_434, %get3A_435] {strides = array<i32>} : memref<56x768xf32, #tpu.memory_space<vmem>>, vector<1x16xf32>,
      %get3A_437 = vector.shape_cast %get3A_436 : vector<1x16xf32> to vector<16xf32>
      %mul3A_438 = arith.constant 27.7128124 : f32
      %mul3A_439 = vector.broadcast %mul3A_438 : f32 to vector<16xf32>
      %mul3A_440 = arith.mulf %get3A_437, %mul3A_439 : vector<16xf32>
      %swap3A_441 = arith.constant 0 : i32
      %swap3A_442 = arith.constant 0 : i32
      %swap3A_443 = tpu.memref_slice %arg6[%scan3A_53, %swap3A_441, %swap3A_442] : memref<3x56x768xf32, #tpu.memory_space<vmem>> -> memref<1x56x768xf32, #tpu.memory_space<vmem>>
      %swap3A_444 = tpu.memref_squeeze %swap3A_443 : memref<1x56x768xf32, #tpu.memory_space<vmem>> -> memref<56x768xf32, #tpu.memory_space<vmem>>
      %swap3A_445 = arith.index_cast %scan3A_111 : i32 to index
      %swap3A_446 = arith.constant 256 : index
      %swap3A_447 = tpu.vector_load %swap3A_444[%swap3A_445, %swap3A_446] {strides = array<i32>} : memref<56x768xf32, #tpu.memory_space<vmem>>, vector<1x16xf32>,
      %swap3A_448 = vector.shape_cast %swap3A_447 : vector<1x16xf32> to vector<16xf32>
      %swap3A_449 = vector.shape_cast %mul3A_440 : vector<16xf32> to vector<1x16xf32>
      tpu.vector_store %swap3A_444[%swap3A_445, %swap3A_446], %swap3A_449 {strides = array<i32>} : memref<56x768xf32, #tpu.memory_space<vmem>>, vector<1x16xf32>,
      %get3A_450 = arith.constant 0 : i32
      %get3A_451 = arith.constant 0 : i32
      %get3A_452 = tpu.memref_slice %arg6[%scan3A_53, %get3A_450, %get3A_451] : memref<3x56x768xf32, #tpu.memory_space<vmem>> -> memref<1x56x768xf32, #tpu.memory_space<vmem>>
      %get3A_453 = tpu.memref_squeeze %get3A_452 : memref<1x56x768xf32, #tpu.memory_space<vmem>> -> memref<56x768xf32, #tpu.memory_space<vmem>>
      %get3A_454 = arith.index_cast %scan3A_111 : i32 to index
      %get3A_455 = arith.constant 272 : index
      %get3A_456 = tpu.vector_load %get3A_453[%get3A_454, %get3A_455] {strides = array<i32>} : memref<56x768xf32, #tpu.memory_space<vmem>>, vector<1x16xf32>,
      %get3A_457 = vector.shape_cast %get3A_456 : vector<1x16xf32> to vector<16xf32>
      %mul3A_458 = arith.constant 27.7128124 : f32
      %mul3A_459 = vector.broadcast %mul3A_458 : f32 to vector<16xf32>
      %mul3A_460 = arith.mulf %get3A_457, %mul3A_459 : vector<16xf32>
      %swap3A_461 = arith.constant 0 : i32
      %swap3A_462 = arith.constant 0 : i32
      %swap3A_463 = tpu.memref_slice %arg6[%scan3A_53, %swap3A_461, %swap3A_462] : memref<3x56x768xf32, #tpu.memory_space<vmem>> -> memref<1x56x768xf32, #tpu.memory_space<vmem>>
      %swap3A_464 = tpu.memref_squeeze %swap3A_463 : memref<1x56x768xf32, #tpu.memory_space<vmem>> -> memref<56x768xf32, #tpu.memory_space<vmem>>
      %swap3A_465 = arith.index_cast %scan3A_111 : i32 to index
      %swap3A_466 = arith.constant 272 : index
      %swap3A_467 = tpu.vector_load %swap3A_464[%swap3A_465, %swap3A_466] {strides = array<i32>} : memref<56x768xf32, #tpu.memory_space<vmem>>, vector<1x16xf32>,
      %swap3A_468 = vector.shape_cast %swap3A_467 : vector<1x16xf32> to vector<16xf32>
      %swap3A_469 = vector.shape_cast %mul3A_460 : vector<16xf32> to vector<1x16xf32>
      tpu.vector_store %swap3A_464[%swap3A_465, %swap3A_466], %swap3A_469 {strides = array<i32>} : memref<56x768xf32, #tpu.memory_space<vmem>>, vector<1x16xf32>,
      %get3A_470 = arith.constant 0 : i32
      %get3A_471 = arith.constant 0 : i32
      %get3A_472 = tpu.memref_slice %arg6[%scan3A_53, %get3A_470, %get3A_471] : memref<3x56x768xf32, #tpu.memory_space<vmem>> -> memref<1x56x768xf32, #tpu.memory_space<vmem>>
      %get3A_473 = tpu.memref_squeeze %get3A_472 : memref<1x56x768xf32, #tpu.memory_space<vmem>> -> memref<56x768xf32, #tpu.memory_space<vmem>>
      %get3A_474 = arith.index_cast %scan3A_111 : i32 to index
      %get3A_475 = arith.constant 288 : index
      %get3A_476 = tpu.vector_load %get3A_473[%get3A_474, %get3A_475] {strides = array<i32>} : memref<56x768xf32, #tpu.memory_space<vmem>>, vector<1x16xf32>,
      %get3A_477 = vector.shape_cast %get3A_476 : vector<1x16xf32> to vector<16xf32>
      %mul3A_478 = arith.constant 27.7128124 : f32
      %mul3A_479 = vector.broadcast %mul3A_478 : f32 to vector<16xf32>
      %mul3A_480 = arith.mulf %get3A_477, %mul3A_479 : vector<16xf32>
      %swap3A_481 = arith.constant 0 : i32
      %swap3A_482 = arith.constant 0 : i32
      %swap3A_483 = tpu.memref_slice %arg6[%scan3A_53, %swap3A_481, %swap3A_482] : memref<3x56x768xf32, #tpu.memory_space<vmem>> -> memref<1x56x768xf32, #tpu.memory_space<vmem>>
      %swap3A_484 = tpu.memref_squeeze %swap3A_483 : memref<1x56x768xf32, #tpu.memory_space<vmem>> -> memref<56x768xf32, #tpu.memory_space<vmem>>
      %swap3A_485 = arith.index_cast %scan3A_111 : i32 to index
      %swap3A_486 = arith.constant 288 : index
      %swap3A_487 = tpu.vector_load %swap3A_484[%swap3A_485, %swap3A_486] {strides = array<i32>} : memref<56x768xf32, #tpu.memory_space<vmem>>, vector<1x16xf32>,
      %swap3A_488 = vector.shape_cast %swap3A_487 : vector<1x16xf32> to vector<16xf32>
      %swap3A_489 = vector.shape_cast %mul3A_480 : vector<16xf32> to vector<1x16xf32>
      tpu.vector_store %swap3A_484[%swap3A_485, %swap3A_486], %swap3A_489 {strides = array<i32>} : memref<56x768xf32, #tpu.memory_space<vmem>>, vector<1x16xf32>,
      %get3A_490 = arith.constant 0 : i32
      %get3A_491 = arith.constant 0 : i32
      %get3A_492 = tpu.memref_slice %arg6[%scan3A_53, %get3A_490, %get3A_491] : memref<3x56x768xf32, #tpu.memory_space<vmem>> -> memref<1x56x768xf32, #tpu.memory_space<vmem>>
      %get3A_493 = tpu.memref_squeeze %get3A_492 : memref<1x56x768xf32, #tpu.memory_space<vmem>> -> memref<56x768xf32, #tpu.memory_space<vmem>>
      %get3A_494 = arith.index_cast %scan3A_111 : i32 to index
      %get3A_495 = arith.constant 304 : index
      %get3A_496 = tpu.vector_load %get3A_493[%get3A_494, %get3A_495] {strides = array<i32>} : memref<56x768xf32, #tpu.memory_space<vmem>>, vector<1x16xf32>,
      %get3A_497 = vector.shape_cast %get3A_496 : vector<1x16xf32> to vector<16xf32>
      %mul3A_498 = arith.constant 27.7128124 : f32
      %mul3A_499 = vector.broadcast %mul3A_498 : f32 to vector<16xf32>
      %mul3A_500 = arith.mulf %get3A_497, %mul3A_499 : vector<16xf32>
      %swap3A_501 = arith.constant 0 : i32
      %swap3A_502 = arith.constant 0 : i32
      %swap3A_503 = tpu.memref_slice %arg6[%scan3A_53, %swap3A_501, %swap3A_502] : memref<3x56x768xf32, #tpu.memory_space<vmem>> -> memref<1x56x768xf32, #tpu.memory_space<vmem>>
      %swap3A_504 = tpu.memref_squeeze %swap3A_503 : memref<1x56x768xf32, #tpu.memory_space<vmem>> -> memref<56x768xf32, #tpu.memory_space<vmem>>
      %swap3A_505 = arith.index_cast %scan3A_111 : i32 to index
      %swap3A_506 = arith.constant 304 : index
      %swap3A_507 = tpu.vector_load %swap3A_504[%swap3A_505, %swap3A_506] {strides = array<i32>} : memref<56x768xf32, #tpu.memory_space<vmem>>, vector<1x16xf32>,
      %swap3A_508 = vector.shape_cast %swap3A_507 : vector<1x16xf32> to vector<16xf32>
      %swap3A_509 = vector.shape_cast %mul3A_500 : vector<16xf32> to vector<1x16xf32>
      tpu.vector_store %swap3A_504[%swap3A_505, %swap3A_506], %swap3A_509 {strides = array<i32>} : memref<56x768xf32, #tpu.memory_space<vmem>>, vector<1x16xf32>,
      %get3A_510 = arith.constant 0 : i32
      %get3A_511 = arith.constant 0 : i32
      %get3A_512 = tpu.memref_slice %arg6[%scan3A_53, %get3A_510, %get3A_511] : memref<3x56x768xf32, #tpu.memory_space<vmem>> -> memref<1x56x768xf32, #tpu.memory_space<vmem>>
      %get3A_513 = tpu.memref_squeeze %get3A_512 : memref<1x56x768xf32, #tpu.memory_space<vmem>> -> memref<56x768xf32, #tpu.memory_space<vmem>>
      %get3A_514 = arith.index_cast %scan3A_111 : i32 to index
      %get3A_515 = arith.constant 320 : index
      %get3A_516 = tpu.vector_load %get3A_513[%get3A_514, %get3A_515] {strides = array<i32>} : memref<56x768xf32, #tpu.memory_space<vmem>>, vector<1x16xf32>,
      %get3A_517 = vector.shape_cast %get3A_516 : vector<1x16xf32> to vector<16xf32>
      %mul3A_518 = arith.constant 27.7128124 : f32
      %mul3A_519 = vector.broadcast %mul3A_518 : f32 to vector<16xf32>
      %mul3A_520 = arith.mulf %get3A_517, %mul3A_519 : vector<16xf32>
      %swap3A_521 = arith.constant 0 : i32
      %swap3A_522 = arith.constant 0 : i32
      %swap3A_523 = tpu.memref_slice %arg6[%scan3A_53, %swap3A_521, %swap3A_522] : memref<3x56x768xf32, #tpu.memory_space<vmem>> -> memref<1x56x768xf32, #tpu.memory_space<vmem>>
      %swap3A_524 = tpu.memref_squeeze %swap3A_523 : memref<1x56x768xf32, #tpu.memory_space<vmem>> -> memref<56x768xf32, #tpu.memory_space<vmem>>
      %swap3A_525 = arith.index_cast %scan3A_111 : i32 to index
      %swap3A_526 = arith.constant 320 : index
      %swap3A_527 = tpu.vector_load %swap3A_524[%swap3A_525, %swap3A_526] {strides = array<i32>} : memref<56x768xf32, #tpu.memory_space<vmem>>, vector<1x16xf32>,
      %swap3A_528 = vector.shape_cast %swap3A_527 : vector<1x16xf32> to vector<16xf32>
      %swap3A_529 = vector.shape_cast %mul3A_520 : vector<16xf32> to vector<1x16xf32>
      tpu.vector_store %swap3A_524[%swap3A_525, %swap3A_526], %swap3A_529 {strides = array<i32>} : memref<56x768xf32, #tpu.memory_space<vmem>>, vector<1x16xf32>,
      %get3A_530 = arith.constant 0 : i32
      %get3A_531 = arith.constant 0 : i32
      %get3A_532 = tpu.memref_slice %arg6[%scan3A_53, %get3A_530, %get3A_531] : memref<3x56x768xf32, #tpu.memory_space<vmem>> -> memref<1x56x768xf32, #tpu.memory_space<vmem>>
      %get3A_533 = tpu.memref_squeeze %get3A_532 : memref<1x56x768xf32, #tpu.memory_space<vmem>> -> memref<56x768xf32, #tpu.memory_space<vmem>>
      %get3A_534 = arith.index_cast %scan3A_111 : i32 to index
      %get3A_535 = arith.constant 336 : index
      %get3A_536 = tpu.vector_load %get3A_533[%get3A_534, %get3A_535] {strides = array<i32>} : memref<56x768xf32, #tpu.memory_space<vmem>>, vector<1x16xf32>,
      %get3A_537 = vector.shape_cast %get3A_536 : vector<1x16xf32> to vector<16xf32>
      %mul3A_538 = arith.constant 27.7128124 : f32
      %mul3A_539 = vector.broadcast %mul3A_538 : f32 to vector<16xf32>
      %mul3A_540 = arith.mulf %get3A_537, %mul3A_539 : vector<16xf32>
      %swap3A_541 = arith.constant 0 : i32
      %swap3A_542 = arith.constant 0 : i32
      %swap3A_543 = tpu.memref_slice %arg6[%scan3A_53, %swap3A_541, %swap3A_542] : memref<3x56x768xf32, #tpu.memory_space<vmem>> -> memref<1x56x768xf32, #tpu.memory_space<vmem>>
      %swap3A_544 = tpu.memref_squeeze %swap3A_543 : memref<1x56x768xf32, #tpu.memory_space<vmem>> -> memref<56x768xf32, #tpu.memory_space<vmem>>
      %swap3A_545 = arith.index_cast %scan3A_111 : i32 to index
      %swap3A_546 = arith.constant 336 : index
      %swap3A_547 = tpu.vector_load %swap3A_544[%swap3A_545, %swap3A_546] {strides = array<i32>} : memref<56x768xf32, #tpu.memory_space<vmem>>, vector<1x16xf32>,
      %swap3A_548 = vector.shape_cast %swap3A_547 : vector<1x16xf32> to vector<16xf32>
      %swap3A_549 = vector.shape_cast %mul3A_540 : vector<16xf32> to vector<1x16xf32>
      tpu.vector_store %swap3A_544[%swap3A_545, %swap3A_546], %swap3A_549 {strides = array<i32>} : memref<56x768xf32, #tpu.memory_space<vmem>>, vector<1x16xf32>,
      %get3A_550 = arith.constant 0 : i32
      %get3A_551 = arith.constant 0 : i32
      %get3A_552 = tpu.memref_slice %arg6[%scan3A_53, %get3A_550, %get3A_551] : memref<3x56x768xf32, #tpu.memory_space<vmem>> -> memref<1x56x768xf32, #tpu.memory_space<vmem>>
      %get3A_553 = tpu.memref_squeeze %get3A_552 : memref<1x56x768xf32, #tpu.memory_space<vmem>> -> memref<56x768xf32, #tpu.memory_space<vmem>>
      %get3A_554 = arith.index_cast %scan3A_111 : i32 to index
      %get3A_555 = arith.constant 352 : index
      %get3A_556 = tpu.vector_load %get3A_553[%get3A_554, %get3A_555] {strides = array<i32>} : memref<56x768xf32, #tpu.memory_space<vmem>>, vector<1x16xf32>,
      %get3A_557 = vector.shape_cast %get3A_556 : vector<1x16xf32> to vector<16xf32>
      %mul3A_558 = arith.constant 27.7128124 : f32
      %mul3A_559 = vector.broadcast %mul3A_558 : f32 to vector<16xf32>
      %mul3A_560 = arith.mulf %get3A_557, %mul3A_559 : vector<16xf32>
      %swap3A_561 = arith.constant 0 : i32
      %swap3A_562 = arith.constant 0 : i32
      %swap3A_563 = tpu.memref_slice %arg6[%scan3A_53, %swap3A_561, %swap3A_562] : memref<3x56x768xf32, #tpu.memory_space<vmem>> -> memref<1x56x768xf32, #tpu.memory_space<vmem>>
      %swap3A_564 = tpu.memref_squeeze %swap3A_563 : memref<1x56x768xf32, #tpu.memory_space<vmem>> -> memref<56x768xf32, #tpu.memory_space<vmem>>
      %swap3A_565 = arith.index_cast %scan3A_111 : i32 to index
      %swap3A_566 = arith.constant 352 : index
      %swap3A_567 = tpu.vector_load %swap3A_564[%swap3A_565, %swap3A_566] {strides = array<i32>} : memref<56x768xf32, #tpu.memory_space<vmem>>, vector<1x16xf32>,
      %swap3A_568 = vector.shape_cast %swap3A_567 : vector<1x16xf32> to vector<16xf32>
      %swap3A_569 = vector.shape_cast %mul3A_560 : vector<16xf32> to vector<1x16xf32>
      tpu.vector_store %swap3A_564[%swap3A_565, %swap3A_566], %swap3A_569 {strides = array<i32>} : memref<56x768xf32, #tpu.memory_space<vmem>>, vector<1x16xf32>,
      %get3A_570 = arith.constant 0 : i32
      %get3A_571 = arith.constant 0 : i32
      %get3A_572 = tpu.memref_slice %arg6[%scan3A_53, %get3A_570, %get3A_571] : memref<3x56x768xf32, #tpu.memory_space<vmem>> -> memref<1x56x768xf32, #tpu.memory_space<vmem>>
      %get3A_573 = tpu.memref_squeeze %get3A_572 : memref<1x56x768xf32, #tpu.memory_space<vmem>> -> memref<56x768xf32, #tpu.memory_space<vmem>>
      %get3A_574 = arith.index_cast %scan3A_111 : i32 to index
      %get3A_575 = arith.constant 368 : index
      %get3A_576 = tpu.vector_load %get3A_573[%get3A_574, %get3A_575] {strides = array<i32>} : memref<56x768xf32, #tpu.memory_space<vmem>>, vector<1x16xf32>,
      %get3A_577 = vector.shape_cast %get3A_576 : vector<1x16xf32> to vector<16xf32>
      %mul3A_578 = arith.constant 27.7128124 : f32
      %mul3A_579 = vector.broadcast %mul3A_578 : f32 to vector<16xf32>
      %mul3A_580 = arith.mulf %get3A_577, %mul3A_579 : vector<16xf32>
      %swap3A_581 = arith.constant 0 : i32
      %swap3A_582 = arith.constant 0 : i32
      %swap3A_583 = tpu.memref_slice %arg6[%scan3A_53, %swap3A_581, %swap3A_582] : memref<3x56x768xf32, #tpu.memory_space<vmem>> -> memref<1x56x768xf32, #tpu.memory_space<vmem>>
      %swap3A_584 = tpu.memref_squeeze %swap3A_583 : memref<1x56x768xf32, #tpu.memory_space<vmem>> -> memref<56x768xf32, #tpu.memory_space<vmem>>
      %swap3A_585 = arith.index_cast %scan3A_111 : i32 to index
      %swap3A_586 = arith.constant 368 : index
      %swap3A_587 = tpu.vector_load %swap3A_584[%swap3A_585, %swap3A_586] {strides = array<i32>} : memref<56x768xf32, #tpu.memory_space<vmem>>, vector<1x16xf32>,
      %swap3A_588 = vector.shape_cast %swap3A_587 : vector<1x16xf32> to vector<16xf32>
      %swap3A_589 = vector.shape_cast %mul3A_580 : vector<16xf32> to vector<1x16xf32>
      tpu.vector_store %swap3A_584[%swap3A_585, %swap3A_586], %swap3A_589 {strides = array<i32>} : memref<56x768xf32, #tpu.memory_space<vmem>>, vector<1x16xf32>,
      %get3A_590 = arith.constant 0 : i32
      %get3A_591 = arith.constant 0 : i32
      %get3A_592 = tpu.memref_slice %arg6[%scan3A_53, %get3A_590, %get3A_591] : memref<3x56x768xf32, #tpu.memory_space<vmem>> -> memref<1x56x768xf32, #tpu.memory_space<vmem>>
      %get3A_593 = tpu.memref_squeeze %get3A_592 : memref<1x56x768xf32, #tpu.memory_space<vmem>> -> memref<56x768xf32, #tpu.memory_space<vmem>>
      %get3A_594 = arith.index_cast %scan3A_111 : i32 to index
      %get3A_595 = arith.constant 384 : index
      %get3A_596 = tpu.vector_load %get3A_593[%get3A_594, %get3A_595] {strides = array<i32>} : memref<56x768xf32, #tpu.memory_space<vmem>>, vector<1x16xf32>,
      %get3A_597 = vector.shape_cast %get3A_596 : vector<1x16xf32> to vector<16xf32>
      %mul3A_598 = arith.constant 27.7128124 : f32
      %mul3A_599 = vector.broadcast %mul3A_598 : f32 to vector<16xf32>
      %mul3A_600 = arith.mulf %get3A_597, %mul3A_599 : vector<16xf32>
      %swap3A_601 = arith.constant 0 : i32
      %swap3A_602 = arith.constant 0 : i32
      %swap3A_603 = tpu.memref_slice %arg6[%scan3A_53, %swap3A_601, %swap3A_602] : memref<3x56x768xf32, #tpu.memory_space<vmem>> -> memref<1x56x768xf32, #tpu.memory_space<vmem>>
      %swap3A_604 = tpu.memref_squeeze %swap3A_603 : memref<1x56x768xf32, #tpu.memory_space<vmem>> -> memref<56x768xf32, #tpu.memory_space<vmem>>
      %swap3A_605 = arith.index_cast %scan3A_111 : i32 to index
      %swap3A_606 = arith.constant 384 : index
      %swap3A_607 = tpu.vector_load %swap3A_604[%swap3A_605, %swap3A_606] {strides = array<i32>} : memref<56x768xf32, #tpu.memory_space<vmem>>, vector<1x16xf32>,
      %swap3A_608 = vector.shape_cast %swap3A_607 : vector<1x16xf32> to vector<16xf32>
      %swap3A_609 = vector.shape_cast %mul3A_600 : vector<16xf32> to vector<1x16xf32>
      tpu.vector_store %swap3A_604[%swap3A_605, %swap3A_606], %swap3A_609 {strides = array<i32>} : memref<56x768xf32, #tpu.memory_space<vmem>>, vector<1x16xf32>,
      %get3A_610 = arith.constant 0 : i32
      %get3A_611 = arith.constant 0 : i32
      %get3A_612 = tpu.memref_slice %arg6[%scan3A_53, %get3A_610, %get3A_611] : memref<3x56x768xf32, #tpu.memory_space<vmem>> -> memref<1x56x768xf32, #tpu.memory_space<vmem>>
      %get3A_613 = tpu.memref_squeeze %get3A_612 : memref<1x56x768xf32, #tpu.memory_space<vmem>> -> memref<56x768xf32, #tpu.memory_space<vmem>>
      %get3A_614 = arith.index_cast %scan3A_111 : i32 to index
      %get3A_615 = arith.constant 400 : index
      %get3A_616 = tpu.vector_load %get3A_613[%get3A_614, %get3A_615] {strides = array<i32>} : memref<56x768xf32, #tpu.memory_space<vmem>>, vector<1x16xf32>,
      %get3A_617 = vector.shape_cast %get3A_616 : vector<1x16xf32> to vector<16xf32>
      %mul3A_618 = arith.constant 27.7128124 : f32
      %mul3A_619 = vector.broadcast %mul3A_618 : f32 to vector<16xf32>
      %mul3A_620 = arith.mulf %get3A_617, %mul3A_619 : vector<16xf32>
      %swap3A_621 = arith.constant 0 : i32
      %swap3A_622 = arith.constant 0 : i32
      %swap3A_623 = tpu.memref_slice %arg6[%scan3A_53, %swap3A_621, %swap3A_622] : memref<3x56x768xf32, #tpu.memory_space<vmem>> -> memref<1x56x768xf32, #tpu.memory_space<vmem>>
      %swap3A_624 = tpu.memref_squeeze %swap3A_623 : memref<1x56x768xf32, #tpu.memory_space<vmem>> -> memref<56x768xf32, #tpu.memory_space<vmem>>
      %swap3A_625 = arith.index_cast %scan3A_111 : i32 to index
      %swap3A_626 = arith.constant 400 : index
      %swap3A_627 = tpu.vector_load %swap3A_624[%swap3A_625, %swap3A_626] {strides = array<i32>} : memref<56x768xf32, #tpu.memory_space<vmem>>, vector<1x16xf32>,
      %swap3A_628 = vector.shape_cast %swap3A_627 : vector<1x16xf32> to vector<16xf32>
      %swap3A_629 = vector.shape_cast %mul3A_620 : vector<16xf32> to vector<1x16xf32>
      tpu.vector_store %swap3A_624[%swap3A_625, %swap3A_626], %swap3A_629 {strides = array<i32>} : memref<56x768xf32, #tpu.memory_space<vmem>>, vector<1x16xf32>,
      %get3A_630 = arith.constant 0 : i32
      %get3A_631 = arith.constant 0 : i32
      %get3A_632 = tpu.memref_slice %arg6[%scan3A_53, %get3A_630, %get3A_631] : memref<3x56x768xf32, #tpu.memory_space<vmem>> -> memref<1x56x768xf32, #tpu.memory_space<vmem>>
      %get3A_633 = tpu.memref_squeeze %get3A_632 : memref<1x56x768xf32, #tpu.memory_space<vmem>> -> memref<56x768xf32, #tpu.memory_space<vmem>>
      %get3A_634 = arith.index_cast %scan3A_111 : i32 to index
      %get3A_635 = arith.constant 416 : index
      %get3A_636 = tpu.vector_load %get3A_633[%get3A_634, %get3A_635] {strides = array<i32>} : memref<56x768xf32, #tpu.memory_space<vmem>>, vector<1x16xf32>,
      %get3A_637 = vector.shape_cast %get3A_636 : vector<1x16xf32> to vector<16xf32>
      %mul3A_638 = arith.constant 27.7128124 : f32
      %mul3A_639 = vector.broadcast %mul3A_638 : f32 to vector<16xf32>
      %mul3A_640 = arith.mulf %get3A_637, %mul3A_639 : vector<16xf32>
      %swap3A_641 = arith.constant 0 : i32
      %swap3A_642 = arith.constant 0 : i32
      %swap3A_643 = tpu.memref_slice %arg6[%scan3A_53, %swap3A_641, %swap3A_642] : memref<3x56x768xf32, #tpu.memory_space<vmem>> -> memref<1x56x768xf32, #tpu.memory_space<vmem>>
      %swap3A_644 = tpu.memref_squeeze %swap3A_643 : memref<1x56x768xf32, #tpu.memory_space<vmem>> -> memref<56x768xf32, #tpu.memory_space<vmem>>
      %swap3A_645 = arith.index_cast %scan3A_111 : i32 to index
      %swap3A_646 = arith.constant 416 : index
      %swap3A_647 = tpu.vector_load %swap3A_644[%swap3A_645, %swap3A_646] {strides = array<i32>} : memref<56x768xf32, #tpu.memory_space<vmem>>, vector<1x16xf32>,
      %swap3A_648 = vector.shape_cast %swap3A_647 : vector<1x16xf32> to vector<16xf32>
      %swap3A_649 = vector.shape_cast %mul3A_640 : vector<16xf32> to vector<1x16xf32>
      tpu.vector_store %swap3A_644[%swap3A_645, %swap3A_646], %swap3A_649 {strides = array<i32>} : memref<56x768xf32, #tpu.memory_space<vmem>>, vector<1x16xf32>,
      %get3A_650 = arith.constant 0 : i32
      %get3A_651 = arith.constant 0 : i32
      %get3A_652 = tpu.memref_slice %arg6[%scan3A_53, %get3A_650, %get3A_651] : memref<3x56x768xf32, #tpu.memory_space<vmem>> -> memref<1x56x768xf32, #tpu.memory_space<vmem>>
      %get3A_653 = tpu.memref_squeeze %get3A_652 : memref<1x56x768xf32, #tpu.memory_space<vmem>> -> memref<56x768xf32, #tpu.memory_space<vmem>>
      %get3A_654 = arith.index_cast %scan3A_111 : i32 to index
      %get3A_655 = arith.constant 432 : index
      %get3A_656 = tpu.vector_load %get3A_653[%get3A_654, %get3A_655] {strides = array<i32>} : memref<56x768xf32, #tpu.memory_space<vmem>>, vector<1x16xf32>,
      %get3A_657 = vector.shape_cast %get3A_656 : vector<1x16xf32> to vector<16xf32>
      %mul3A_658 = arith.constant 27.7128124 : f32
      %mul3A_659 = vector.broadcast %mul3A_658 : f32 to vector<16xf32>
      %mul3A_660 = arith.mulf %get3A_657, %mul3A_659 : vector<16xf32>
      %swap3A_661 = arith.constant 0 : i32
      %swap3A_662 = arith.constant 0 : i32
      %swap3A_663 = tpu.memref_slice %arg6[%scan3A_53, %swap3A_661, %swap3A_662] : memref<3x56x768xf32, #tpu.memory_space<vmem>> -> memref<1x56x768xf32, #tpu.memory_space<vmem>>
      %swap3A_664 = tpu.memref_squeeze %swap3A_663 : memref<1x56x768xf32, #tpu.memory_space<vmem>> -> memref<56x768xf32, #tpu.memory_space<vmem>>
      %swap3A_665 = arith.index_cast %scan3A_111 : i32 to index
      %swap3A_666 = arith.constant 432 : index
      %swap3A_667 = tpu.vector_load %swap3A_664[%swap3A_665, %swap3A_666] {strides = array<i32>} : memref<56x768xf32, #tpu.memory_space<vmem>>, vector<1x16xf32>,
      %swap3A_668 = vector.shape_cast %swap3A_667 : vector<1x16xf32> to vector<16xf32>
      %swap3A_669 = vector.shape_cast %mul3A_660 : vector<16xf32> to vector<1x16xf32>
      tpu.vector_store %swap3A_664[%swap3A_665, %swap3A_666], %swap3A_669 {strides = array<i32>} : memref<56x768xf32, #tpu.memory_space<vmem>>, vector<1x16xf32>,
      %get3A_670 = arith.constant 0 : i32
      %get3A_671 = arith.constant 0 : i32
      %get3A_672 = tpu.memref_slice %arg6[%scan3A_53, %get3A_670, %get3A_671] : memref<3x56x768xf32, #tpu.memory_space<vmem>> -> memref<1x56x768xf32, #tpu.memory_space<vmem>>
      %get3A_673 = tpu.memref_squeeze %get3A_672 : memref<1x56x768xf32, #tpu.memory_space<vmem>> -> memref<56x768xf32, #tpu.memory_space<vmem>>
      %get3A_674 = arith.index_cast %scan3A_111 : i32 to index
      %get3A_675 = arith.constant 448 : index
      %get3A_676 = tpu.vector_load %get3A_673[%get3A_674, %get3A_675] {strides = array<i32>} : memref<56x768xf32, #tpu.memory_space<vmem>>, vector<1x16xf32>,
      %get3A_677 = vector.shape_cast %get3A_676 : vector<1x16xf32> to vector<16xf32>
      %mul3A_678 = arith.constant 27.7128124 : f32
      %mul3A_679 = vector.broadcast %mul3A_678 : f32 to vector<16xf32>
      %mul3A_680 = arith.mulf %get3A_677, %mul3A_679 : vector<16xf32>
      %swap3A_681 = arith.constant 0 : i32
      %swap3A_682 = arith.constant 0 : i32
      %swap3A_683 = tpu.memref_slice %arg6[%scan3A_53, %swap3A_681, %swap3A_682] : memref<3x56x768xf32, #tpu.memory_space<vmem>> -> memref<1x56x768xf32, #tpu.memory_space<vmem>>
      %swap3A_684 = tpu.memref_squeeze %swap3A_683 : memref<1x56x768xf32, #tpu.memory_space<vmem>> -> memref<56x768xf32, #tpu.memory_space<vmem>>
      %swap3A_685 = arith.index_cast %scan3A_111 : i32 to index
      %swap3A_686 = arith.constant 448 : index
      %swap3A_687 = tpu.vector_load %swap3A_684[%swap3A_685, %swap3A_686] {strides = array<i32>} : memref<56x768xf32, #tpu.memory_space<vmem>>, vector<1x16xf32>,
      %swap3A_688 = vector.shape_cast %swap3A_687 : vector<1x16xf32> to vector<16xf32>
      %swap3A_689 = vector.shape_cast %mul3A_680 : vector<16xf32> to vector<1x16xf32>
      tpu.vector_store %swap3A_684[%swap3A_685, %swap3A_686], %swap3A_689 {strides = array<i32>} : memref<56x768xf32, #tpu.memory_space<vmem>>, vector<1x16xf32>,
      %get3A_690 = arith.constant 0 : i32
      %get3A_691 = arith.constant 0 : i32
      %get3A_692 = tpu.memref_slice %arg6[%scan3A_53, %get3A_690, %get3A_691] : memref<3x56x768xf32, #tpu.memory_space<vmem>> -> memref<1x56x768xf32, #tpu.memory_space<vmem>>
      %get3A_693 = tpu.memref_squeeze %get3A_692 : memref<1x56x768xf32, #tpu.memory_space<vmem>> -> memref<56x768xf32, #tpu.memory_space<vmem>>
      %get3A_694 = arith.index_cast %scan3A_111 : i32 to index
      %get3A_695 = arith.constant 464 : index
      %get3A_696 = tpu.vector_load %get3A_693[%get3A_694, %get3A_695] {strides = array<i32>} : memref<56x768xf32, #tpu.memory_space<vmem>>, vector<1x16xf32>,
      %get3A_697 = vector.shape_cast %get3A_696 : vector<1x16xf32> to vector<16xf32>
      %mul3A_698 = arith.constant 27.7128124 : f32
      %mul3A_699 = vector.broadcast %mul3A_698 : f32 to vector<16xf32>
      %mul3A_700 = arith.mulf %get3A_697, %mul3A_699 : vector<16xf32>
      %swap3A_701 = arith.constant 0 : i32
      %swap3A_702 = arith.constant 0 : i32
      %swap3A_703 = tpu.memref_slice %arg6[%scan3A_53, %swap3A_701, %swap3A_702] : memref<3x56x768xf32, #tpu.memory_space<vmem>> -> memref<1x56x768xf32, #tpu.memory_space<vmem>>
      %swap3A_704 = tpu.memref_squeeze %swap3A_703 : memref<1x56x768xf32, #tpu.memory_space<vmem>> -> memref<56x768xf32, #tpu.memory_space<vmem>>
      %swap3A_705 = arith.index_cast %scan3A_111 : i32 to index
      %swap3A_706 = arith.constant 464 : index
      %swap3A_707 = tpu.vector_load %swap3A_704[%swap3A_705, %swap3A_706] {strides = array<i32>} : memref<56x768xf32, #tpu.memory_space<vmem>>, vector<1x16xf32>,
      %swap3A_708 = vector.shape_cast %swap3A_707 : vector<1x16xf32> to vector<16xf32>
      %swap3A_709 = vector.shape_cast %mul3A_700 : vector<16xf32> to vector<1x16xf32>
      tpu.vector_store %swap3A_704[%swap3A_705, %swap3A_706], %swap3A_709 {strides = array<i32>} : memref<56x768xf32, #tpu.memory_space<vmem>>, vector<1x16xf32>,
      %get3A_710 = arith.constant 0 : i32
      %get3A_711 = arith.constant 0 : i32
      %get3A_712 = tpu.memref_slice %arg6[%scan3A_53, %get3A_710, %get3A_711] : memref<3x56x768xf32, #tpu.memory_space<vmem>> -> memref<1x56x768xf32, #tpu.memory_space<vmem>>
      %get3A_713 = tpu.memref_squeeze %get3A_712 : memref<1x56x768xf32, #tpu.memory_space<vmem>> -> memref<56x768xf32, #tpu.memory_space<vmem>>
      %get3A_714 = arith.index_cast %scan3A_111 : i32 to index
      %get3A_715 = arith.constant 480 : index
      %get3A_716 = tpu.vector_load %get3A_713[%get3A_714, %get3A_715] {strides = array<i32>} : memref<56x768xf32, #tpu.memory_space<vmem>>, vector<1x16xf32>,
      %get3A_717 = vector.shape_cast %get3A_716 : vector<1x16xf32> to vector<16xf32>
      %mul3A_718 = arith.constant 27.7128124 : f32
      %mul3A_719 = vector.broadcast %mul3A_718 : f32 to vector<16xf32>
      %mul3A_720 = arith.mulf %get3A_717, %mul3A_719 : vector<16xf32>
      %swap3A_721 = arith.constant 0 : i32
      %swap3A_722 = arith.constant 0 : i32
      %swap3A_723 = tpu.memref_slice %arg6[%scan3A_53, %swap3A_721, %swap3A_722] : memref<3x56x768xf32, #tpu.memory_space<vmem>> -> memref<1x56x768xf32, #tpu.memory_space<vmem>>
      %swap3A_724 = tpu.memref_squeeze %swap3A_723 : memref<1x56x768xf32, #tpu.memory_space<vmem>> -> memref<56x768xf32, #tpu.memory_space<vmem>>
      %swap3A_725 = arith.index_cast %scan3A_111 : i32 to index
      %swap3A_726 = arith.constant 480 : index
      %swap3A_727 = tpu.vector_load %swap3A_724[%swap3A_725, %swap3A_726] {strides = array<i32>} : memref<56x768xf32, #tpu.memory_space<vmem>>, vector<1x16xf32>,
      %swap3A_728 = vector.shape_cast %swap3A_727 : vector<1x16xf32> to vector<16xf32>
      %swap3A_729 = vector.shape_cast %mul3A_720 : vector<16xf32> to vector<1x16xf32>
      tpu.vector_store %swap3A_724[%swap3A_725, %swap3A_726], %swap3A_729 {strides = array<i32>} : memref<56x768xf32, #tpu.memory_space<vmem>>, vector<1x16xf32>,
      %get3A_730 = arith.constant 0 : i32
      %get3A_731 = arith.constant 0 : i32
      %get3A_732 = tpu.memref_slice %arg6[%scan3A_53, %get3A_730, %get3A_731] : memref<3x56x768xf32, #tpu.memory_space<vmem>> -> memref<1x56x768xf32, #tpu.memory_space<vmem>>
      %get3A_733 = tpu.memref_squeeze %get3A_732 : memref<1x56x768xf32, #tpu.memory_space<vmem>> -> memref<56x768xf32, #tpu.memory_space<vmem>>
      %get3A_734 = arith.index_cast %scan3A_111 : i32 to index
      %get3A_735 = arith.constant 496 : index
      %get3A_736 = tpu.vector_load %get3A_733[%get3A_734, %get3A_735] {strides = array<i32>} : memref<56x768xf32, #tpu.memory_space<vmem>>, vector<1x16xf32>,
      %get3A_737 = vector.shape_cast %get3A_736 : vector<1x16xf32> to vector<16xf32>
      %mul3A_738 = arith.constant 27.7128124 : f32
      %mul3A_739 = vector.broadcast %mul3A_738 : f32 to vector<16xf32>
      %mul3A_740 = arith.mulf %get3A_737, %mul3A_739 : vector<16xf32>
      %swap3A_741 = arith.constant 0 : i32
      %swap3A_742 = arith.constant 0 : i32
      %swap3A_743 = tpu.memref_slice %arg6[%scan3A_53, %swap3A_741, %swap3A_742] : memref<3x56x768xf32, #tpu.memory_space<vmem>> -> memref<1x56x768xf32, #tpu.memory_space<vmem>>
      %swap3A_744 = tpu.memref_squeeze %swap3A_743 : memref<1x56x768xf32, #tpu.memory_space<vmem>> -> memref<56x768xf32, #tpu.memory_space<vmem>>
      %swap3A_745 = arith.index_cast %scan3A_111 : i32 to index
      %swap3A_746 = arith.constant 496 : index
      %swap3A_747 = tpu.vector_load %swap3A_744[%swap3A_745, %swap3A_746] {strides = array<i32>} : memref<56x768xf32, #tpu.memory_space<vmem>>, vector<1x16xf32>,
      %swap3A_748 = vector.shape_cast %swap3A_747 : vector<1x16xf32> to vector<16xf32>
      %swap3A_749 = vector.shape_cast %mul3A_740 : vector<16xf32> to vector<1x16xf32>
      tpu.vector_store %swap3A_744[%swap3A_745, %swap3A_746], %swap3A_749 {strides = array<i32>} : memref<56x768xf32, #tpu.memory_space<vmem>>, vector<1x16xf32>,
      %get3A_750 = arith.constant 0 : i32
      %get3A_751 = arith.constant 0 : i32
      %get3A_752 = tpu.memref_slice %arg6[%scan3A_53, %get3A_750, %get3A_751] : memref<3x56x768xf32, #tpu.memory_space<vmem>> -> memref<1x56x768xf32, #tpu.memory_space<vmem>>
      %get3A_753 = tpu.memref_squeeze %get3A_752 : memref<1x56x768xf32, #tpu.memory_space<vmem>> -> memref<56x768xf32, #tpu.memory_space<vmem>>
      %get3A_754 = arith.index_cast %scan3A_111 : i32 to index
      %get3A_755 = arith.constant 512 : index
      %get3A_756 = tpu.vector_load %get3A_753[%get3A_754, %get3A_755] {strides = array<i32>} : memref<56x768xf32, #tpu.memory_space<vmem>>, vector<1x16xf32>,
      %get3A_757 = vector.shape_cast %get3A_756 : vector<1x16xf32> to vector<16xf32>
      %mul3A_758 = arith.constant 27.7128124 : f32
      %mul3A_759 = vector.broadcast %mul3A_758 : f32 to vector<16xf32>
      %mul3A_760 = arith.mulf %get3A_757, %mul3A_759 : vector<16xf32>
      %swap3A_761 = arith.constant 0 : i32
      %swap3A_762 = arith.constant 0 : i32
      %swap3A_763 = tpu.memref_slice %arg6[%scan3A_53, %swap3A_761, %swap3A_762] : memref<3x56x768xf32, #tpu.memory_space<vmem>> -> memref<1x56x768xf32, #tpu.memory_space<vmem>>
      %swap3A_764 = tpu.memref_squeeze %swap3A_763 : memref<1x56x768xf32, #tpu.memory_space<vmem>> -> memref<56x768xf32, #tpu.memory_space<vmem>>
      %swap3A_765 = arith.index_cast %scan3A_111 : i32 to index
      %swap3A_766 = arith.constant 512 : index
      %swap3A_767 = tpu.vector_load %swap3A_764[%swap3A_765, %swap3A_766] {strides = array<i32>} : memref<56x768xf32, #tpu.memory_space<vmem>>, vector<1x16xf32>,
      %swap3A_768 = vector.shape_cast %swap3A_767 : vector<1x16xf32> to vector<16xf32>
      %swap3A_769 = vector.shape_cast %mul3A_760 : vector<16xf32> to vector<1x16xf32>
      tpu.vector_store %swap3A_764[%swap3A_765, %swap3A_766], %swap3A_769 {strides = array<i32>} : memref<56x768xf32, #tpu.memory_space<vmem>>, vector<1x16xf32>,
      %get3A_770 = arith.constant 0 : i32
      %get3A_771 = arith.constant 0 : i32
      %get3A_772 = tpu.memref_slice %arg6[%scan3A_53, %get3A_770, %get3A_771] : memref<3x56x768xf32, #tpu.memory_space<vmem>> -> memref<1x56x768xf32, #tpu.memory_space<vmem>>
      %get3A_773 = tpu.memref_squeeze %get3A_772 : memref<1x56x768xf32, #tpu.memory_space<vmem>> -> memref<56x768xf32, #tpu.memory_space<vmem>>
      %get3A_774 = arith.index_cast %scan3A_111 : i32 to index
      %get3A_775 = arith.constant 528 : index
      %get3A_776 = tpu.vector_load %get3A_773[%get3A_774, %get3A_775] {strides = array<i32>} : memref<56x768xf32, #tpu.memory_space<vmem>>, vector<1x16xf32>,
      %get3A_777 = vector.shape_cast %get3A_776 : vector<1x16xf32> to vector<16xf32>
      %mul3A_778 = arith.constant 27.7128124 : f32
      %mul3A_779 = vector.broadcast %mul3A_778 : f32 to vector<16xf32>
      %mul3A_780 = arith.mulf %get3A_777, %mul3A_779 : vector<16xf32>
      %swap3A_781 = arith.constant 0 : i32
      %swap3A_782 = arith.constant 0 : i32
      %swap3A_783 = tpu.memref_slice %arg6[%scan3A_53, %swap3A_781, %swap3A_782] : memref<3x56x768xf32, #tpu.memory_space<vmem>> -> memref<1x56x768xf32, #tpu.memory_space<vmem>>
      %swap3A_784 = tpu.memref_squeeze %swap3A_783 : memref<1x56x768xf32, #tpu.memory_space<vmem>> -> memref<56x768xf32, #tpu.memory_space<vmem>>
      %swap3A_785 = arith.index_cast %scan3A_111 : i32 to index
      %swap3A_786 = arith.constant 528 : index
      %swap3A_787 = tpu.vector_load %swap3A_784[%swap3A_785, %swap3A_786] {strides = array<i32>} : memref<56x768xf32, #tpu.memory_space<vmem>>, vector<1x16xf32>,
      %swap3A_788 = vector.shape_cast %swap3A_787 : vector<1x16xf32> to vector<16xf32>
      %swap3A_789 = vector.shape_cast %mul3A_780 : vector<16xf32> to vector<1x16xf32>
      tpu.vector_store %swap3A_784[%swap3A_785, %swap3A_786], %swap3A_789 {strides = array<i32>} : memref<56x768xf32, #tpu.memory_space<vmem>>, vector<1x16xf32>,
      %get3A_790 = arith.constant 0 : i32
      %get3A_791 = arith.constant 0 : i32
      %get3A_792 = tpu.memref_slice %arg6[%scan3A_53, %get3A_790, %get3A_791] : memref<3x56x768xf32, #tpu.memory_space<vmem>> -> memref<1x56x768xf32, #tpu.memory_space<vmem>>
      %get3A_793 = tpu.memref_squeeze %get3A_792 : memref<1x56x768xf32, #tpu.memory_space<vmem>> -> memref<56x768xf32, #tpu.memory_space<vmem>>
      %get3A_794 = arith.index_cast %scan3A_111 : i32 to index
      %get3A_795 = arith.constant 544 : index
      %get3A_796 = tpu.vector_load %get3A_793[%get3A_794, %get3A_795] {strides = array<i32>} : memref<56x768xf32, #tpu.memory_space<vmem>>, vector<1x16xf32>,
      %get3A_797 = vector.shape_cast %get3A_796 : vector<1x16xf32> to vector<16xf32>
      %mul3A_798 = arith.constant 27.7128124 : f32
      %mul3A_799 = vector.broadcast %mul3A_798 : f32 to vector<16xf32>
      %mul3A_800 = arith.mulf %get3A_797, %mul3A_799 : vector<16xf32>
      %swap3A_801 = arith.constant 0 : i32
      %swap3A_802 = arith.constant 0 : i32
      %swap3A_803 = tpu.memref_slice %arg6[%scan3A_53, %swap3A_801, %swap3A_802] : memref<3x56x768xf32, #tpu.memory_space<vmem>> -> memref<1x56x768xf32, #tpu.memory_space<vmem>>
      %swap3A_804 = tpu.memref_squeeze %swap3A_803 : memref<1x56x768xf32, #tpu.memory_space<vmem>> -> memref<56x768xf32, #tpu.memory_space<vmem>>
      %swap3A_805 = arith.index_cast %scan3A_111 : i32 to index
      %swap3A_806 = arith.constant 544 : index
      %swap3A_807 = tpu.vector_load %swap3A_804[%swap3A_805, %swap3A_806] {strides = array<i32>} : memref<56x768xf32, #tpu.memory_space<vmem>>, vector<1x16xf32>,
      %swap3A_808 = vector.shape_cast %swap3A_807 : vector<1x16xf32> to vector<16xf32>
      %swap3A_809 = vector.shape_cast %mul3A_800 : vector<16xf32> to vector<1x16xf32>
      tpu.vector_store %swap3A_804[%swap3A_805, %swap3A_806], %swap3A_809 {strides = array<i32>} : memref<56x768xf32, #tpu.memory_space<vmem>>, vector<1x16xf32>,
      %get3A_810 = arith.constant 0 : i32
      %get3A_811 = arith.constant 0 : i32
      %get3A_812 = tpu.memref_slice %arg6[%scan3A_53, %get3A_810, %get3A_811] : memref<3x56x768xf32, #tpu.memory_space<vmem>> -> memref<1x56x768xf32, #tpu.memory_space<vmem>>
      %get3A_813 = tpu.memref_squeeze %get3A_812 : memref<1x56x768xf32, #tpu.memory_space<vmem>> -> memref<56x768xf32, #tpu.memory_space<vmem>>
      %get3A_814 = arith.index_cast %scan3A_111 : i32 to index
      %get3A_815 = arith.constant 560 : index
      %get3A_816 = tpu.vector_load %get3A_813[%get3A_814, %get3A_815] {strides = array<i32>} : memref<56x768xf32, #tpu.memory_space<vmem>>, vector<1x16xf32>,
      %get3A_817 = vector.shape_cast %get3A_816 : vector<1x16xf32> to vector<16xf32>
      %mul3A_818 = arith.constant 27.7128124 : f32
      %mul3A_819 = vector.broadcast %mul3A_818 : f32 to vector<16xf32>
      %mul3A_820 = arith.mulf %get3A_817, %mul3A_819 : vector<16xf32>
      %swap3A_821 = arith.constant 0 : i32
      %swap3A_822 = arith.constant 0 : i32
      %swap3A_823 = tpu.memref_slice %arg6[%scan3A_53, %swap3A_821, %swap3A_822] : memref<3x56x768xf32, #tpu.memory_space<vmem>> -> memref<1x56x768xf32, #tpu.memory_space<vmem>>
      %swap3A_824 = tpu.memref_squeeze %swap3A_823 : memref<1x56x768xf32, #tpu.memory_space<vmem>> -> memref<56x768xf32, #tpu.memory_space<vmem>>
      %swap3A_825 = arith.index_cast %scan3A_111 : i32 to index
      %swap3A_826 = arith.constant 560 : index
      %swap3A_827 = tpu.vector_load %swap3A_824[%swap3A_825, %swap3A_826] {strides = array<i32>} : memref<56x768xf32, #tpu.memory_space<vmem>>, vector<1x16xf32>,
      %swap3A_828 = vector.shape_cast %swap3A_827 : vector<1x16xf32> to vector<16xf32>
      %swap3A_829 = vector.shape_cast %mul3A_820 : vector<16xf32> to vector<1x16xf32>
      tpu.vector_store %swap3A_824[%swap3A_825, %swap3A_826], %swap3A_829 {strides = array<i32>} : memref<56x768xf32, #tpu.memory_space<vmem>>, vector<1x16xf32>,
      %get3A_830 = arith.constant 0 : i32
      %get3A_831 = arith.constant 0 : i32
      %get3A_832 = tpu.memref_slice %arg6[%scan3A_53, %get3A_830, %get3A_831] : memref<3x56x768xf32, #tpu.memory_space<vmem>> -> memref<1x56x768xf32, #tpu.memory_space<vmem>>
      %get3A_833 = tpu.memref_squeeze %get3A_832 : memref<1x56x768xf32, #tpu.memory_space<vmem>> -> memref<56x768xf32, #tpu.memory_space<vmem>>
      %get3A_834 = arith.index_cast %scan3A_111 : i32 to index
      %get3A_835 = arith.constant 576 : index
      %get3A_836 = tpu.vector_load %get3A_833[%get3A_834, %get3A_835] {strides = array<i32>} : memref<56x768xf32, #tpu.memory_space<vmem>>, vector<1x16xf32>,
      %get3A_837 = vector.shape_cast %get3A_836 : vector<1x16xf32> to vector<16xf32>
      %mul3A_838 = arith.constant 27.7128124 : f32
      %mul3A_839 = vector.broadcast %mul3A_838 : f32 to vector<16xf32>
      %mul3A_840 = arith.mulf %get3A_837, %mul3A_839 : vector<16xf32>
      %swap3A_841 = arith.constant 0 : i32
      %swap3A_842 = arith.constant 0 : i32
      %swap3A_843 = tpu.memref_slice %arg6[%scan3A_53, %swap3A_841, %swap3A_842] : memref<3x56x768xf32, #tpu.memory_space<vmem>> -> memref<1x56x768xf32, #tpu.memory_space<vmem>>
      %swap3A_844 = tpu.memref_squeeze %swap3A_843 : memref<1x56x768xf32, #tpu.memory_space<vmem>> -> memref<56x768xf32, #tpu.memory_space<vmem>>
      %swap3A_845 = arith.index_cast %scan3A_111 : i32 to index
      %swap3A_846 = arith.constant 576 : index
      %swap3A_847 = tpu.vector_load %swap3A_844[%swap3A_845, %swap3A_846] {strides = array<i32>} : memref<56x768xf32, #tpu.memory_space<vmem>>, vector<1x16xf32>,
      %swap3A_848 = vector.shape_cast %swap3A_847 : vector<1x16xf32> to vector<16xf32>
      %swap3A_849 = vector.shape_cast %mul3A_840 : vector<16xf32> to vector<1x16xf32>
      tpu.vector_store %swap3A_844[%swap3A_845, %swap3A_846], %swap3A_849 {strides = array<i32>} : memref<56x768xf32, #tpu.memory_space<vmem>>, vector<1x16xf32>,
      %get3A_850 = arith.constant 0 : i32
      %get3A_851 = arith.constant 0 : i32
      %get3A_852 = tpu.memref_slice %arg6[%scan3A_53, %get3A_850, %get3A_851] : memref<3x56x768xf32, #tpu.memory_space<vmem>> -> memref<1x56x768xf32, #tpu.memory_space<vmem>>
      %get3A_853 = tpu.memref_squeeze %get3A_852 : memref<1x56x768xf32, #tpu.memory_space<vmem>> -> memref<56x768xf32, #tpu.memory_space<vmem>>
      %get3A_854 = arith.index_cast %scan3A_111 : i32 to index
      %get3A_855 = arith.constant 592 : index
      %get3A_856 = tpu.vector_load %get3A_853[%get3A_854, %get3A_855] {strides = array<i32>} : memref<56x768xf32, #tpu.memory_space<vmem>>, vector<1x16xf32>,
      %get3A_857 = vector.shape_cast %get3A_856 : vector<1x16xf32> to vector<16xf32>
      %mul3A_858 = arith.constant 27.7128124 : f32
      %mul3A_859 = vector.broadcast %mul3A_858 : f32 to vector<16xf32>
      %mul3A_860 = arith.mulf %get3A_857, %mul3A_859 : vector<16xf32>
      %swap3A_861 = arith.constant 0 : i32
      %swap3A_862 = arith.constant 0 : i32
      %swap3A_863 = tpu.memref_slice %arg6[%scan3A_53, %swap3A_861, %swap3A_862] : memref<3x56x768xf32, #tpu.memory_space<vmem>> -> memref<1x56x768xf32, #tpu.memory_space<vmem>>
      %swap3A_864 = tpu.memref_squeeze %swap3A_863 : memref<1x56x768xf32, #tpu.memory_space<vmem>> -> memref<56x768xf32, #tpu.memory_space<vmem>>
      %swap3A_865 = arith.index_cast %scan3A_111 : i32 to index
      %swap3A_866 = arith.constant 592 : index
      %swap3A_867 = tpu.vector_load %swap3A_864[%swap3A_865, %swap3A_866] {strides = array<i32>} : memref<56x768xf32, #tpu.memory_space<vmem>>, vector<1x16xf32>,
      %swap3A_868 = vector.shape_cast %swap3A_867 : vector<1x16xf32> to vector<16xf32>
      %swap3A_869 = vector.shape_cast %mul3A_860 : vector<16xf32> to vector<1x16xf32>
      tpu.vector_store %swap3A_864[%swap3A_865, %swap3A_866], %swap3A_869 {strides = array<i32>} : memref<56x768xf32, #tpu.memory_space<vmem>>, vector<1x16xf32>,
      %get3A_870 = arith.constant 0 : i32
      %get3A_871 = arith.constant 0 : i32
      %get3A_872 = tpu.memref_slice %arg6[%scan3A_53, %get3A_870, %get3A_871] : memref<3x56x768xf32, #tpu.memory_space<vmem>> -> memref<1x56x768xf32, #tpu.memory_space<vmem>>
      %get3A_873 = tpu.memref_squeeze %get3A_872 : memref<1x56x768xf32, #tpu.memory_space<vmem>> -> memref<56x768xf32, #tpu.memory_space<vmem>>
      %get3A_874 = arith.index_cast %scan3A_111 : i32 to index
      %get3A_875 = arith.constant 608 : index
      %get3A_876 = tpu.vector_load %get3A_873[%get3A_874, %get3A_875] {strides = array<i32>} : memref<56x768xf32, #tpu.memory_space<vmem>>, vector<1x16xf32>,
      %get3A_877 = vector.shape_cast %get3A_876 : vector<1x16xf32> to vector<16xf32>
      %mul3A_878 = arith.constant 27.7128124 : f32
      %mul3A_879 = vector.broadcast %mul3A_878 : f32 to vector<16xf32>
      %mul3A_880 = arith.mulf %get3A_877, %mul3A_879 : vector<16xf32>
      %swap3A_881 = arith.constant 0 : i32
      %swap3A_882 = arith.constant 0 : i32
      %swap3A_883 = tpu.memref_slice %arg6[%scan3A_53, %swap3A_881, %swap3A_882] : memref<3x56x768xf32, #tpu.memory_space<vmem>> -> memref<1x56x768xf32, #tpu.memory_space<vmem>>
      %swap3A_884 = tpu.memref_squeeze %swap3A_883 : memref<1x56x768xf32, #tpu.memory_space<vmem>> -> memref<56x768xf32, #tpu.memory_space<vmem>>
      %swap3A_885 = arith.index_cast %scan3A_111 : i32 to index
      %swap3A_886 = arith.constant 608 : index
      %swap3A_887 = tpu.vector_load %swap3A_884[%swap3A_885, %swap3A_886] {strides = array<i32>} : memref<56x768xf32, #tpu.memory_space<vmem>>, vector<1x16xf32>,
      %swap3A_888 = vector.shape_cast %swap3A_887 : vector<1x16xf32> to vector<16xf32>
      %swap3A_889 = vector.shape_cast %mul3A_880 : vector<16xf32> to vector<1x16xf32>
      tpu.vector_store %swap3A_884[%swap3A_885, %swap3A_886], %swap3A_889 {strides = array<i32>} : memref<56x768xf32, #tpu.memory_space<vmem>>, vector<1x16xf32>,
      %get3A_890 = arith.constant 0 : i32
      %get3A_891 = arith.constant 0 : i32
      %get3A_892 = tpu.memref_slice %arg6[%scan3A_53, %get3A_890, %get3A_891] : memref<3x56x768xf32, #tpu.memory_space<vmem>> -> memref<1x56x768xf32, #tpu.memory_space<vmem>>
      %get3A_893 = tpu.memref_squeeze %get3A_892 : memref<1x56x768xf32, #tpu.memory_space<vmem>> -> memref<56x768xf32, #tpu.memory_space<vmem>>
      %get3A_894 = arith.index_cast %scan3A_111 : i32 to index
      %get3A_895 = arith.constant 624 : index
      %get3A_896 = tpu.vector_load %get3A_893[%get3A_894, %get3A_895] {strides = array<i32>} : memref<56x768xf32, #tpu.memory_space<vmem>>, vector<1x16xf32>,
      %get3A_897 = vector.shape_cast %get3A_896 : vector<1x16xf32> to vector<16xf32>
      %mul3A_898 = arith.constant 27.7128124 : f32
      %mul3A_899 = vector.broadcast %mul3A_898 : f32 to vector<16xf32>
      %mul3A_900 = arith.mulf %get3A_897, %mul3A_899 : vector<16xf32>
      %swap3A_901 = arith.constant 0 : i32
      %swap3A_902 = arith.constant 0 : i32
      %swap3A_903 = tpu.memref_slice %arg6[%scan3A_53, %swap3A_901, %swap3A_902] : memref<3x56x768xf32, #tpu.memory_space<vmem>> -> memref<1x56x768xf32, #tpu.memory_space<vmem>>
      %swap3A_904 = tpu.memref_squeeze %swap3A_903 : memref<1x56x768xf32, #tpu.memory_space<vmem>> -> memref<56x768xf32, #tpu.memory_space<vmem>>
      %swap3A_905 = arith.index_cast %scan3A_111 : i32 to index
      %swap3A_906 = arith.constant 624 : index
      %swap3A_907 = tpu.vector_load %swap3A_904[%swap3A_905, %swap3A_906] {strides = array<i32>} : memref<56x768xf32, #tpu.memory_space<vmem>>, vector<1x16xf32>,
      %swap3A_908 = vector.shape_cast %swap3A_907 : vector<1x16xf32> to vector<16xf32>
      %swap3A_909 = vector.shape_cast %mul3A_900 : vector<16xf32> to vector<1x16xf32>
      tpu.vector_store %swap3A_904[%swap3A_905, %swap3A_906], %swap3A_909 {strides = array<i32>} : memref<56x768xf32, #tpu.memory_space<vmem>>, vector<1x16xf32>,
      %get3A_910 = arith.constant 0 : i32
      %get3A_911 = arith.constant 0 : i32
      %get3A_912 = tpu.memref_slice %arg6[%scan3A_53, %get3A_910, %get3A_911] : memref<3x56x768xf32, #tpu.memory_space<vmem>> -> memref<1x56x768xf32, #tpu.memory_space<vmem>>
      %get3A_913 = tpu.memref_squeeze %get3A_912 : memref<1x56x768xf32, #tpu.memory_space<vmem>> -> memref<56x768xf32, #tpu.memory_space<vmem>>
      %get3A_914 = arith.index_cast %scan3A_111 : i32 to index
      %get3A_915 = arith.constant 640 : index
      %get3A_916 = tpu.vector_load %get3A_913[%get3A_914, %get3A_915] {strides = array<i32>} : memref<56x768xf32, #tpu.memory_space<vmem>>, vector<1x16xf32>,
      %get3A_917 = vector.shape_cast %get3A_916 : vector<1x16xf32> to vector<16xf32>
      %mul3A_918 = arith.constant 27.7128124 : f32
      %mul3A_919 = vector.broadcast %mul3A_918 : f32 to vector<16xf32>
      %mul3A_920 = arith.mulf %get3A_917, %mul3A_919 : vector<16xf32>
      %swap3A_921 = arith.constant 0 : i32
      %swap3A_922 = arith.constant 0 : i32
      %swap3A_923 = tpu.memref_slice %arg6[%scan3A_53, %swap3A_921, %swap3A_922] : memref<3x56x768xf32, #tpu.memory_space<vmem>> -> memref<1x56x768xf32, #tpu.memory_space<vmem>>
      %swap3A_924 = tpu.memref_squeeze %swap3A_923 : memref<1x56x768xf32, #tpu.memory_space<vmem>> -> memref<56x768xf32, #tpu.memory_space<vmem>>
      %swap3A_925 = arith.index_cast %scan3A_111 : i32 to index
      %swap3A_926 = arith.constant 640 : index
      %swap3A_927 = tpu.vector_load %swap3A_924[%swap3A_925, %swap3A_926] {strides = array<i32>} : memref<56x768xf32, #tpu.memory_space<vmem>>, vector<1x16xf32>,
      %swap3A_928 = vector.shape_cast %swap3A_927 : vector<1x16xf32> to vector<16xf32>
      %swap3A_929 = vector.shape_cast %mul3A_920 : vector<16xf32> to vector<1x16xf32>
      tpu.vector_store %swap3A_924[%swap3A_925, %swap3A_926], %swap3A_929 {strides = array<i32>} : memref<56x768xf32, #tpu.memory_space<vmem>>, vector<1x16xf32>,
      %get3A_930 = arith.constant 0 : i32
      %get3A_931 = arith.constant 0 : i32
      %get3A_932 = tpu.memref_slice %arg6[%scan3A_53, %get3A_930, %get3A_931] : memref<3x56x768xf32, #tpu.memory_space<vmem>> -> memref<1x56x768xf32, #tpu.memory_space<vmem>>
      %get3A_933 = tpu.memref_squeeze %get3A_932 : memref<1x56x768xf32, #tpu.memory_space<vmem>> -> memref<56x768xf32, #tpu.memory_space<vmem>>
      %get3A_934 = arith.index_cast %scan3A_111 : i32 to index
      %get3A_935 = arith.constant 656 : index
      %get3A_936 = tpu.vector_load %get3A_933[%get3A_934, %get3A_935] {strides = array<i32>} : memref<56x768xf32, #tpu.memory_space<vmem>>, vector<1x16xf32>,
      %get3A_937 = vector.shape_cast %get3A_936 : vector<1x16xf32> to vector<16xf32>
      %mul3A_938 = arith.constant 27.7128124 : f32
      %mul3A_939 = vector.broadcast %mul3A_938 : f32 to vector<16xf32>
      %mul3A_940 = arith.mulf %get3A_937, %mul3A_939 : vector<16xf32>
      %swap3A_941 = arith.constant 0 : i32
      %swap3A_942 = arith.constant 0 : i32
      %swap3A_943 = tpu.memref_slice %arg6[%scan3A_53, %swap3A_941, %swap3A_942] : memref<3x56x768xf32, #tpu.memory_space<vmem>> -> memref<1x56x768xf32, #tpu.memory_space<vmem>>
      %swap3A_944 = tpu.memref_squeeze %swap3A_943 : memref<1x56x768xf32, #tpu.memory_space<vmem>> -> memref<56x768xf32, #tpu.memory_space<vmem>>
      %swap3A_945 = arith.index_cast %scan3A_111 : i32 to index
      %swap3A_946 = arith.constant 656 : index
      %swap3A_947 = tpu.vector_load %swap3A_944[%swap3A_945, %swap3A_946] {strides = array<i32>} : memref<56x768xf32, #tpu.memory_space<vmem>>, vector<1x16xf32>,
      %swap3A_948 = vector.shape_cast %swap3A_947 : vector<1x16xf32> to vector<16xf32>
      %swap3A_949 = vector.shape_cast %mul3A_940 : vector<16xf32> to vector<1x16xf32>
      tpu.vector_store %swap3A_944[%swap3A_945, %swap3A_946], %swap3A_949 {strides = array<i32>} : memref<56x768xf32, #tpu.memory_space<vmem>>, vector<1x16xf32>,
      %get3A_950 = arith.constant 0 : i32
      %get3A_951 = arith.constant 0 : i32
      %get3A_952 = tpu.memref_slice %arg6[%scan3A_53, %get3A_950, %get3A_951] : memref<3x56x768xf32, #tpu.memory_space<vmem>> -> memref<1x56x768xf32, #tpu.memory_space<vmem>>
      %get3A_953 = tpu.memref_squeeze %get3A_952 : memref<1x56x768xf32, #tpu.memory_space<vmem>> -> memref<56x768xf32, #tpu.memory_space<vmem>>
      %get3A_954 = arith.index_cast %scan3A_111 : i32 to index
      %get3A_955 = arith.constant 672 : index
      %get3A_956 = tpu.vector_load %get3A_953[%get3A_954, %get3A_955] {strides = array<i32>} : memref<56x768xf32, #tpu.memory_space<vmem>>, vector<1x16xf32>,
      %get3A_957 = vector.shape_cast %get3A_956 : vector<1x16xf32> to vector<16xf32>
      %mul3A_958 = arith.constant 27.7128124 : f32
      %mul3A_959 = vector.broadcast %mul3A_958 : f32 to vector<16xf32>
      %mul3A_960 = arith.mulf %get3A_957, %mul3A_959 : vector<16xf32>
      %swap3A_961 = arith.constant 0 : i32
      %swap3A_962 = arith.constant 0 : i32
      %swap3A_963 = tpu.memref_slice %arg6[%scan3A_53, %swap3A_961, %swap3A_962] : memref<3x56x768xf32, #tpu.memory_space<vmem>> -> memref<1x56x768xf32, #tpu.memory_space<vmem>>
      %swap3A_964 = tpu.memref_squeeze %swap3A_963 : memref<1x56x768xf32, #tpu.memory_space<vmem>> -> memref<56x768xf32, #tpu.memory_space<vmem>>
      %swap3A_965 = arith.index_cast %scan3A_111 : i32 to index
      %swap3A_966 = arith.constant 672 : index
      %swap3A_967 = tpu.vector_load %swap3A_964[%swap3A_965, %swap3A_966] {strides = array<i32>} : memref<56x768xf32, #tpu.memory_space<vmem>>, vector<1x16xf32>,
      %swap3A_968 = vector.shape_cast %swap3A_967 : vector<1x16xf32> to vector<16xf32>
      %swap3A_969 = vector.shape_cast %mul3A_960 : vector<16xf32> to vector<1x16xf32>
      tpu.vector_store %swap3A_964[%swap3A_965, %swap3A_966], %swap3A_969 {strides = array<i32>} : memref<56x768xf32, #tpu.memory_space<vmem>>, vector<1x16xf32>,
      %get3A_970 = arith.constant 0 : i32
      %get3A_971 = arith.constant 0 : i32
      %get3A_972 = tpu.memref_slice %arg6[%scan3A_53, %get3A_970, %get3A_971] : memref<3x56x768xf32, #tpu.memory_space<vmem>> -> memref<1x56x768xf32, #tpu.memory_space<vmem>>
      %get3A_973 = tpu.memref_squeeze %get3A_972 : memref<1x56x768xf32, #tpu.memory_space<vmem>> -> memref<56x768xf32, #tpu.memory_space<vmem>>
      %get3A_974 = arith.index_cast %scan3A_111 : i32 to index
      %get3A_975 = arith.constant 688 : index
      %get3A_976 = tpu.vector_load %get3A_973[%get3A_974, %get3A_975] {strides = array<i32>} : memref<56x768xf32, #tpu.memory_space<vmem>>, vector<1x16xf32>,
      %get3A_977 = vector.shape_cast %get3A_976 : vector<1x16xf32> to vector<16xf32>
      %mul3A_978 = arith.constant 27.7128124 : f32
      %mul3A_979 = vector.broadcast %mul3A_978 : f32 to vector<16xf32>
      %mul3A_980 = arith.mulf %get3A_977, %mul3A_979 : vector<16xf32>
      %swap3A_981 = arith.constant 0 : i32
      %swap3A_982 = arith.constant 0 : i32
      %swap3A_983 = tpu.memref_slice %arg6[%scan3A_53, %swap3A_981, %swap3A_982] : memref<3x56x768xf32, #tpu.memory_space<vmem>> -> memref<1x56x768xf32, #tpu.memory_space<vmem>>
      %swap3A_984 = tpu.memref_squeeze %swap3A_983 : memref<1x56x768xf32, #tpu.memory_space<vmem>> -> memref<56x768xf32, #tpu.memory_space<vmem>>
      %swap3A_985 = arith.index_cast %scan3A_111 : i32 to index
      %swap3A_986 = arith.constant 688 : index
      %swap3A_987 = tpu.vector_load %swap3A_984[%swap3A_985, %swap3A_986] {strides = array<i32>} : memref<56x768xf32, #tpu.memory_space<vmem>>, vector<1x16xf32>,
      %swap3A_988 = vector.shape_cast %swap3A_987 : vector<1x16xf32> to vector<16xf32>
      %swap3A_989 = vector.shape_cast %mul3A_980 : vector<16xf32> to vector<1x16xf32>
      tpu.vector_store %swap3A_984[%swap3A_985, %swap3A_986], %swap3A_989 {strides = array<i32>} : memref<56x768xf32, #tpu.memory_space<vmem>>, vector<1x16xf32>,
      %get3A_990 = arith.constant 0 : i32
      %get3A_991 = arith.constant 0 : i32
      %get3A_992 = tpu.memref_slice %arg6[%scan3A_53, %get3A_990, %get3A_991] : memref<3x56x768xf32, #tpu.memory_space<vmem>> -> memref<1x56x768xf32, #tpu.memory_space<vmem>>
      %get3A_993 = tpu.memref_squeeze %get3A_992 : memref<1x56x768xf32, #tpu.memory_space<vmem>> -> memref<56x768xf32, #tpu.memory_space<vmem>>
      %get3A_994 = arith.index_cast %scan3A_111 : i32 to index
      %get3A_995 = arith.constant 704 : index
      %get3A_996 = tpu.vector_load %get3A_993[%get3A_994, %get3A_995] {strides = array<i32>} : memref<56x768xf32, #tpu.memory_space<vmem>>, vector<1x16xf32>,
      %get3A_997 = vector.shape_cast %get3A_996 : vector<1x16xf32> to vector<16xf32>
      %mul3A_998 = arith.constant 27.7128124 : f32
      %mul3A_999 = vector.broadcast %mul3A_998 : f32 to vector<16xf32>
      %mul3A_1000 = arith.mulf %get3A_997, %mul3A_999 : vector<16xf32>
      %swap3A_1001 = arith.constant 0 : i32
      %swap3A_1002 = arith.constant 0 : i32
      %swap3A_1003 = tpu.memref_slice %arg6[%scan3A_53, %swap3A_1001, %swap3A_1002] : memref<3x56x768xf32, #tpu.memory_space<vmem>> -> memref<1x56x768xf32, #tpu.memory_space<vmem>>
      %swap3A_1004 = tpu.memref_squeeze %swap3A_1003 : memref<1x56x768xf32, #tpu.memory_space<vmem>> -> memref<56x768xf32, #tpu.memory_space<vmem>>
      %swap3A_1005 = arith.index_cast %scan3A_111 : i32 to index
      %swap3A_1006 = arith.constant 704 : index
      %swap3A_1007 = tpu.vector_load %swap3A_1004[%swap3A_1005, %swap3A_1006] {strides = array<i32>} : memref<56x768xf32, #tpu.memory_space<vmem>>, vector<1x16xf32>,
      %swap3A_1008 = vector.shape_cast %swap3A_1007 : vector<1x16xf32> to vector<16xf32>
      %swap3A_1009 = vector.shape_cast %mul3A_1000 : vector<16xf32> to vector<1x16xf32>
      tpu.vector_store %swap3A_1004[%swap3A_1005, %swap3A_1006], %swap3A_1009 {strides = array<i32>} : memref<56x768xf32, #tpu.memory_space<vmem>>, vector<1x16xf32>,
      %get3A_1010 = arith.constant 0 : i32
      %get3A_1011 = arith.constant 0 : i32
      %get3A_1012 = tpu.memref_slice %arg6[%scan3A_53, %get3A_1010, %get3A_1011] : memref<3x56x768xf32, #tpu.memory_space<vmem>> -> memref<1x56x768xf32, #tpu.memory_space<vmem>>
      %get3A_1013 = tpu.memref_squeeze %get3A_1012 : memref<1x56x768xf32, #tpu.memory_space<vmem>> -> memref<56x768xf32, #tpu.memory_space<vmem>>
      %get3A_1014 = arith.index_cast %scan3A_111 : i32 to index
      %get3A_1015 = arith.constant 720 : index
      %get3A_1016 = tpu.vector_load %get3A_1013[%get3A_1014, %get3A_1015] {strides = array<i32>} : memref<56x768xf32, #tpu.memory_space<vmem>>, vector<1x16xf32>,
      %get3A_1017 = vector.shape_cast %get3A_1016 : vector<1x16xf32> to vector<16xf32>
      %mul3A_1018 = arith.constant 27.7128124 : f32
      %mul3A_1019 = vector.broadcast %mul3A_1018 : f32 to vector<16xf32>
      %mul3A_1020 = arith.mulf %get3A_1017, %mul3A_1019 : vector<16xf32>
      %swap3A_1021 = arith.constant 0 : i32
      %swap3A_1022 = arith.constant 0 : i32
      %swap3A_1023 = tpu.memref_slice %arg6[%scan3A_53, %swap3A_1021, %swap3A_1022] : memref<3x56x768xf32, #tpu.memory_space<vmem>> -> memref<1x56x768xf32, #tpu.memory_space<vmem>>
      %swap3A_1024 = tpu.memref_squeeze %swap3A_1023 : memref<1x56x768xf32, #tpu.memory_space<vmem>> -> memref<56x768xf32, #tpu.memory_space<vmem>>
      %swap3A_1025 = arith.index_cast %scan3A_111 : i32 to index
      %swap3A_1026 = arith.constant 720 : index
      %swap3A_1027 = tpu.vector_load %swap3A_1024[%swap3A_1025, %swap3A_1026] {strides = array<i32>} : memref<56x768xf32, #tpu.memory_space<vmem>>, vector<1x16xf32>,
      %swap3A_1028 = vector.shape_cast %swap3A_1027 : vector<1x16xf32> to vector<16xf32>
      %swap3A_1029 = vector.shape_cast %mul3A_1020 : vector<16xf32> to vector<1x16xf32>
      tpu.vector_store %swap3A_1024[%swap3A_1025, %swap3A_1026], %swap3A_1029 {strides = array<i32>} : memref<56x768xf32, #tpu.memory_space<vmem>>, vector<1x16xf32>,
      %get3A_1030 = arith.constant 0 : i32
      %get3A_1031 = arith.constant 0 : i32
      %get3A_1032 = tpu.memref_slice %arg6[%scan3A_53, %get3A_1030, %get3A_1031] : memref<3x56x768xf32, #tpu.memory_space<vmem>> -> memref<1x56x768xf32, #tpu.memory_space<vmem>>
      %get3A_1033 = tpu.memref_squeeze %get3A_1032 : memref<1x56x768xf32, #tpu.memory_space<vmem>> -> memref<56x768xf32, #tpu.memory_space<vmem>>
      %get3A_1034 = arith.index_cast %scan3A_111 : i32 to index
      %get3A_1035 = arith.constant 736 : index
      %get3A_1036 = tpu.vector_load %get3A_1033[%get3A_1034, %get3A_1035] {strides = array<i32>} : memref<56x768xf32, #tpu.memory_space<vmem>>, vector<1x16xf32>,
      %get3A_1037 = vector.shape_cast %get3A_1036 : vector<1x16xf32> to vector<16xf32>
      %mul3A_1038 = arith.constant 27.7128124 : f32
      %mul3A_1039 = vector.broadcast %mul3A_1038 : f32 to vector<16xf32>
      %mul3A_1040 = arith.mulf %get3A_1037, %mul3A_1039 : vector<16xf32>
      %swap3A_1041 = arith.constant 0 : i32
      %swap3A_1042 = arith.constant 0 : i32
      %swap3A_1043 = tpu.memref_slice %arg6[%scan3A_53, %swap3A_1041, %swap3A_1042] : memref<3x56x768xf32, #tpu.memory_space<vmem>> -> memref<1x56x768xf32, #tpu.memory_space<vmem>>
      %swap3A_1044 = tpu.memref_squeeze %swap3A_1043 : memref<1x56x768xf32, #tpu.memory_space<vmem>> -> memref<56x768xf32, #tpu.memory_space<vmem>>
      %swap3A_1045 = arith.index_cast %scan3A_111 : i32 to index
      %swap3A_1046 = arith.constant 736 : index
      %swap3A_1047 = tpu.vector_load %swap3A_1044[%swap3A_1045, %swap3A_1046] {strides = array<i32>} : memref<56x768xf32, #tpu.memory_space<vmem>>, vector<1x16xf32>,
      %swap3A_1048 = vector.shape_cast %swap3A_1047 : vector<1x16xf32> to vector<16xf32>
      %swap3A_1049 = vector.shape_cast %mul3A_1040 : vector<16xf32> to vector<1x16xf32>
      tpu.vector_store %swap3A_1044[%swap3A_1045, %swap3A_1046], %swap3A_1049 {strides = array<i32>} : memref<56x768xf32, #tpu.memory_space<vmem>>, vector<1x16xf32>,
      %get3A_1050 = arith.constant 0 : i32
      %get3A_1051 = arith.constant 0 : i32
      %get3A_1052 = tpu.memref_slice %arg6[%scan3A_53, %get3A_1050, %get3A_1051] : memref<3x56x768xf32, #tpu.memory_space<vmem>> -> memref<1x56x768xf32, #tpu.memory_space<vmem>>
      %get3A_1053 = tpu.memref_squeeze %get3A_1052 : memref<1x56x768xf32, #tpu.memory_space<vmem>> -> memref<56x768xf32, #tpu.memory_space<vmem>>
      %get3A_1054 = arith.index_cast %scan3A_111 : i32 to index
      %get3A_1055 = arith.constant 752 : index
      %get3A_1056 = tpu.vector_load %get3A_1053[%get3A_1054, %get3A_1055] {strides = array<i32>} : memref<56x768xf32, #tpu.memory_space<vmem>>, vector<1x16xf32>,
      %get3A_1057 = vector.shape_cast %get3A_1056 : vector<1x16xf32> to vector<16xf32>
      %mul3A_1058 = arith.constant 27.7128124 : f32
      %mul3A_1059 = vector.broadcast %mul3A_1058 : f32 to vector<16xf32>
      %mul3A_1060 = arith.mulf %get3A_1057, %mul3A_1059 : vector<16xf32>
      %swap3A_1061 = arith.constant 0 : i32
      %swap3A_1062 = arith.constant 0 : i32
      %swap3A_1063 = tpu.memref_slice %arg6[%scan3A_53, %swap3A_1061, %swap3A_1062] : memref<3x56x768xf32, #tpu.memory_space<vmem>> -> memref<1x56x768xf32, #tpu.memory_space<vmem>>
      %swap3A_1064 = tpu.memref_squeeze %swap3A_1063 : memref<1x56x768xf32, #tpu.memory_space<vmem>> -> memref<56x768xf32, #tpu.memory_space<vmem>>
      %swap3A_1065 = arith.index_cast %scan3A_111 : i32 to index
      %swap3A_1066 = arith.constant 752 : index
      %swap3A_1067 = tpu.vector_load %swap3A_1064[%swap3A_1065, %swap3A_1066] {strides = array<i32>} : memref<56x768xf32, #tpu.memory_space<vmem>>, vector<1x16xf32>,
      %swap3A_1068 = vector.shape_cast %swap3A_1067 : vector<1x16xf32> to vector<16xf32>
      %swap3A_1069 = vector.shape_cast %mul3A_1060 : vector<16xf32> to vector<1x16xf32>
      tpu.vector_store %swap3A_1064[%swap3A_1065, %swap3A_1066], %swap3A_1069 {strides = array<i32>} : memref<56x768xf32, #tpu.memory_space<vmem>>, vector<1x16xf32>,
    }
    %scan3A_58 = arith.constant 8 : i32
    %add3A_59 = arith.addi %multiple_of3A, %multiple_of3A_24 : i32
    %dma_start3A_60 = arith.constant 0 : i32
    %dma_start3A_61 = arith.constant 0 : i32
    %dma_start3A_62 = arith.constant 0 : i32
    %dma_start3A_63 = tpu.memref_slice %arg6[%dma_start3A_60, %dma_start3A_61, %dma_start3A_62] : memref<3x56x768xf32, #tpu.memory_space<vmem>> -> memref<1x8x768xf32, #tpu.memory_space<vmem>>
    %dma_start3A_64 = tpu.memref_squeeze %dma_start3A_63 : memref<1x8x768xf32, #tpu.memory_space<vmem>> -> memref<8x768xf32, #tpu.memory_space<vmem>>
    %dma_start3A_65 = arith.constant 0 : i32
    %dma_start3A_66 = tpu.memref_slice %arg4[%select_n3A, %add3A_59, %dma_start3A_65] : memref<4x4096x768xf32, #tpu.memory_space<hbm>> -> memref<1x8x768xf32, #tpu.memory_space<hbm>>
    %dma_start3A_67 = tpu.memref_squeeze %dma_start3A_66 : memref<1x8x768xf32, #tpu.memory_space<hbm>> -> memref<8x768xf32, #tpu.memory_space<hbm>>
    %dma_start3A_68 = arith.constant 0 : i32
    %dma_start3A_69 = tpu.memref_slice %arg4[%select_n3A, %add3A_59, %dma_start3A_68] : memref<4x4096x768xf32, #tpu.memory_space<hbm>> -> memref<1x8x768xf32, #tpu.memory_space<hbm>>
    %dma_start3A_70 = tpu.memref_squeeze %dma_start3A_69 : memref<1x8x768xf32, #tpu.memory_space<hbm>> -> memref<8x768xf32, #tpu.memory_space<hbm>>
    %dma_start3A_71 = arith.constant 0 : i32
    %dma_start3A_72 = arith.constant 0 : i32
    %dma_start3A_73 = tpu.memref_slice %arg6[%dma_start3A_60, %dma_start3A_71, %dma_start3A_72] : memref<3x56x768xf32, #tpu.memory_space<vmem>> -> memref<1x8x768xf32, #tpu.memory_space<vmem>>
    %dma_start3A_74 = tpu.memref_squeeze %dma_start3A_73 : memref<1x8x768xf32, #tpu.memory_space<vmem>> -> memref<8x768xf32, #tpu.memory_space<vmem>>
    tpu.enqueue_dma source(%dma_start3A_74 : memref<8x768xf32, #tpu.memory_space<vmem>>) target(%dma_start3A_70 : memref<8x768xf32, #tpu.memory_space<hbm>>) target_semaphore(%arg9 : memref<!tpu.dma_semaphore, #tpu.memory_space<semaphore_mem>>)
    %scan3A_75 = arith.constant 0 : i32
    %scan3A_76 = arith.constant 0 : i32
    %scan3A_77 = arith.constant 9 : i32
    %scan3A_78 = arith.addi %scan3A_76, %scan3A_77 : i32
    %scan3A_79 = arith.constant 1 : i32
    scf.for %scan3A_111 = %scan3A_76 to %scan3A_78 step %scan3A_79  : i32 {
      %add3A_112 = arith.constant 1 : i32
      %add3A_113 = arith.addi %scan3A_111, %add3A_112 : i32
      %rem3A_114 = arith.constant 3 : i32
      %rem3A_115 = arith.remsi %add3A_113, %rem3A_114 : i32
      %add3A_116 = arith.constant 2 : i32
      %add3A_117 = arith.addi %scan3A_111, %add3A_116 : i32
      %rem3A_118 = arith.constant 3 : i32
      %rem3A_119 = arith.remsi %add3A_117, %rem3A_118 : i32
      %ge3A = arith.constant 2 : i32
      %ge3A_120 = arith.cmpi sge, %scan3A_111, %ge3A : i32
      %convert_element_type3A = arith.extui %ge3A_120 : i1 to i32
      %cond3A = arith.constant 0 : i32
      %cond3A_121 = arith.cmpi ne, %convert_element_type3A, %cond3A : i32
      scf.if %cond3A_121 {
        %dma_wait3A_166 = arith.constant 0 : i32
        %dma_wait3A_167 = arith.constant 0 : i32
        %dma_wait3A_168 = arith.constant 0 : i32
        %dma_wait3A_169 = tpu.memref_slice %arg6[%dma_wait3A_166, %dma_wait3A_167, %dma_wait3A_168] : memref<3x56x768xf32, #tpu.memory_space<vmem>> -> memref<1x56x768xf32, #tpu.memory_space<vmem>>
        %dma_wait3A_170 = tpu.memref_squeeze %dma_wait3A_169 : memref<1x56x768xf32, #tpu.memory_space<vmem>> -> memref<56x768xf32, #tpu.memory_space<vmem>>
        %dma_wait3A_171 = arith.constant 0 : i32
        %dma_wait3A_172 = tpu.memref_slice %arg4[%select_n3A, %multiple_of3A, %dma_wait3A_171] : memref<4x4096x768xf32, #tpu.memory_space<hbm>> -> memref<1x56x768xf32, #tpu.memory_space<hbm>>
        %dma_wait3A_173 = tpu.memref_squeeze %dma_wait3A_172 : memref<1x56x768xf32, #tpu.memory_space<hbm>> -> memref<56x768xf32, #tpu.memory_space<hbm>>
        %dma_wait3A_174 = arith.constant 0 : i32
        %dma_wait3A_175 = tpu.memref_slice %arg4[%select_n3A, %multiple_of3A, %dma_wait3A_174] : memref<4x4096x768xf32, #tpu.memory_space<hbm>> -> memref<1x56x768xf32, #tpu.memory_space<hbm>>
        %dma_wait3A_176 = tpu.memref_squeeze %dma_wait3A_175 : memref<1x56x768xf32, #tpu.memory_space<hbm>> -> memref<56x768xf32, #tpu.memory_space<hbm>>
        %dma_wait3A_177 = arith.constant 0 : i32
        %dma_wait3A_178 = arith.constant 0 : i32
        %dma_wait3A_179 = tpu.memref_slice %arg6[%dma_wait3A_166, %dma_wait3A_177, %dma_wait3A_178] : memref<3x56x768xf32, #tpu.memory_space<vmem>> -> memref<1x56x768xf32, #tpu.memory_space<vmem>>
        %dma_wait3A_180 = tpu.memref_squeeze %dma_wait3A_179 : memref<1x56x768xf32, #tpu.memory_space<vmem>> -> memref<56x768xf32, #tpu.memory_space<vmem>>
        tpu.wait_dma2 semaphore(%arg8 : memref<!tpu.dma_semaphore, #tpu.memory_space<semaphore_mem>>) src(%dma_wait3A_180 : memref<56x768xf32, #tpu.memory_space<vmem>>) dst(%dma_wait3A_176 : memref<56x768xf32, #tpu.memory_space<hbm>>)
      } else {
      }
      %eq3A = arith.constant 1 : i32
      %eq3A_122 = arith.cmpi eq, %scan3A_111, %eq3A : i32
      %convert_element_type3A_123 = arith.extui %eq3A_122 : i1 to i32
      %cond3A_124 = arith.constant 0 : i32
      %cond3A_125 = arith.cmpi ne, %convert_element_type3A_123, %cond3A_124 : i32
      scf.if %cond3A_125 {
        %dma_wait3A_166 = arith.constant 0 : i32
        %dma_wait3A_167 = arith.constant 0 : i32
        %dma_wait3A_168 = arith.constant 0 : i32
        %dma_wait3A_169 = tpu.memref_slice %arg6[%dma_wait3A_166, %dma_wait3A_167, %dma_wait3A_168] : memref<3x56x768xf32, #tpu.memory_space<vmem>> -> memref<1x8x768xf32, #tpu.memory_space<vmem>>
        %dma_wait3A_170 = tpu.memref_squeeze %dma_wait3A_169 : memref<1x8x768xf32, #tpu.memory_space<vmem>> -> memref<8x768xf32, #tpu.memory_space<vmem>>
        %dma_wait3A_171 = arith.constant 0 : i32
        %dma_wait3A_172 = tpu.memref_slice %arg4[%select_n3A, %multiple_of3A, %dma_wait3A_171] : memref<4x4096x768xf32, #tpu.memory_space<hbm>> -> memref<1x8x768xf32, #tpu.memory_space<hbm>>
        %dma_wait3A_173 = tpu.memref_squeeze %dma_wait3A_172 : memref<1x8x768xf32, #tpu.memory_space<hbm>> -> memref<8x768xf32, #tpu.memory_space<hbm>>
        %dma_wait3A_174 = arith.constant 0 : i32
        %dma_wait3A_175 = tpu.memref_slice %arg4[%select_n3A, %multiple_of3A, %dma_wait3A_174] : memref<4x4096x768xf32, #tpu.memory_space<hbm>> -> memref<1x8x768xf32, #tpu.memory_space<hbm>>
        %dma_wait3A_176 = tpu.memref_squeeze %dma_wait3A_175 : memref<1x8x768xf32, #tpu.memory_space<hbm>> -> memref<8x768xf32, #tpu.memory_space<hbm>>
        %dma_wait3A_177 = arith.constant 0 : i32
        %dma_wait3A_178 = arith.constant 0 : i32
        %dma_wait3A_179 = tpu.memref_slice %arg6[%dma_wait3A_166, %dma_wait3A_177, %dma_wait3A_178] : memref<3x56x768xf32, #tpu.memory_space<vmem>> -> memref<1x8x768xf32, #tpu.memory_space<vmem>>
        %dma_wait3A_180 = tpu.memref_squeeze %dma_wait3A_179 : memref<1x8x768xf32, #tpu.memory_space<vmem>> -> memref<8x768xf32, #tpu.memory_space<vmem>>
        tpu.wait_dma2 semaphore(%arg9 : memref<!tpu.dma_semaphore, #tpu.memory_space<semaphore_mem>>) src(%dma_wait3A_180 : memref<8x768xf32, #tpu.memory_space<vmem>>) dst(%dma_wait3A_176 : memref<8x768xf32, #tpu.memory_space<hbm>>)
      } else {
      }
      %add3A_126 = arith.constant 1 : i32
      %add3A_127 = arith.addi %scan3A_111, %add3A_126 : i32
      %lt3A = arith.constant 9 : i32
      %lt3A_128 = arith.cmpi slt, %add3A_127, %lt3A : i32
      %convert_element_type3A_129 = arith.extui %lt3A_128 : i1 to i32
      %cond3A_130 = arith.constant 0 : i32
      %cond3A_131 = arith.cmpi ne, %convert_element_type3A_129, %cond3A_130 : i32
      scf.if %cond3A_131 {
        %add3A_166 = arith.constant 1 : i32
        %add3A_167 = arith.addi %scan3A_111, %add3A_166 : i32
        %mul3A_168 = arith.constant 56 : i32
        %mul3A_169 = arith.muli %add3A_167, %mul3A_168 : i32
        %multiple_of3A_170 = tpu.assume_multiple %mul3A_169, 8 : i32
        %dma_start3A_171 = arith.constant 0 : i32
        %dma_start3A_172 = arith.constant 0 : i32
        %dma_start3A_173 = tpu.memref_slice %arg6[%rem3A_119, %dma_start3A_171, %dma_start3A_172] : memref<3x56x768xf32, #tpu.memory_space<vmem>> -> memref<1x56x768xf32, #tpu.memory_space<vmem>>
        %dma_start3A_174 = tpu.memref_squeeze %dma_start3A_173 : memref<1x56x768xf32, #tpu.memory_space<vmem>> -> memref<56x768xf32, #tpu.memory_space<vmem>>
        %dma_start3A_175 = tpu.memref_slice %arg5[%multiple_of3A_170] : memref<512xi32, #tpu.memory_space<vmem>> -> memref<56xi32, #tpu.memory_space<vmem>>
        %dma_start3A_176 = arith.constant 0 : i32
        %dma_start3A_177 = arith.constant 0 : i32
        %dma_start3A_178 = tpu.memref_slice %arg3[%dma_start3A_176, %dma_start3A_177] : memref<100000x768xf32, #tpu.memory_space<hbm>> -> memref<100000x768xf32, #tpu.memory_space<hbm>>
        tpu.enqueue_indirect_dma source(%dma_start3A_178 : memref<100000x768xf32, #tpu.memory_space<hbm>>) target(%dma_start3A_174 : memref<56x768xf32, #tpu.memory_space<vmem>>) offsets(%dma_start3A_175 : memref<56xi32, #tpu.memory_space<vmem>>) semaphore(%arg7 : memref<!tpu.dma_semaphore, #tpu.memory_space<semaphore_mem>>)
      } else {
      }
      %dma_wait3A_132 = arith.constant 0 : i32
      %dma_wait3A_133 = arith.constant 0 : i32
      %dma_wait3A_134 = arith.constant 0 : i32
      %dma_wait3A_135 = tpu.memref_slice %arg6[%dma_wait3A_132, %dma_wait3A_133, %dma_wait3A_134] : memref<3x56x768xf32, #tpu.memory_space<vmem>> -> memref<1x56x768xf32, #tpu.memory_space<vmem>>
      %dma_wait3A_136 = tpu.memref_squeeze %dma_wait3A_135 : memref<1x56x768xf32, #tpu.memory_space<vmem>> -> memref<56x768xf32, #tpu.memory_space<vmem>>
      %dma_wait3A_137 = arith.constant 0 : i32
      %dma_wait3A_138 = tpu.memref_slice %arg5[%dma_wait3A_137] : memref<512xi32, #tpu.memory_space<vmem>> -> memref<56xi32, #tpu.memory_space<vmem>>
      %dma_wait3A_139 = arith.constant 0 : i32
      %dma_wait3A_140 = arith.constant 0 : i32
      %dma_wait3A_141 = tpu.memref_slice %arg3[%dma_wait3A_139, %dma_wait3A_140] : memref<100000x768xf32, #tpu.memory_space<hbm>> -> memref<100000x768xf32, #tpu.memory_space<hbm>>
      tpu.wait_indirect_dma semaphore(%arg7 : memref<!tpu.dma_semaphore, #tpu.memory_space<semaphore_mem>>) src(%dma_wait3A_141 : memref<100000x768xf32, #tpu.memory_space<hbm>>) dst(%dma_wait3A_136 : memref<56x768xf32, #tpu.memory_space<vmem>>)
      %scan3A_142 = arith.constant 0 : i32
      %scan3A_143 = arith.constant 0 : i32
      %scan3A_144 = arith.constant 56 : i32
      %scan3A_145 = arith.addi %scan3A_143, %scan3A_144 : i32
      %scan3A_146 = arith.constant 1 : i32
      scf.for %scan3A_166 = %scan3A_143 to %scan3A_145 step %scan3A_146  : i32 {
        %get3A = arith.constant 0 : i32
        %get3A_167 = arith.constant 0 : i32
        %get3A_168 = tpu.memref_slice %arg6[%rem3A_115, %get3A, %get3A_167] : memref<3x56x768xf32, #tpu.memory_space<vmem>> -> memref<1x56x768xf32, #tpu.memory_space<vmem>>
        %get3A_169 = tpu.memref_squeeze %get3A_168 : memref<1x56x768xf32, #tpu.memory_space<vmem>> -> memref<56x768xf32, #tpu.memory_space<vmem>>
        %get3A_170 = arith.index_cast %scan3A_166 : i32 to index
        %get3A_171 = arith.constant 0 : index
        %get3A_172 = tpu.vector_load %get3A_169[%get3A_170, %get3A_171] {strides = array<i32>} : memref<56x768xf32, #tpu.memory_space<vmem>>, vector<1x16xf32>,
        %get3A_173 = vector.shape_cast %get3A_172 : vector<1x16xf32> to vector<16xf32>
        %mul3A_174 = arith.constant 27.7128124 : f32
        %mul3A_175 = vector.broadcast %mul3A_174 : f32 to vector<16xf32>
        %mul3A_176 = arith.mulf %get3A_173, %mul3A_175 : vector<16xf32>
        %swap3A = arith.constant 0 : i32
        %swap3A_177 = arith.constant 0 : i32
        %swap3A_178 = tpu.memref_slice %arg6[%rem3A_115, %swap3A, %swap3A_177] : memref<3x56x768xf32, #tpu.memory_space<vmem>> -> memref<1x56x768xf32, #tpu.memory_space<vmem>>
        %swap3A_179 = tpu.memref_squeeze %swap3A_178 : memref<1x56x768xf32, #tpu.memory_space<vmem>> -> memref<56x768xf32, #tpu.memory_space<vmem>>
        %swap3A_180 = arith.index_cast %scan3A_166 : i32 to index
        %swap3A_181 = arith.constant 0 : index
        %swap3A_182 = tpu.vector_load %swap3A_179[%swap3A_180, %swap3A_181] {strides = array<i32>} : memref<56x768xf32, #tpu.memory_space<vmem>>, vector<1x16xf32>,
        %swap3A_183 = vector.shape_cast %swap3A_182 : vector<1x16xf32> to vector<16xf32>
        %swap3A_184 = vector.shape_cast %mul3A_176 : vector<16xf32> to vector<1x16xf32>
        tpu.vector_store %swap3A_179[%swap3A_180, %swap3A_181], %swap3A_184 {strides = array<i32>} : memref<56x768xf32, #tpu.memory_space<vmem>>, vector<1x16xf32>,
        %get3A_185 = arith.constant 0 : i32
        %get3A_186 = arith.constant 0 : i32
        %get3A_187 = tpu.memref_slice %arg6[%rem3A_115, %get3A_185, %get3A_186] : memref<3x56x768xf32, #tpu.memory_space<vmem>> -> memref<1x56x768xf32, #tpu.memory_space<vmem>>
        %get3A_188 = tpu.memref_squeeze %get3A_187 : memref<1x56x768xf32, #tpu.memory_space<vmem>> -> memref<56x768xf32, #tpu.memory_space<vmem>>
        %get3A_189 = arith.index_cast %scan3A_166 : i32 to index
        %get3A_190 = arith.constant 16 : index
        %get3A_191 = tpu.vector_load %get3A_188[%get3A_189, %get3A_190] {strides = array<i32>} : memref<56x768xf32, #tpu.memory_space<vmem>>, vector<1x16xf32>,
        %get3A_192 = vector.shape_cast %get3A_191 : vector<1x16xf32> to vector<16xf32>
        %mul3A_193 = arith.constant 27.7128124 : f32
        %mul3A_194 = vector.broadcast %mul3A_193 : f32 to vector<16xf32>
        %mul3A_195 = arith.mulf %get3A_192, %mul3A_194 : vector<16xf32>
        %swap3A_196 = arith.constant 0 : i32
        %swap3A_197 = arith.constant 0 : i32
        %swap3A_198 = tpu.memref_slice %arg6[%rem3A_115, %swap3A_196, %swap3A_197] : memref<3x56x768xf32, #tpu.memory_space<vmem>> -> memref<1x56x768xf32, #tpu.memory_space<vmem>>
        %swap3A_199 = tpu.memref_squeeze %swap3A_198 : memref<1x56x768xf32, #tpu.memory_space<vmem>> -> memref<56x768xf32, #tpu.memory_space<vmem>>
        %swap3A_200 = arith.index_cast %scan3A_166 : i32 to index
        %swap3A_201 = arith.constant 16 : index
        %swap3A_202 = tpu.vector_load %swap3A_199[%swap3A_200, %swap3A_201] {strides = array<i32>} : memref<56x768xf32, #tpu.memory_space<vmem>>, vector<1x16xf32>,
        %swap3A_203 = vector.shape_cast %swap3A_202 : vector<1x16xf32> to vector<16xf32>
        %swap3A_204 = vector.shape_cast %mul3A_195 : vector<16xf32> to vector<1x16xf32>
        tpu.vector_store %swap3A_199[%swap3A_200, %swap3A_201], %swap3A_204 {strides = array<i32>} : memref<56x768xf32, #tpu.memory_space<vmem>>, vector<1x16xf32>,
        %get3A_205 = arith.constant 0 : i32
        %get3A_206 = arith.constant 0 : i32
        %get3A_207 = tpu.memref_slice %arg6[%rem3A_115, %get3A_205, %get3A_206] : memref<3x56x768xf32, #tpu.memory_space<vmem>> -> memref<1x56x768xf32, #tpu.memory_space<vmem>>
        %get3A_208 = tpu.memref_squeeze %get3A_207 : memref<1x56x768xf32, #tpu.memory_space<vmem>> -> memref<56x768xf32, #tpu.memory_space<vmem>>
        %get3A_209 = arith.index_cast %scan3A_166 : i32 to index
        %get3A_210 = arith.constant 32 : index
        %get3A_211 = tpu.vector_load %get3A_208[%get3A_209, %get3A_210] {strides = array<i32>} : memref<56x768xf32, #tpu.memory_space<vmem>>, vector<1x16xf32>,
        %get3A_212 = vector.shape_cast %get3A_211 : vector<1x16xf32> to vector<16xf32>
        %mul3A_213 = arith.constant 27.7128124 : f32
        %mul3A_214 = vector.broadcast %mul3A_213 : f32 to vector<16xf32>
        %mul3A_215 = arith.mulf %get3A_212, %mul3A_214 : vector<16xf32>
        %swap3A_216 = arith.constant 0 : i32
        %swap3A_217 = arith.constant 0 : i32
        %swap3A_218 = tpu.memref_slice %arg6[%rem3A_115, %swap3A_216, %swap3A_217] : memref<3x56x768xf32, #tpu.memory_space<vmem>> -> memref<1x56x768xf32, #tpu.memory_space<vmem>>
        %swap3A_219 = tpu.memref_squeeze %swap3A_218 : memref<1x56x768xf32, #tpu.memory_space<vmem>> -> memref<56x768xf32, #tpu.memory_space<vmem>>
        %swap3A_220 = arith.index_cast %scan3A_166 : i32 to index
        %swap3A_221 = arith.constant 32 : index
        %swap3A_222 = tpu.vector_load %swap3A_219[%swap3A_220, %swap3A_221] {strides = array<i32>} : memref<56x768xf32, #tpu.memory_space<vmem>>, vector<1x16xf32>,
        %swap3A_223 = vector.shape_cast %swap3A_222 : vector<1x16xf32> to vector<16xf32>
        %swap3A_224 = vector.shape_cast %mul3A_215 : vector<16xf32> to vector<1x16xf32>
        tpu.vector_store %swap3A_219[%swap3A_220, %swap3A_221], %swap3A_224 {strides = array<i32>} : memref<56x768xf32, #tpu.memory_space<vmem>>, vector<1x16xf32>,
        %get3A_225 = arith.constant 0 : i32
        %get3A_226 = arith.constant 0 : i32
        %get3A_227 = tpu.memref_slice %arg6[%rem3A_115, %get3A_225, %get3A_226] : memref<3x56x768xf32, #tpu.memory_space<vmem>> -> memref<1x56x768xf32, #tpu.memory_space<vmem>>
        %get3A_228 = tpu.memref_squeeze %get3A_227 : memref<1x56x768xf32, #tpu.memory_space<vmem>> -> memref<56x768xf32, #tpu.memory_space<vmem>>
        %get3A_229 = arith.index_cast %scan3A_166 : i32 to index
        %get3A_230 = arith.constant 48 : index
        %get3A_231 = tpu.vector_load %get3A_228[%get3A_229, %get3A_230] {strides = array<i32>} : memref<56x768xf32, #tpu.memory_space<vmem>>, vector<1x16xf32>,
        %get3A_232 = vector.shape_cast %get3A_231 : vector<1x16xf32> to vector<16xf32>
        %mul3A_233 = arith.constant 27.7128124 : f32
        %mul3A_234 = vector.broadcast %mul3A_233 : f32 to vector<16xf32>
        %mul3A_235 = arith.mulf %get3A_232, %mul3A_234 : vector<16xf32>
        %swap3A_236 = arith.constant 0 : i32
        %swap3A_237 = arith.constant 0 : i32
        %swap3A_238 = tpu.memref_slice %arg6[%rem3A_115, %swap3A_236, %swap3A_237] : memref<3x56x768xf32, #tpu.memory_space<vmem>> -> memref<1x56x768xf32, #tpu.memory_space<vmem>>
        %swap3A_239 = tpu.memref_squeeze %swap3A_238 : memref<1x56x768xf32, #tpu.memory_space<vmem>> -> memref<56x768xf32, #tpu.memory_space<vmem>>
        %swap3A_240 = arith.index_cast %scan3A_166 : i32 to index
        %swap3A_241 = arith.constant 48 : index
        %swap3A_242 = tpu.vector_load %swap3A_239[%swap3A_240, %swap3A_241] {strides = array<i32>} : memref<56x768xf32, #tpu.memory_space<vmem>>, vector<1x16xf32>,
        %swap3A_243 = vector.shape_cast %swap3A_242 : vector<1x16xf32> to vector<16xf32>
        %swap3A_244 = vector.shape_cast %mul3A_235 : vector<16xf32> to vector<1x16xf32>
        tpu.vector_store %swap3A_239[%swap3A_240, %swap3A_241], %swap3A_244 {strides = array<i32>} : memref<56x768xf32, #tpu.memory_space<vmem>>, vector<1x16xf32>,
        %get3A_245 = arith.constant 0 : i32
        %get3A_246 = arith.constant 0 : i32
        %get3A_247 = tpu.memref_slice %arg6[%rem3A_115, %get3A_245, %get3A_246] : memref<3x56x768xf32, #tpu.memory_space<vmem>> -> memref<1x56x768xf32, #tpu.memory_space<vmem>>
        %get3A_248 = tpu.memref_squeeze %get3A_247 : memref<1x56x768xf32, #tpu.memory_space<vmem>> -> memref<56x768xf32, #tpu.memory_space<vmem>>
        %get3A_249 = arith.index_cast %scan3A_166 : i32 to index
        %get3A_250 = arith.constant 64 : index
        %get3A_251 = tpu.vector_load %get3A_248[%get3A_249, %get3A_250] {strides = array<i32>} : memref<56x768xf32, #tpu.memory_space<vmem>>, vector<1x16xf32>,
        %get3A_252 = vector.shape_cast %get3A_251 : vector<1x16xf32> to vector<16xf32>
        %mul3A_253 = arith.constant 27.7128124 : f32
        %mul3A_254 = vector.broadcast %mul3A_253 : f32 to vector<16xf32>
        %mul3A_255 = arith.mulf %get3A_252, %mul3A_254 : vector<16xf32>
        %swap3A_256 = arith.constant 0 : i32
        %swap3A_257 = arith.constant 0 : i32
        %swap3A_258 = tpu.memref_slice %arg6[%rem3A_115, %swap3A_256, %swap3A_257] : memref<3x56x768xf32, #tpu.memory_space<vmem>> -> memref<1x56x768xf32, #tpu.memory_space<vmem>>
        %swap3A_259 = tpu.memref_squeeze %swap3A_258 : memref<1x56x768xf32, #tpu.memory_space<vmem>> -> memref<56x768xf32, #tpu.memory_space<vmem>>
        %swap3A_260 = arith.index_cast %scan3A_166 : i32 to index
        %swap3A_261 = arith.constant 64 : index
        %swap3A_262 = tpu.vector_load %swap3A_259[%swap3A_260, %swap3A_261] {strides = array<i32>} : memref<56x768xf32, #tpu.memory_space<vmem>>, vector<1x16xf32>,
        %swap3A_263 = vector.shape_cast %swap3A_262 : vector<1x16xf32> to vector<16xf32>
        %swap3A_264 = vector.shape_cast %mul3A_255 : vector<16xf32> to vector<1x16xf32>
        tpu.vector_store %swap3A_259[%swap3A_260, %swap3A_261], %swap3A_264 {strides = array<i32>} : memref<56x768xf32, #tpu.memory_space<vmem>>, vector<1x16xf32>,
        %get3A_265 = arith.constant 0 : i32
        %get3A_266 = arith.constant 0 : i32
        %get3A_267 = tpu.memref_slice %arg6[%rem3A_115, %get3A_265, %get3A_266] : memref<3x56x768xf32, #tpu.memory_space<vmem>> -> memref<1x56x768xf32, #tpu.memory_space<vmem>>
        %get3A_268 = tpu.memref_squeeze %get3A_267 : memref<1x56x768xf32, #tpu.memory_space<vmem>> -> memref<56x768xf32, #tpu.memory_space<vmem>>
        %get3A_269 = arith.index_cast %scan3A_166 : i32 to index
        %get3A_270 = arith.constant 80 : index
        %get3A_271 = tpu.vector_load %get3A_268[%get3A_269, %get3A_270] {strides = array<i32>} : memref<56x768xf32, #tpu.memory_space<vmem>>, vector<1x16xf32>,
        %get3A_272 = vector.shape_cast %get3A_271 : vector<1x16xf32> to vector<16xf32>
        %mul3A_273 = arith.constant 27.7128124 : f32
        %mul3A_274 = vector.broadcast %mul3A_273 : f32 to vector<16xf32>
        %mul3A_275 = arith.mulf %get3A_272, %mul3A_274 : vector<16xf32>
        %swap3A_276 = arith.constant 0 : i32
        %swap3A_277 = arith.constant 0 : i32
        %swap3A_278 = tpu.memref_slice %arg6[%rem3A_115, %swap3A_276, %swap3A_277] : memref<3x56x768xf32, #tpu.memory_space<vmem>> -> memref<1x56x768xf32, #tpu.memory_space<vmem>>
        %swap3A_279 = tpu.memref_squeeze %swap3A_278 : memref<1x56x768xf32, #tpu.memory_space<vmem>> -> memref<56x768xf32, #tpu.memory_space<vmem>>
        %swap3A_280 = arith.index_cast %scan3A_166 : i32 to index
        %swap3A_281 = arith.constant 80 : index
        %swap3A_282 = tpu.vector_load %swap3A_279[%swap3A_280, %swap3A_281] {strides = array<i32>} : memref<56x768xf32, #tpu.memory_space<vmem>>, vector<1x16xf32>,
        %swap3A_283 = vector.shape_cast %swap3A_282 : vector<1x16xf32> to vector<16xf32>
        %swap3A_284 = vector.shape_cast %mul3A_275 : vector<16xf32> to vector<1x16xf32>
        tpu.vector_store %swap3A_279[%swap3A_280, %swap3A_281], %swap3A_284 {strides = array<i32>} : memref<56x768xf32, #tpu.memory_space<vmem>>, vector<1x16xf32>,
        %get3A_285 = arith.constant 0 : i32
        %get3A_286 = arith.constant 0 : i32
        %get3A_287 = tpu.memref_slice %arg6[%rem3A_115, %get3A_285, %get3A_286] : memref<3x56x768xf32, #tpu.memory_space<vmem>> -> memref<1x56x768xf32, #tpu.memory_space<vmem>>
        %get3A_288 = tpu.memref_squeeze %get3A_287 : memref<1x56x768xf32, #tpu.memory_space<vmem>> -> memref<56x768xf32, #tpu.memory_space<vmem>>
        %get3A_289 = arith.index_cast %scan3A_166 : i32 to index
        %get3A_290 = arith.constant 96 : index
        %get3A_291 = tpu.vector_load %get3A_288[%get3A_289, %get3A_290] {strides = array<i32>} : memref<56x768xf32, #tpu.memory_space<vmem>>, vector<1x16xf32>,
        %get3A_292 = vector.shape_cast %get3A_291 : vector<1x16xf32> to vector<16xf32>
        %mul3A_293 = arith.constant 27.7128124 : f32
        %mul3A_294 = vector.broadcast %mul3A_293 : f32 to vector<16xf32>
        %mul3A_295 = arith.mulf %get3A_292, %mul3A_294 : vector<16xf32>
        %swap3A_296 = arith.constant 0 : i32
        %swap3A_297 = arith.constant 0 : i32
        %swap3A_298 = tpu.memref_slice %arg6[%rem3A_115, %swap3A_296, %swap3A_297] : memref<3x56x768xf32, #tpu.memory_space<vmem>> -> memref<1x56x768xf32, #tpu.memory_space<vmem>>
        %swap3A_299 = tpu.memref_squeeze %swap3A_298 : memref<1x56x768xf32, #tpu.memory_space<vmem>> -> memref<56x768xf32, #tpu.memory_space<vmem>>
        %swap3A_300 = arith.index_cast %scan3A_166 : i32 to index
        %swap3A_301 = arith.constant 96 : index
        %swap3A_302 = tpu.vector_load %swap3A_299[%swap3A_300, %swap3A_301] {strides = array<i32>} : memref<56x768xf32, #tpu.memory_space<vmem>>, vector<1x16xf32>,
        %swap3A_303 = vector.shape_cast %swap3A_302 : vector<1x16xf32> to vector<16xf32>
        %swap3A_304 = vector.shape_cast %mul3A_295 : vector<16xf32> to vector<1x16xf32>
        tpu.vector_store %swap3A_299[%swap3A_300, %swap3A_301], %swap3A_304 {strides = array<i32>} : memref<56x768xf32, #tpu.memory_space<vmem>>, vector<1x16xf32>,
        %get3A_305 = arith.constant 0 : i32
        %get3A_306 = arith.constant 0 : i32
        %get3A_307 = tpu.memref_slice %arg6[%rem3A_115, %get3A_305, %get3A_306] : memref<3x56x768xf32, #tpu.memory_space<vmem>> -> memref<1x56x768xf32, #tpu.memory_space<vmem>>
        %get3A_308 = tpu.memref_squeeze %get3A_307 : memref<1x56x768xf32, #tpu.memory_space<vmem>> -> memref<56x768xf32, #tpu.memory_space<vmem>>
        %get3A_309 = arith.index_cast %scan3A_166 : i32 to index
        %get3A_310 = arith.constant 112 : index
        %get3A_311 = tpu.vector_load %get3A_308[%get3A_309, %get3A_310] {strides = array<i32>} : memref<56x768xf32, #tpu.memory_space<vmem>>, vector<1x16xf32>,
        %get3A_312 = vector.shape_cast %get3A_311 : vector<1x16xf32> to vector<16xf32>
        %mul3A_313 = arith.constant 27.7128124 : f32
        %mul3A_314 = vector.broadcast %mul3A_313 : f32 to vector<16xf32>
        %mul3A_315 = arith.mulf %get3A_312, %mul3A_314 : vector<16xf32>
        %swap3A_316 = arith.constant 0 : i32
        %swap3A_317 = arith.constant 0 : i32
        %swap3A_318 = tpu.memref_slice %arg6[%rem3A_115, %swap3A_316, %swap3A_317] : memref<3x56x768xf32, #tpu.memory_space<vmem>> -> memref<1x56x768xf32, #tpu.memory_space<vmem>>
        %swap3A_319 = tpu.memref_squeeze %swap3A_318 : memref<1x56x768xf32, #tpu.memory_space<vmem>> -> memref<56x768xf32, #tpu.memory_space<vmem>>
        %swap3A_320 = arith.index_cast %scan3A_166 : i32 to index
        %swap3A_321 = arith.constant 112 : index
        %swap3A_322 = tpu.vector_load %swap3A_319[%swap3A_320, %swap3A_321] {strides = array<i32>} : memref<56x768xf32, #tpu.memory_space<vmem>>, vector<1x16xf32>,
        %swap3A_323 = vector.shape_cast %swap3A_322 : vector<1x16xf32> to vector<16xf32>
        %swap3A_324 = vector.shape_cast %mul3A_315 : vector<16xf32> to vector<1x16xf32>
        tpu.vector_store %swap3A_319[%swap3A_320, %swap3A_321], %swap3A_324 {strides = array<i32>} : memref<56x768xf32, #tpu.memory_space<vmem>>, vector<1x16xf32>,
        %get3A_325 = arith.constant 0 : i32
        %get3A_326 = arith.constant 0 : i32
        %get3A_327 = tpu.memref_slice %arg6[%rem3A_115, %get3A_325, %get3A_326] : memref<3x56x768xf32, #tpu.memory_space<vmem>> -> memref<1x56x768xf32, #tpu.memory_space<vmem>>
        %get3A_328 = tpu.memref_squeeze %get3A_327 : memref<1x56x768xf32, #tpu.memory_space<vmem>> -> memref<56x768xf32, #tpu.memory_space<vmem>>
        %get3A_329 = arith.index_cast %scan3A_166 : i32 to index
        %get3A_330 = arith.constant 128 : index
        %get3A_331 = tpu.vector_load %get3A_328[%get3A_329, %get3A_330] {strides = array<i32>} : memref<56x768xf32, #tpu.memory_space<vmem>>, vector<1x16xf32>,
        %get3A_332 = vector.shape_cast %get3A_331 : vector<1x16xf32> to vector<16xf32>
        %mul3A_333 = arith.constant 27.7128124 : f32
        %mul3A_334 = vector.broadcast %mul3A_333 : f32 to vector<16xf32>
        %mul3A_335 = arith.mulf %get3A_332, %mul3A_334 : vector<16xf32>
        %swap3A_336 = arith.constant 0 : i32
        %swap3A_337 = arith.constant 0 : i32
        %swap3A_338 = tpu.memref_slice %arg6[%rem3A_115, %swap3A_336, %swap3A_337] : memref<3x56x768xf32, #tpu.memory_space<vmem>> -> memref<1x56x768xf32, #tpu.memory_space<vmem>>
        %swap3A_339 = tpu.memref_squeeze %swap3A_338 : memref<1x56x768xf32, #tpu.memory_space<vmem>> -> memref<56x768xf32, #tpu.memory_space<vmem>>
        %swap3A_340 = arith.index_cast %scan3A_166 : i32 to index
        %swap3A_341 = arith.constant 128 : index
        %swap3A_342 = tpu.vector_load %swap3A_339[%swap3A_340, %swap3A_341] {strides = array<i32>} : memref<56x768xf32, #tpu.memory_space<vmem>>, vector<1x16xf32>,
        %swap3A_343 = vector.shape_cast %swap3A_342 : vector<1x16xf32> to vector<16xf32>
        %swap3A_344 = vector.shape_cast %mul3A_335 : vector<16xf32> to vector<1x16xf32>
        tpu.vector_store %swap3A_339[%swap3A_340, %swap3A_341], %swap3A_344 {strides = array<i32>} : memref<56x768xf32, #tpu.memory_space<vmem>>, vector<1x16xf32>,
        %get3A_345 = arith.constant 0 : i32
        %get3A_346 = arith.constant 0 : i32
        %get3A_347 = tpu.memref_slice %arg6[%rem3A_115, %get3A_345, %get3A_346] : memref<3x56x768xf32, #tpu.memory_space<vmem>> -> memref<1x56x768xf32, #tpu.memory_space<vmem>>
        %get3A_348 = tpu.memref_squeeze %get3A_347 : memref<1x56x768xf32, #tpu.memory_space<vmem>> -> memref<56x768xf32, #tpu.memory_space<vmem>>
        %get3A_349 = arith.index_cast %scan3A_166 : i32 to index
        %get3A_350 = arith.constant 144 : index
        %get3A_351 = tpu.vector_load %get3A_348[%get3A_349, %get3A_350] {strides = array<i32>} : memref<56x768xf32, #tpu.memory_space<vmem>>, vector<1x16xf32>,
        %get3A_352 = vector.shape_cast %get3A_351 : vector<1x16xf32> to vector<16xf32>
        %mul3A_353 = arith.constant 27.7128124 : f32
        %mul3A_354 = vector.broadcast %mul3A_353 : f32 to vector<16xf32>
        %mul3A_355 = arith.mulf %get3A_352, %mul3A_354 : vector<16xf32>
        %swap3A_356 = arith.constant 0 : i32
        %swap3A_357 = arith.constant 0 : i32
        %swap3A_358 = tpu.memref_slice %arg6[%rem3A_115, %swap3A_356, %swap3A_357] : memref<3x56x768xf32, #tpu.memory_space<vmem>> -> memref<1x56x768xf32, #tpu.memory_space<vmem>>
        %swap3A_359 = tpu.memref_squeeze %swap3A_358 : memref<1x56x768xf32, #tpu.memory_space<vmem>> -> memref<56x768xf32, #tpu.memory_space<vmem>>
        %swap3A_360 = arith.index_cast %scan3A_166 : i32 to index
        %swap3A_361 = arith.constant 144 : index
        %swap3A_362 = tpu.vector_load %swap3A_359[%swap3A_360, %swap3A_361] {strides = array<i32>} : memref<56x768xf32, #tpu.memory_space<vmem>>, vector<1x16xf32>,
        %swap3A_363 = vector.shape_cast %swap3A_362 : vector<1x16xf32> to vector<16xf32>
        %swap3A_364 = vector.shape_cast %mul3A_355 : vector<16xf32> to vector<1x16xf32>
        tpu.vector_store %swap3A_359[%swap3A_360, %swap3A_361], %swap3A_364 {strides = array<i32>} : memref<56x768xf32, #tpu.memory_space<vmem>>, vector<1x16xf32>,
        %get3A_365 = arith.constant 0 : i32
        %get3A_366 = arith.constant 0 : i32
        %get3A_367 = tpu.memref_slice %arg6[%rem3A_115, %get3A_365, %get3A_366] : memref<3x56x768xf32, #tpu.memory_space<vmem>> -> memref<1x56x768xf32, #tpu.memory_space<vmem>>
        %get3A_368 = tpu.memref_squeeze %get3A_367 : memref<1x56x768xf32, #tpu.memory_space<vmem>> -> memref<56x768xf32, #tpu.memory_space<vmem>>
        %get3A_369 = arith.index_cast %scan3A_166 : i32 to index
        %get3A_370 = arith.constant 160 : index
        %get3A_371 = tpu.vector_load %get3A_368[%get3A_369, %get3A_370] {strides = array<i32>} : memref<56x768xf32, #tpu.memory_space<vmem>>, vector<1x16xf32>,
        %get3A_372 = vector.shape_cast %get3A_371 : vector<1x16xf32> to vector<16xf32>
        %mul3A_373 = arith.constant 27.7128124 : f32
        %mul3A_374 = vector.broadcast %mul3A_373 : f32 to vector<16xf32>
        %mul3A_375 = arith.mulf %get3A_372, %mul3A_374 : vector<16xf32>
        %swap3A_376 = arith.constant 0 : i32
        %swap3A_377 = arith.constant 0 : i32
        %swap3A_378 = tpu.memref_slice %arg6[%rem3A_115, %swap3A_376, %swap3A_377] : memref<3x56x768xf32, #tpu.memory_space<vmem>> -> memref<1x56x768xf32, #tpu.memory_space<vmem>>
        %swap3A_379 = tpu.memref_squeeze %swap3A_378 : memref<1x56x768xf32, #tpu.memory_space<vmem>> -> memref<56x768xf32, #tpu.memory_space<vmem>>
        %swap3A_380 = arith.index_cast %scan3A_166 : i32 to index
        %swap3A_381 = arith.constant 160 : index
        %swap3A_382 = tpu.vector_load %swap3A_379[%swap3A_380, %swap3A_381] {strides = array<i32>} : memref<56x768xf32, #tpu.memory_space<vmem>>, vector<1x16xf32>,
        %swap3A_383 = vector.shape_cast %swap3A_382 : vector<1x16xf32> to vector<16xf32>
        %swap3A_384 = vector.shape_cast %mul3A_375 : vector<16xf32> to vector<1x16xf32>
        tpu.vector_store %swap3A_379[%swap3A_380, %swap3A_381], %swap3A_384 {strides = array<i32>} : memref<56x768xf32, #tpu.memory_space<vmem>>, vector<1x16xf32>,
        %get3A_385 = arith.constant 0 : i32
        %get3A_386 = arith.constant 0 : i32
        %get3A_387 = tpu.memref_slice %arg6[%rem3A_115, %get3A_385, %get3A_386] : memref<3x56x768xf32, #tpu.memory_space<vmem>> -> memref<1x56x768xf32, #tpu.memory_space<vmem>>
        %get3A_388 = tpu.memref_squeeze %get3A_387 : memref<1x56x768xf32, #tpu.memory_space<vmem>> -> memref<56x768xf32, #tpu.memory_space<vmem>>
        %get3A_389 = arith.index_cast %scan3A_166 : i32 to index
        %get3A_390 = arith.constant 176 : index
        %get3A_391 = tpu.vector_load %get3A_388[%get3A_389, %get3A_390] {strides = array<i32>} : memref<56x768xf32, #tpu.memory_space<vmem>>, vector<1x16xf32>,
        %get3A_392 = vector.shape_cast %get3A_391 : vector<1x16xf32> to vector<16xf32>
        %mul3A_393 = arith.constant 27.7128124 : f32
        %mul3A_394 = vector.broadcast %mul3A_393 : f32 to vector<16xf32>
        %mul3A_395 = arith.mulf %get3A_392, %mul3A_394 : vector<16xf32>
        %swap3A_396 = arith.constant 0 : i32
        %swap3A_397 = arith.constant 0 : i32
        %swap3A_398 = tpu.memref_slice %arg6[%rem3A_115, %swap3A_396, %swap3A_397] : memref<3x56x768xf32, #tpu.memory_space<vmem>> -> memref<1x56x768xf32, #tpu.memory_space<vmem>>
        %swap3A_399 = tpu.memref_squeeze %swap3A_398 : memref<1x56x768xf32, #tpu.memory_space<vmem>> -> memref<56x768xf32, #tpu.memory_space<vmem>>
        %swap3A_400 = arith.index_cast %scan3A_166 : i32 to index
        %swap3A_401 = arith.constant 176 : index
        %swap3A_402 = tpu.vector_load %swap3A_399[%swap3A_400, %swap3A_401] {strides = array<i32>} : memref<56x768xf32, #tpu.memory_space<vmem>>, vector<1x16xf32>,
        %swap3A_403 = vector.shape_cast %swap3A_402 : vector<1x16xf32> to vector<16xf32>
        %swap3A_404 = vector.shape_cast %mul3A_395 : vector<16xf32> to vector<1x16xf32>
        tpu.vector_store %swap3A_399[%swap3A_400, %swap3A_401], %swap3A_404 {strides = array<i32>} : memref<56x768xf32, #tpu.memory_space<vmem>>, vector<1x16xf32>,
        %get3A_405 = arith.constant 0 : i32
        %get3A_406 = arith.constant 0 : i32
        %get3A_407 = tpu.memref_slice %arg6[%rem3A_115, %get3A_405, %get3A_406] : memref<3x56x768xf32, #tpu.memory_space<vmem>> -> memref<1x56x768xf32, #tpu.memory_space<vmem>>
        %get3A_408 = tpu.memref_squeeze %get3A_407 : memref<1x56x768xf32, #tpu.memory_space<vmem>> -> memref<56x768xf32, #tpu.memory_space<vmem>>
        %get3A_409 = arith.index_cast %scan3A_166 : i32 to index
        %get3A_410 = arith.constant 192 : index
        %get3A_411 = tpu.vector_load %get3A_408[%get3A_409, %get3A_410] {strides = array<i32>} : memref<56x768xf32, #tpu.memory_space<vmem>>, vector<1x16xf32>,
        %get3A_412 = vector.shape_cast %get3A_411 : vector<1x16xf32> to vector<16xf32>
        %mul3A_413 = arith.constant 27.7128124 : f32
        %mul3A_414 = vector.broadcast %mul3A_413 : f32 to vector<16xf32>
        %mul3A_415 = arith.mulf %get3A_412, %mul3A_414 : vector<16xf32>
        %swap3A_416 = arith.constant 0 : i32
        %swap3A_417 = arith.constant 0 : i32
        %swap3A_418 = tpu.memref_slice %arg6[%rem3A_115, %swap3A_416, %swap3A_417] : memref<3x56x768xf32, #tpu.memory_space<vmem>> -> memref<1x56x768xf32, #tpu.memory_space<vmem>>
        %swap3A_419 = tpu.memref_squeeze %swap3A_418 : memref<1x56x768xf32, #tpu.memory_space<vmem>> -> memref<56x768xf32, #tpu.memory_space<vmem>>
        %swap3A_420 = arith.index_cast %scan3A_166 : i32 to index
        %swap3A_421 = arith.constant 192 : index
        %swap3A_422 = tpu.vector_load %swap3A_419[%swap3A_420, %swap3A_421] {strides = array<i32>} : memref<56x768xf32, #tpu.memory_space<vmem>>, vector<1x16xf32>,
        %swap3A_423 = vector.shape_cast %swap3A_422 : vector<1x16xf32> to vector<16xf32>
        %swap3A_424 = vector.shape_cast %mul3A_415 : vector<16xf32> to vector<1x16xf32>
        tpu.vector_store %swap3A_419[%swap3A_420, %swap3A_421], %swap3A_424 {strides = array<i32>} : memref<56x768xf32, #tpu.memory_space<vmem>>, vector<1x16xf32>,
        %get3A_425 = arith.constant 0 : i32
        %get3A_426 = arith.constant 0 : i32
        %get3A_427 = tpu.memref_slice %arg6[%rem3A_115, %get3A_425, %get3A_426] : memref<3x56x768xf32, #tpu.memory_space<vmem>> -> memref<1x56x768xf32, #tpu.memory_space<vmem>>
        %get3A_428 = tpu.memref_squeeze %get3A_427 : memref<1x56x768xf32, #tpu.memory_space<vmem>> -> memref<56x768xf32, #tpu.memory_space<vmem>>
        %get3A_429 = arith.index_cast %scan3A_166 : i32 to index
        %get3A_430 = arith.constant 208 : index
        %get3A_431 = tpu.vector_load %get3A_428[%get3A_429, %get3A_430] {strides = array<i32>} : memref<56x768xf32, #tpu.memory_space<vmem>>, vector<1x16xf32>,
        %get3A_432 = vector.shape_cast %get3A_431 : vector<1x16xf32> to vector<16xf32>
        %mul3A_433 = arith.constant 27.7128124 : f32
        %mul3A_434 = vector.broadcast %mul3A_433 : f32 to vector<16xf32>
        %mul3A_435 = arith.mulf %get3A_432, %mul3A_434 : vector<16xf32>
        %swap3A_436 = arith.constant 0 : i32
        %swap3A_437 = arith.constant 0 : i32
        %swap3A_438 = tpu.memref_slice %arg6[%rem3A_115, %swap3A_436, %swap3A_437] : memref<3x56x768xf32, #tpu.memory_space<vmem>> -> memref<1x56x768xf32, #tpu.memory_space<vmem>>
        %swap3A_439 = tpu.memref_squeeze %swap3A_438 : memref<1x56x768xf32, #tpu.memory_space<vmem>> -> memref<56x768xf32, #tpu.memory_space<vmem>>
        %swap3A_440 = arith.index_cast %scan3A_166 : i32 to index
        %swap3A_441 = arith.constant 208 : index
        %swap3A_442 = tpu.vector_load %swap3A_439[%swap3A_440, %swap3A_441] {strides = array<i32>} : memref<56x768xf32, #tpu.memory_space<vmem>>, vector<1x16xf32>,
        %swap3A_443 = vector.shape_cast %swap3A_442 : vector<1x16xf32> to vector<16xf32>
        %swap3A_444 = vector.shape_cast %mul3A_435 : vector<16xf32> to vector<1x16xf32>
        tpu.vector_store %swap3A_439[%swap3A_440, %swap3A_441], %swap3A_444 {strides = array<i32>} : memref<56x768xf32, #tpu.memory_space<vmem>>, vector<1x16xf32>,
        %get3A_445 = arith.constant 0 : i32
        %get3A_446 = arith.constant 0 : i32
        %get3A_447 = tpu.memref_slice %arg6[%rem3A_115, %get3A_445, %get3A_446] : memref<3x56x768xf32, #tpu.memory_space<vmem>> -> memref<1x56x768xf32, #tpu.memory_space<vmem>>
        %get3A_448 = tpu.memref_squeeze %get3A_447 : memref<1x56x768xf32, #tpu.memory_space<vmem>> -> memref<56x768xf32, #tpu.memory_space<vmem>>
        %get3A_449 = arith.index_cast %scan3A_166 : i32 to index
        %get3A_450 = arith.constant 224 : index
        %get3A_451 = tpu.vector_load %get3A_448[%get3A_449, %get3A_450] {strides = array<i32>} : memref<56x768xf32, #tpu.memory_space<vmem>>, vector<1x16xf32>,
        %get3A_452 = vector.shape_cast %get3A_451 : vector<1x16xf32> to vector<16xf32>
        %mul3A_453 = arith.constant 27.7128124 : f32
        %mul3A_454 = vector.broadcast %mul3A_453 : f32 to vector<16xf32>
        %mul3A_455 = arith.mulf %get3A_452, %mul3A_454 : vector<16xf32>
        %swap3A_456 = arith.constant 0 : i32
        %swap3A_457 = arith.constant 0 : i32
        %swap3A_458 = tpu.memref_slice %arg6[%rem3A_115, %swap3A_456, %swap3A_457] : memref<3x56x768xf32, #tpu.memory_space<vmem>> -> memref<1x56x768xf32, #tpu.memory_space<vmem>>
        %swap3A_459 = tpu.memref_squeeze %swap3A_458 : memref<1x56x768xf32, #tpu.memory_space<vmem>> -> memref<56x768xf32, #tpu.memory_space<vmem>>
        %swap3A_460 = arith.index_cast %scan3A_166 : i32 to index
        %swap3A_461 = arith.constant 224 : index
        %swap3A_462 = tpu.vector_load %swap3A_459[%swap3A_460, %swap3A_461] {strides = array<i32>} : memref<56x768xf32, #tpu.memory_space<vmem>>, vector<1x16xf32>,
        %swap3A_463 = vector.shape_cast %swap3A_462 : vector<1x16xf32> to vector<16xf32>
        %swap3A_464 = vector.shape_cast %mul3A_455 : vector<16xf32> to vector<1x16xf32>
        tpu.vector_store %swap3A_459[%swap3A_460, %swap3A_461], %swap3A_464 {strides = array<i32>} : memref<56x768xf32, #tpu.memory_space<vmem>>, vector<1x16xf32>,
        %get3A_465 = arith.constant 0 : i32
        %get3A_466 = arith.constant 0 : i32
        %get3A_467 = tpu.memref_slice %arg6[%rem3A_115, %get3A_465, %get3A_466] : memref<3x56x768xf32, #tpu.memory_space<vmem>> -> memref<1x56x768xf32, #tpu.memory_space<vmem>>
        %get3A_468 = tpu.memref_squeeze %get3A_467 : memref<1x56x768xf32, #tpu.memory_space<vmem>> -> memref<56x768xf32, #tpu.memory_space<vmem>>
        %get3A_469 = arith.index_cast %scan3A_166 : i32 to index
        %get3A_470 = arith.constant 240 : index
        %get3A_471 = tpu.vector_load %get3A_468[%get3A_469, %get3A_470] {strides = array<i32>} : memref<56x768xf32, #tpu.memory_space<vmem>>, vector<1x16xf32>,
        %get3A_472 = vector.shape_cast %get3A_471 : vector<1x16xf32> to vector<16xf32>
        %mul3A_473 = arith.constant 27.7128124 : f32
        %mul3A_474 = vector.broadcast %mul3A_473 : f32 to vector<16xf32>
        %mul3A_475 = arith.mulf %get3A_472, %mul3A_474 : vector<16xf32>
        %swap3A_476 = arith.constant 0 : i32
        %swap3A_477 = arith.constant 0 : i32
        %swap3A_478 = tpu.memref_slice %arg6[%rem3A_115, %swap3A_476, %swap3A_477] : memref<3x56x768xf32, #tpu.memory_space<vmem>> -> memref<1x56x768xf32, #tpu.memory_space<vmem>>
        %swap3A_479 = tpu.memref_squeeze %swap3A_478 : memref<1x56x768xf32, #tpu.memory_space<vmem>> -> memref<56x768xf32, #tpu.memory_space<vmem>>
        %swap3A_480 = arith.index_cast %scan3A_166 : i32 to index
        %swap3A_481 = arith.constant 240 : index
        %swap3A_482 = tpu.vector_load %swap3A_479[%swap3A_480, %swap3A_481] {strides = array<i32>} : memref<56x768xf32, #tpu.memory_space<vmem>>, vector<1x16xf32>,
        %swap3A_483 = vector.shape_cast %swap3A_482 : vector<1x16xf32> to vector<16xf32>
        %swap3A_484 = vector.shape_cast %mul3A_475 : vector<16xf32> to vector<1x16xf32>
        tpu.vector_store %swap3A_479[%swap3A_480, %swap3A_481], %swap3A_484 {strides = array<i32>} : memref<56x768xf32, #tpu.memory_space<vmem>>, vector<1x16xf32>,
        %get3A_485 = arith.constant 0 : i32
        %get3A_486 = arith.constant 0 : i32
        %get3A_487 = tpu.memref_slice %arg6[%rem3A_115, %get3A_485, %get3A_486] : memref<3x56x768xf32, #tpu.memory_space<vmem>> -> memref<1x56x768xf32, #tpu.memory_space<vmem>>
        %get3A_488 = tpu.memref_squeeze %get3A_487 : memref<1x56x768xf32, #tpu.memory_space<vmem>> -> memref<56x768xf32, #tpu.memory_space<vmem>>
        %get3A_489 = arith.index_cast %scan3A_166 : i32 to index
        %get3A_490 = arith.constant 256 : index
        %get3A_491 = tpu.vector_load %get3A_488[%get3A_489, %get3A_490] {strides = array<i32>} : memref<56x768xf32, #tpu.memory_space<vmem>>, vector<1x16xf32>,
        %get3A_492 = vector.shape_cast %get3A_491 : vector<1x16xf32> to vector<16xf32>
        %mul3A_493 = arith.constant 27.7128124 : f32
        %mul3A_494 = vector.broadcast %mul3A_493 : f32 to vector<16xf32>
        %mul3A_495 = arith.mulf %get3A_492, %mul3A_494 : vector<16xf32>
        %swap3A_496 = arith.constant 0 : i32
        %swap3A_497 = arith.constant 0 : i32
        %swap3A_498 = tpu.memref_slice %arg6[%rem3A_115, %swap3A_496, %swap3A_497] : memref<3x56x768xf32, #tpu.memory_space<vmem>> -> memref<1x56x768xf32, #tpu.memory_space<vmem>>
        %swap3A_499 = tpu.memref_squeeze %swap3A_498 : memref<1x56x768xf32, #tpu.memory_space<vmem>> -> memref<56x768xf32, #tpu.memory_space<vmem>>
        %swap3A_500 = arith.index_cast %scan3A_166 : i32 to index
        %swap3A_501 = arith.constant 256 : index
        %swap3A_502 = tpu.vector_load %swap3A_499[%swap3A_500, %swap3A_501] {strides = array<i32>} : memref<56x768xf32, #tpu.memory_space<vmem>>, vector<1x16xf32>,
        %swap3A_503 = vector.shape_cast %swap3A_502 : vector<1x16xf32> to vector<16xf32>
        %swap3A_504 = vector.shape_cast %mul3A_495 : vector<16xf32> to vector<1x16xf32>
        tpu.vector_store %swap3A_499[%swap3A_500, %swap3A_501], %swap3A_504 {strides = array<i32>} : memref<56x768xf32, #tpu.memory_space<vmem>>, vector<1x16xf32>,
        %get3A_505 = arith.constant 0 : i32
        %get3A_506 = arith.constant 0 : i32
        %get3A_507 = tpu.memref_slice %arg6[%rem3A_115, %get3A_505, %get3A_506] : memref<3x56x768xf32, #tpu.memory_space<vmem>> -> memref<1x56x768xf32, #tpu.memory_space<vmem>>
        %get3A_508 = tpu.memref_squeeze %get3A_507 : memref<1x56x768xf32, #tpu.memory_space<vmem>> -> memref<56x768xf32, #tpu.memory_space<vmem>>
        %get3A_509 = arith.index_cast %scan3A_166 : i32 to index
        %get3A_510 = arith.constant 272 : index
        %get3A_511 = tpu.vector_load %get3A_508[%get3A_509, %get3A_510] {strides = array<i32>} : memref<56x768xf32, #tpu.memory_space<vmem>>, vector<1x16xf32>,
        %get3A_512 = vector.shape_cast %get3A_511 : vector<1x16xf32> to vector<16xf32>
        %mul3A_513 = arith.constant 27.7128124 : f32
        %mul3A_514 = vector.broadcast %mul3A_513 : f32 to vector<16xf32>
        %mul3A_515 = arith.mulf %get3A_512, %mul3A_514 : vector<16xf32>
        %swap3A_516 = arith.constant 0 : i32
        %swap3A_517 = arith.constant 0 : i32
        %swap3A_518 = tpu.memref_slice %arg6[%rem3A_115, %swap3A_516, %swap3A_517] : memref<3x56x768xf32, #tpu.memory_space<vmem>> -> memref<1x56x768xf32, #tpu.memory_space<vmem>>
        %swap3A_519 = tpu.memref_squeeze %swap3A_518 : memref<1x56x768xf32, #tpu.memory_space<vmem>> -> memref<56x768xf32, #tpu.memory_space<vmem>>
        %swap3A_520 = arith.index_cast %scan3A_166 : i32 to index
        %swap3A_521 = arith.constant 272 : index
        %swap3A_522 = tpu.vector_load %swap3A_519[%swap3A_520, %swap3A_521] {strides = array<i32>} : memref<56x768xf32, #tpu.memory_space<vmem>>, vector<1x16xf32>,
        %swap3A_523 = vector.shape_cast %swap3A_522 : vector<1x16xf32> to vector<16xf32>
        %swap3A_524 = vector.shape_cast %mul3A_515 : vector<16xf32> to vector<1x16xf32>
        tpu.vector_store %swap3A_519[%swap3A_520, %swap3A_521], %swap3A_524 {strides = array<i32>} : memref<56x768xf32, #tpu.memory_space<vmem>>, vector<1x16xf32>,
        %get3A_525 = arith.constant 0 : i32
        %get3A_526 = arith.constant 0 : i32
        %get3A_527 = tpu.memref_slice %arg6[%rem3A_115, %get3A_525, %get3A_526] : memref<3x56x768xf32, #tpu.memory_space<vmem>> -> memref<1x56x768xf32, #tpu.memory_space<vmem>>
        %get3A_528 = tpu.memref_squeeze %get3A_527 : memref<1x56x768xf32, #tpu.memory_space<vmem>> -> memref<56x768xf32, #tpu.memory_space<vmem>>
        %get3A_529 = arith.index_cast %scan3A_166 : i32 to index
        %get3A_530 = arith.constant 288 : index
        %get3A_531 = tpu.vector_load %get3A_528[%get3A_529, %get3A_530] {strides = array<i32>} : memref<56x768xf32, #tpu.memory_space<vmem>>, vector<1x16xf32>,
        %get3A_532 = vector.shape_cast %get3A_531 : vector<1x16xf32> to vector<16xf32>
        %mul3A_533 = arith.constant 27.7128124 : f32
        %mul3A_534 = vector.broadcast %mul3A_533 : f32 to vector<16xf32>
        %mul3A_535 = arith.mulf %get3A_532, %mul3A_534 : vector<16xf32>
        %swap3A_536 = arith.constant 0 : i32
        %swap3A_537 = arith.constant 0 : i32
        %swap3A_538 = tpu.memref_slice %arg6[%rem3A_115, %swap3A_536, %swap3A_537] : memref<3x56x768xf32, #tpu.memory_space<vmem>> -> memref<1x56x768xf32, #tpu.memory_space<vmem>>
        %swap3A_539 = tpu.memref_squeeze %swap3A_538 : memref<1x56x768xf32, #tpu.memory_space<vmem>> -> memref<56x768xf32, #tpu.memory_space<vmem>>
        %swap3A_540 = arith.index_cast %scan3A_166 : i32 to index
        %swap3A_541 = arith.constant 288 : index
        %swap3A_542 = tpu.vector_load %swap3A_539[%swap3A_540, %swap3A_541] {strides = array<i32>} : memref<56x768xf32, #tpu.memory_space<vmem>>, vector<1x16xf32>,
        %swap3A_543 = vector.shape_cast %swap3A_542 : vector<1x16xf32> to vector<16xf32>
        %swap3A_544 = vector.shape_cast %mul3A_535 : vector<16xf32> to vector<1x16xf32>
        tpu.vector_store %swap3A_539[%swap3A_540, %swap3A_541], %swap3A_544 {strides = array<i32>} : memref<56x768xf32, #tpu.memory_space<vmem>>, vector<1x16xf32>,
        %get3A_545 = arith.constant 0 : i32
        %get3A_546 = arith.constant 0 : i32
        %get3A_547 = tpu.memref_slice %arg6[%rem3A_115, %get3A_545, %get3A_546] : memref<3x56x768xf32, #tpu.memory_space<vmem>> -> memref<1x56x768xf32, #tpu.memory_space<vmem>>
        %get3A_548 = tpu.memref_squeeze %get3A_547 : memref<1x56x768xf32, #tpu.memory_space<vmem>> -> memref<56x768xf32, #tpu.memory_space<vmem>>
        %get3A_549 = arith.index_cast %scan3A_166 : i32 to index
        %get3A_550 = arith.constant 304 : index
        %get3A_551 = tpu.vector_load %get3A_548[%get3A_549, %get3A_550] {strides = array<i32>} : memref<56x768xf32, #tpu.memory_space<vmem>>, vector<1x16xf32>,
        %get3A_552 = vector.shape_cast %get3A_551 : vector<1x16xf32> to vector<16xf32>
        %mul3A_553 = arith.constant 27.7128124 : f32
        %mul3A_554 = vector.broadcast %mul3A_553 : f32 to vector<16xf32>
        %mul3A_555 = arith.mulf %get3A_552, %mul3A_554 : vector<16xf32>
        %swap3A_556 = arith.constant 0 : i32
        %swap3A_557 = arith.constant 0 : i32
        %swap3A_558 = tpu.memref_slice %arg6[%rem3A_115, %swap3A_556, %swap3A_557] : memref<3x56x768xf32, #tpu.memory_space<vmem>> -> memref<1x56x768xf32, #tpu.memory_space<vmem>>
        %swap3A_559 = tpu.memref_squeeze %swap3A_558 : memref<1x56x768xf32, #tpu.memory_space<vmem>> -> memref<56x768xf32, #tpu.memory_space<vmem>>
        %swap3A_560 = arith.index_cast %scan3A_166 : i32 to index
        %swap3A_561 = arith.constant 304 : index
        %swap3A_562 = tpu.vector_load %swap3A_559[%swap3A_560, %swap3A_561] {strides = array<i32>} : memref<56x768xf32, #tpu.memory_space<vmem>>, vector<1x16xf32>,
        %swap3A_563 = vector.shape_cast %swap3A_562 : vector<1x16xf32> to vector<16xf32>
        %swap3A_564 = vector.shape_cast %mul3A_555 : vector<16xf32> to vector<1x16xf32>
        tpu.vector_store %swap3A_559[%swap3A_560, %swap3A_561], %swap3A_564 {strides = array<i32>} : memref<56x768xf32, #tpu.memory_space<vmem>>, vector<1x16xf32>,
        %get3A_565 = arith.constant 0 : i32
        %get3A_566 = arith.constant 0 : i32
        %get3A_567 = tpu.memref_slice %arg6[%rem3A_115, %get3A_565, %get3A_566] : memref<3x56x768xf32, #tpu.memory_space<vmem>> -> memref<1x56x768xf32, #tpu.memory_space<vmem>>
        %get3A_568 = tpu.memref_squeeze %get3A_567 : memref<1x56x768xf32, #tpu.memory_space<vmem>> -> memref<56x768xf32, #tpu.memory_space<vmem>>
        %get3A_569 = arith.index_cast %scan3A_166 : i32 to index
        %get3A_570 = arith.constant 320 : index
        %get3A_571 = tpu.vector_load %get3A_568[%get3A_569, %get3A_570] {strides = array<i32>} : memref<56x768xf32, #tpu.memory_space<vmem>>, vector<1x16xf32>,
        %get3A_572 = vector.shape_cast %get3A_571 : vector<1x16xf32> to vector<16xf32>
        %mul3A_573 = arith.constant 27.7128124 : f32
        %mul3A_574 = vector.broadcast %mul3A_573 : f32 to vector<16xf32>
        %mul3A_575 = arith.mulf %get3A_572, %mul3A_574 : vector<16xf32>
        %swap3A_576 = arith.constant 0 : i32
        %swap3A_577 = arith.constant 0 : i32
        %swap3A_578 = tpu.memref_slice %arg6[%rem3A_115, %swap3A_576, %swap3A_577] : memref<3x56x768xf32, #tpu.memory_space<vmem>> -> memref<1x56x768xf32, #tpu.memory_space<vmem>>
        %swap3A_579 = tpu.memref_squeeze %swap3A_578 : memref<1x56x768xf32, #tpu.memory_space<vmem>> -> memref<56x768xf32, #tpu.memory_space<vmem>>
        %swap3A_580 = arith.index_cast %scan3A_166 : i32 to index
        %swap3A_581 = arith.constant 320 : index
        %swap3A_582 = tpu.vector_load %swap3A_579[%swap3A_580, %swap3A_581] {strides = array<i32>} : memref<56x768xf32, #tpu.memory_space<vmem>>, vector<1x16xf32>,
        %swap3A_583 = vector.shape_cast %swap3A_582 : vector<1x16xf32> to vector<16xf32>
        %swap3A_584 = vector.shape_cast %mul3A_575 : vector<16xf32> to vector<1x16xf32>
        tpu.vector_store %swap3A_579[%swap3A_580, %swap3A_581], %swap3A_584 {strides = array<i32>} : memref<56x768xf32, #tpu.memory_space<vmem>>, vector<1x16xf32>,
        %get3A_585 = arith.constant 0 : i32
        %get3A_586 = arith.constant 0 : i32
        %get3A_587 = tpu.memref_slice %arg6[%rem3A_115, %get3A_585, %get3A_586] : memref<3x56x768xf32, #tpu.memory_space<vmem>> -> memref<1x56x768xf32, #tpu.memory_space<vmem>>
        %get3A_588 = tpu.memref_squeeze %get3A_587 : memref<1x56x768xf32, #tpu.memory_space<vmem>> -> memref<56x768xf32, #tpu.memory_space<vmem>>
        %get3A_589 = arith.index_cast %scan3A_166 : i32 to index
        %get3A_590 = arith.constant 336 : index
        %get3A_591 = tpu.vector_load %get3A_588[%get3A_589, %get3A_590] {strides = array<i32>} : memref<56x768xf32, #tpu.memory_space<vmem>>, vector<1x16xf32>,
        %get3A_592 = vector.shape_cast %get3A_591 : vector<1x16xf32> to vector<16xf32>
        %mul3A_593 = arith.constant 27.7128124 : f32
        %mul3A_594 = vector.broadcast %mul3A_593 : f32 to vector<16xf32>
        %mul3A_595 = arith.mulf %get3A_592, %mul3A_594 : vector<16xf32>
        %swap3A_596 = arith.constant 0 : i32
        %swap3A_597 = arith.constant 0 : i32
        %swap3A_598 = tpu.memref_slice %arg6[%rem3A_115, %swap3A_596, %swap3A_597] : memref<3x56x768xf32, #tpu.memory_space<vmem>> -> memref<1x56x768xf32, #tpu.memory_space<vmem>>
        %swap3A_599 = tpu.memref_squeeze %swap3A_598 : memref<1x56x768xf32, #tpu.memory_space<vmem>> -> memref<56x768xf32, #tpu.memory_space<vmem>>
        %swap3A_600 = arith.index_cast %scan3A_166 : i32 to index
        %swap3A_601 = arith.constant 336 : index
        %swap3A_602 = tpu.vector_load %swap3A_599[%swap3A_600, %swap3A_601] {strides = array<i32>} : memref<56x768xf32, #tpu.memory_space<vmem>>, vector<1x16xf32>,
        %swap3A_603 = vector.shape_cast %swap3A_602 : vector<1x16xf32> to vector<16xf32>
        %swap3A_604 = vector.shape_cast %mul3A_595 : vector<16xf32> to vector<1x16xf32>
        tpu.vector_store %swap3A_599[%swap3A_600, %swap3A_601], %swap3A_604 {strides = array<i32>} : memref<56x768xf32, #tpu.memory_space<vmem>>, vector<1x16xf32>,
        %get3A_605 = arith.constant 0 : i32
        %get3A_606 = arith.constant 0 : i32
        %get3A_607 = tpu.memref_slice %arg6[%rem3A_115, %get3A_605, %get3A_606] : memref<3x56x768xf32, #tpu.memory_space<vmem>> -> memref<1x56x768xf32, #tpu.memory_space<vmem>>
        %get3A_608 = tpu.memref_squeeze %get3A_607 : memref<1x56x768xf32, #tpu.memory_space<vmem>> -> memref<56x768xf32, #tpu.memory_space<vmem>>
        %get3A_609 = arith.index_cast %scan3A_166 : i32 to index
        %get3A_610 = arith.constant 352 : index
        %get3A_611 = tpu.vector_load %get3A_608[%get3A_609, %get3A_610] {strides = array<i32>} : memref<56x768xf32, #tpu.memory_space<vmem>>, vector<1x16xf32>,
        %get3A_612 = vector.shape_cast %get3A_611 : vector<1x16xf32> to vector<16xf32>
        %mul3A_613 = arith.constant 27.7128124 : f32
        %mul3A_614 = vector.broadcast %mul3A_613 : f32 to vector<16xf32>
        %mul3A_615 = arith.mulf %get3A_612, %mul3A_614 : vector<16xf32>
        %swap3A_616 = arith.constant 0 : i32
        %swap3A_617 = arith.constant 0 : i32
        %swap3A_618 = tpu.memref_slice %arg6[%rem3A_115, %swap3A_616, %swap3A_617] : memref<3x56x768xf32, #tpu.memory_space<vmem>> -> memref<1x56x768xf32, #tpu.memory_space<vmem>>
        %swap3A_619 = tpu.memref_squeeze %swap3A_618 : memref<1x56x768xf32, #tpu.memory_space<vmem>> -> memref<56x768xf32, #tpu.memory_space<vmem>>
        %swap3A_620 = arith.index_cast %scan3A_166 : i32 to index
        %swap3A_621 = arith.constant 352 : index
        %swap3A_622 = tpu.vector_load %swap3A_619[%swap3A_620, %swap3A_621] {strides = array<i32>} : memref<56x768xf32, #tpu.memory_space<vmem>>, vector<1x16xf32>,
        %swap3A_623 = vector.shape_cast %swap3A_622 : vector<1x16xf32> to vector<16xf32>
        %swap3A_624 = vector.shape_cast %mul3A_615 : vector<16xf32> to vector<1x16xf32>
        tpu.vector_store %swap3A_619[%swap3A_620, %swap3A_621], %swap3A_624 {strides = array<i32>} : memref<56x768xf32, #tpu.memory_space<vmem>>, vector<1x16xf32>,
        %get3A_625 = arith.constant 0 : i32
        %get3A_626 = arith.constant 0 : i32
        %get3A_627 = tpu.memref_slice %arg6[%rem3A_115, %get3A_625, %get3A_626] : memref<3x56x768xf32, #tpu.memory_space<vmem>> -> memref<1x56x768xf32, #tpu.memory_space<vmem>>
        %get3A_628 = tpu.memref_squeeze %get3A_627 : memref<1x56x768xf32, #tpu.memory_space<vmem>> -> memref<56x768xf32, #tpu.memory_space<vmem>>
        %get3A_629 = arith.index_cast %scan3A_166 : i32 to index
        %get3A_630 = arith.constant 368 : index
        %get3A_631 = tpu.vector_load %get3A_628[%get3A_629, %get3A_630] {strides = array<i32>} : memref<56x768xf32, #tpu.memory_space<vmem>>, vector<1x16xf32>,
        %get3A_632 = vector.shape_cast %get3A_631 : vector<1x16xf32> to vector<16xf32>
        %mul3A_633 = arith.constant 27.7128124 : f32
        %mul3A_634 = vector.broadcast %mul3A_633 : f32 to vector<16xf32>
        %mul3A_635 = arith.mulf %get3A_632, %mul3A_634 : vector<16xf32>
        %swap3A_636 = arith.constant 0 : i32
        %swap3A_637 = arith.constant 0 : i32
        %swap3A_638 = tpu.memref_slice %arg6[%rem3A_115, %swap3A_636, %swap3A_637] : memref<3x56x768xf32, #tpu.memory_space<vmem>> -> memref<1x56x768xf32, #tpu.memory_space<vmem>>
        %swap3A_639 = tpu.memref_squeeze %swap3A_638 : memref<1x56x768xf32, #tpu.memory_space<vmem>> -> memref<56x768xf32, #tpu.memory_space<vmem>>
        %swap3A_640 = arith.index_cast %scan3A_166 : i32 to index
        %swap3A_641 = arith.constant 368 : index
        %swap3A_642 = tpu.vector_load %swap3A_639[%swap3A_640, %swap3A_641] {strides = array<i32>} : memref<56x768xf32, #tpu.memory_space<vmem>>, vector<1x16xf32>,
        %swap3A_643 = vector.shape_cast %swap3A_642 : vector<1x16xf32> to vector<16xf32>
        %swap3A_644 = vector.shape_cast %mul3A_635 : vector<16xf32> to vector<1x16xf32>
        tpu.vector_store %swap3A_639[%swap3A_640, %swap3A_641], %swap3A_644 {strides = array<i32>} : memref<56x768xf32, #tpu.memory_space<vmem>>, vector<1x16xf32>,
        %get3A_645 = arith.constant 0 : i32
        %get3A_646 = arith.constant 0 : i32
        %get3A_647 = tpu.memref_slice %arg6[%rem3A_115, %get3A_645, %get3A_646] : memref<3x56x768xf32, #tpu.memory_space<vmem>> -> memref<1x56x768xf32, #tpu.memory_space<vmem>>
        %get3A_648 = tpu.memref_squeeze %get3A_647 : memref<1x56x768xf32, #tpu.memory_space<vmem>> -> memref<56x768xf32, #tpu.memory_space<vmem>>
        %get3A_649 = arith.index_cast %scan3A_166 : i32 to index
        %get3A_650 = arith.constant 384 : index
        %get3A_651 = tpu.vector_load %get3A_648[%get3A_649, %get3A_650] {strides = array<i32>} : memref<56x768xf32, #tpu.memory_space<vmem>>, vector<1x16xf32>,
        %get3A_652 = vector.shape_cast %get3A_651 : vector<1x16xf32> to vector<16xf32>
        %mul3A_653 = arith.constant 27.7128124 : f32
        %mul3A_654 = vector.broadcast %mul3A_653 : f32 to vector<16xf32>
        %mul3A_655 = arith.mulf %get3A_652, %mul3A_654 : vector<16xf32>
        %swap3A_656 = arith.constant 0 : i32
        %swap3A_657 = arith.constant 0 : i32
        %swap3A_658 = tpu.memref_slice %arg6[%rem3A_115, %swap3A_656, %swap3A_657] : memref<3x56x768xf32, #tpu.memory_space<vmem>> -> memref<1x56x768xf32, #tpu.memory_space<vmem>>
        %swap3A_659 = tpu.memref_squeeze %swap3A_658 : memref<1x56x768xf32, #tpu.memory_space<vmem>> -> memref<56x768xf32, #tpu.memory_space<vmem>>
        %swap3A_660 = arith.index_cast %scan3A_166 : i32 to index
        %swap3A_661 = arith.constant 384 : index
        %swap3A_662 = tpu.vector_load %swap3A_659[%swap3A_660, %swap3A_661] {strides = array<i32>} : memref<56x768xf32, #tpu.memory_space<vmem>>, vector<1x16xf32>,
        %swap3A_663 = vector.shape_cast %swap3A_662 : vector<1x16xf32> to vector<16xf32>
        %swap3A_664 = vector.shape_cast %mul3A_655 : vector<16xf32> to vector<1x16xf32>
        tpu.vector_store %swap3A_659[%swap3A_660, %swap3A_661], %swap3A_664 {strides = array<i32>} : memref<56x768xf32, #tpu.memory_space<vmem>>, vector<1x16xf32>,
        %get3A_665 = arith.constant 0 : i32
        %get3A_666 = arith.constant 0 : i32
        %get3A_667 = tpu.memref_slice %arg6[%rem3A_115, %get3A_665, %get3A_666] : memref<3x56x768xf32, #tpu.memory_space<vmem>> -> memref<1x56x768xf32, #tpu.memory_space<vmem>>
        %get3A_668 = tpu.memref_squeeze %get3A_667 : memref<1x56x768xf32, #tpu.memory_space<vmem>> -> memref<56x768xf32, #tpu.memory_space<vmem>>
        %get3A_669 = arith.index_cast %scan3A_166 : i32 to index
        %get3A_670 = arith.constant 400 : index
        %get3A_671 = tpu.vector_load %get3A_668[%get3A_669, %get3A_670] {strides = array<i32>} : memref<56x768xf32, #tpu.memory_space<vmem>>, vector<1x16xf32>,
        %get3A_672 = vector.shape_cast %get3A_671 : vector<1x16xf32> to vector<16xf32>
        %mul3A_673 = arith.constant 27.7128124 : f32
        %mul3A_674 = vector.broadcast %mul3A_673 : f32 to vector<16xf32>
        %mul3A_675 = arith.mulf %get3A_672, %mul3A_674 : vector<16xf32>
        %swap3A_676 = arith.constant 0 : i32
        %swap3A_677 = arith.constant 0 : i32
        %swap3A_678 = tpu.memref_slice %arg6[%rem3A_115, %swap3A_676, %swap3A_677] : memref<3x56x768xf32, #tpu.memory_space<vmem>> -> memref<1x56x768xf32, #tpu.memory_space<vmem>>
        %swap3A_679 = tpu.memref_squeeze %swap3A_678 : memref<1x56x768xf32, #tpu.memory_space<vmem>> -> memref<56x768xf32, #tpu.memory_space<vmem>>
        %swap3A_680 = arith.index_cast %scan3A_166 : i32 to index
        %swap3A_681 = arith.constant 400 : index
        %swap3A_682 = tpu.vector_load %swap3A_679[%swap3A_680, %swap3A_681] {strides = array<i32>} : memref<56x768xf32, #tpu.memory_space<vmem>>, vector<1x16xf32>,
        %swap3A_683 = vector.shape_cast %swap3A_682 : vector<1x16xf32> to vector<16xf32>
        %swap3A_684 = vector.shape_cast %mul3A_675 : vector<16xf32> to vector<1x16xf32>
        tpu.vector_store %swap3A_679[%swap3A_680, %swap3A_681], %swap3A_684 {strides = array<i32>} : memref<56x768xf32, #tpu.memory_space<vmem>>, vector<1x16xf32>,
        %get3A_685 = arith.constant 0 : i32
        %get3A_686 = arith.constant 0 : i32
        %get3A_687 = tpu.memref_slice %arg6[%rem3A_115, %get3A_685, %get3A_686] : memref<3x56x768xf32, #tpu.memory_space<vmem>> -> memref<1x56x768xf32, #tpu.memory_space<vmem>>
        %get3A_688 = tpu.memref_squeeze %get3A_687 : memref<1x56x768xf32, #tpu.memory_space<vmem>> -> memref<56x768xf32, #tpu.memory_space<vmem>>
        %get3A_689 = arith.index_cast %scan3A_166 : i32 to index
        %get3A_690 = arith.constant 416 : index
        %get3A_691 = tpu.vector_load %get3A_688[%get3A_689, %get3A_690] {strides = array<i32>} : memref<56x768xf32, #tpu.memory_space<vmem>>, vector<1x16xf32>,
        %get3A_692 = vector.shape_cast %get3A_691 : vector<1x16xf32> to vector<16xf32>
        %mul3A_693 = arith.constant 27.7128124 : f32
        %mul3A_694 = vector.broadcast %mul3A_693 : f32 to vector<16xf32>
        %mul3A_695 = arith.mulf %get3A_692, %mul3A_694 : vector<16xf32>
        %swap3A_696 = arith.constant 0 : i32
        %swap3A_697 = arith.constant 0 : i32
        %swap3A_698 = tpu.memref_slice %arg6[%rem3A_115, %swap3A_696, %swap3A_697] : memref<3x56x768xf32, #tpu.memory_space<vmem>> -> memref<1x56x768xf32, #tpu.memory_space<vmem>>
        %swap3A_699 = tpu.memref_squeeze %swap3A_698 : memref<1x56x768xf32, #tpu.memory_space<vmem>> -> memref<56x768xf32, #tpu.memory_space<vmem>>
        %swap3A_700 = arith.index_cast %scan3A_166 : i32 to index
        %swap3A_701 = arith.constant 416 : index
        %swap3A_702 = tpu.vector_load %swap3A_699[%swap3A_700, %swap3A_701] {strides = array<i32>} : memref<56x768xf32, #tpu.memory_space<vmem>>, vector<1x16xf32>,
        %swap3A_703 = vector.shape_cast %swap3A_702 : vector<1x16xf32> to vector<16xf32>
        %swap3A_704 = vector.shape_cast %mul3A_695 : vector<16xf32> to vector<1x16xf32>
        tpu.vector_store %swap3A_699[%swap3A_700, %swap3A_701], %swap3A_704 {strides = array<i32>} : memref<56x768xf32, #tpu.memory_space<vmem>>, vector<1x16xf32>,
        %get3A_705 = arith.constant 0 : i32
        %get3A_706 = arith.constant 0 : i32
        %get3A_707 = tpu.memref_slice %arg6[%rem3A_115, %get3A_705, %get3A_706] : memref<3x56x768xf32, #tpu.memory_space<vmem>> -> memref<1x56x768xf32, #tpu.memory_space<vmem>>
        %get3A_708 = tpu.memref_squeeze %get3A_707 : memref<1x56x768xf32, #tpu.memory_space<vmem>> -> memref<56x768xf32, #tpu.memory_space<vmem>>
        %get3A_709 = arith.index_cast %scan3A_166 : i32 to index
        %get3A_710 = arith.constant 432 : index
        %get3A_711 = tpu.vector_load %get3A_708[%get3A_709, %get3A_710] {strides = array<i32>} : memref<56x768xf32, #tpu.memory_space<vmem>>, vector<1x16xf32>,
        %get3A_712 = vector.shape_cast %get3A_711 : vector<1x16xf32> to vector<16xf32>
        %mul3A_713 = arith.constant 27.7128124 : f32
        %mul3A_714 = vector.broadcast %mul3A_713 : f32 to vector<16xf32>
        %mul3A_715 = arith.mulf %get3A_712, %mul3A_714 : vector<16xf32>
        %swap3A_716 = arith.constant 0 : i32
        %swap3A_717 = arith.constant 0 : i32
        %swap3A_718 = tpu.memref_slice %arg6[%rem3A_115, %swap3A_716, %swap3A_717] : memref<3x56x768xf32, #tpu.memory_space<vmem>> -> memref<1x56x768xf32, #tpu.memory_space<vmem>>
        %swap3A_719 = tpu.memref_squeeze %swap3A_718 : memref<1x56x768xf32, #tpu.memory_space<vmem>> -> memref<56x768xf32, #tpu.memory_space<vmem>>
        %swap3A_720 = arith.index_cast %scan3A_166 : i32 to index
        %swap3A_721 = arith.constant 432 : index
        %swap3A_722 = tpu.vector_load %swap3A_719[%swap3A_720, %swap3A_721] {strides = array<i32>} : memref<56x768xf32, #tpu.memory_space<vmem>>, vector<1x16xf32>,
        %swap3A_723 = vector.shape_cast %swap3A_722 : vector<1x16xf32> to vector<16xf32>
        %swap3A_724 = vector.shape_cast %mul3A_715 : vector<16xf32> to vector<1x16xf32>
        tpu.vector_store %swap3A_719[%swap3A_720, %swap3A_721], %swap3A_724 {strides = array<i32>} : memref<56x768xf32, #tpu.memory_space<vmem>>, vector<1x16xf32>,
        %get3A_725 = arith.constant 0 : i32
        %get3A_726 = arith.constant 0 : i32
        %get3A_727 = tpu.memref_slice %arg6[%rem3A_115, %get3A_725, %get3A_726] : memref<3x56x768xf32, #tpu.memory_space<vmem>> -> memref<1x56x768xf32, #tpu.memory_space<vmem>>
        %get3A_728 = tpu.memref_squeeze %get3A_727 : memref<1x56x768xf32, #tpu.memory_space<vmem>> -> memref<56x768xf32, #tpu.memory_space<vmem>>
        %get3A_729 = arith.index_cast %scan3A_166 : i32 to index
        %get3A_730 = arith.constant 448 : index
        %get3A_731 = tpu.vector_load %get3A_728[%get3A_729, %get3A_730] {strides = array<i32>} : memref<56x768xf32, #tpu.memory_space<vmem>>, vector<1x16xf32>,
        %get3A_732 = vector.shape_cast %get3A_731 : vector<1x16xf32> to vector<16xf32>
        %mul3A_733 = arith.constant 27.7128124 : f32
        %mul3A_734 = vector.broadcast %mul3A_733 : f32 to vector<16xf32>
        %mul3A_735 = arith.mulf %get3A_732, %mul3A_734 : vector<16xf32>
        %swap3A_736 = arith.constant 0 : i32
        %swap3A_737 = arith.constant 0 : i32
        %swap3A_738 = tpu.memref_slice %arg6[%rem3A_115, %swap3A_736, %swap3A_737] : memref<3x56x768xf32, #tpu.memory_space<vmem>> -> memref<1x56x768xf32, #tpu.memory_space<vmem>>
        %swap3A_739 = tpu.memref_squeeze %swap3A_738 : memref<1x56x768xf32, #tpu.memory_space<vmem>> -> memref<56x768xf32, #tpu.memory_space<vmem>>
        %swap3A_740 = arith.index_cast %scan3A_166 : i32 to index
        %swap3A_741 = arith.constant 448 : index
        %swap3A_742 = tpu.vector_load %swap3A_739[%swap3A_740, %swap3A_741] {strides = array<i32>} : memref<56x768xf32, #tpu.memory_space<vmem>>, vector<1x16xf32>,
        %swap3A_743 = vector.shape_cast %swap3A_742 : vector<1x16xf32> to vector<16xf32>
        %swap3A_744 = vector.shape_cast %mul3A_735 : vector<16xf32> to vector<1x16xf32>
        tpu.vector_store %swap3A_739[%swap3A_740, %swap3A_741], %swap3A_744 {strides = array<i32>} : memref<56x768xf32, #tpu.memory_space<vmem>>, vector<1x16xf32>,
        %get3A_745 = arith.constant 0 : i32
        %get3A_746 = arith.constant 0 : i32
        %get3A_747 = tpu.memref_slice %arg6[%rem3A_115, %get3A_745, %get3A_746] : memref<3x56x768xf32, #tpu.memory_space<vmem>> -> memref<1x56x768xf32, #tpu.memory_space<vmem>>
        %get3A_748 = tpu.memref_squeeze %get3A_747 : memref<1x56x768xf32, #tpu.memory_space<vmem>> -> memref<56x768xf32, #tpu.memory_space<vmem>>
        %get3A_749 = arith.index_cast %scan3A_166 : i32 to index
        %get3A_750 = arith.constant 464 : index
        %get3A_751 = tpu.vector_load %get3A_748[%get3A_749, %get3A_750] {strides = array<i32>} : memref<56x768xf32, #tpu.memory_space<vmem>>, vector<1x16xf32>,
        %get3A_752 = vector.shape_cast %get3A_751 : vector<1x16xf32> to vector<16xf32>
        %mul3A_753 = arith.constant 27.7128124 : f32
        %mul3A_754 = vector.broadcast %mul3A_753 : f32 to vector<16xf32>
        %mul3A_755 = arith.mulf %get3A_752, %mul3A_754 : vector<16xf32>
        %swap3A_756 = arith.constant 0 : i32
        %swap3A_757 = arith.constant 0 : i32
        %swap3A_758 = tpu.memref_slice %arg6[%rem3A_115, %swap3A_756, %swap3A_757] : memref<3x56x768xf32, #tpu.memory_space<vmem>> -> memref<1x56x768xf32, #tpu.memory_space<vmem>>
        %swap3A_759 = tpu.memref_squeeze %swap3A_758 : memref<1x56x768xf32, #tpu.memory_space<vmem>> -> memref<56x768xf32, #tpu.memory_space<vmem>>
        %swap3A_760 = arith.index_cast %scan3A_166 : i32 to index
        %swap3A_761 = arith.constant 464 : index
        %swap3A_762 = tpu.vector_load %swap3A_759[%swap3A_760, %swap3A_761] {strides = array<i32>} : memref<56x768xf32, #tpu.memory_space<vmem>>, vector<1x16xf32>,
        %swap3A_763 = vector.shape_cast %swap3A_762 : vector<1x16xf32> to vector<16xf32>
        %swap3A_764 = vector.shape_cast %mul3A_755 : vector<16xf32> to vector<1x16xf32>
        tpu.vector_store %swap3A_759[%swap3A_760, %swap3A_761], %swap3A_764 {strides = array<i32>} : memref<56x768xf32, #tpu.memory_space<vmem>>, vector<1x16xf32>,
        %get3A_765 = arith.constant 0 : i32
        %get3A_766 = arith.constant 0 : i32
        %get3A_767 = tpu.memref_slice %arg6[%rem3A_115, %get3A_765, %get3A_766] : memref<3x56x768xf32, #tpu.memory_space<vmem>> -> memref<1x56x768xf32, #tpu.memory_space<vmem>>
        %get3A_768 = tpu.memref_squeeze %get3A_767 : memref<1x56x768xf32, #tpu.memory_space<vmem>> -> memref<56x768xf32, #tpu.memory_space<vmem>>
        %get3A_769 = arith.index_cast %scan3A_166 : i32 to index
        %get3A_770 = arith.constant 480 : index
        %get3A_771 = tpu.vector_load %get3A_768[%get3A_769, %get3A_770] {strides = array<i32>} : memref<56x768xf32, #tpu.memory_space<vmem>>, vector<1x16xf32>,
        %get3A_772 = vector.shape_cast %get3A_771 : vector<1x16xf32> to vector<16xf32>
        %mul3A_773 = arith.constant 27.7128124 : f32
        %mul3A_774 = vector.broadcast %mul3A_773 : f32 to vector<16xf32>
        %mul3A_775 = arith.mulf %get3A_772, %mul3A_774 : vector<16xf32>
        %swap3A_776 = arith.constant 0 : i32
        %swap3A_777 = arith.constant 0 : i32
        %swap3A_778 = tpu.memref_slice %arg6[%rem3A_115, %swap3A_776, %swap3A_777] : memref<3x56x768xf32, #tpu.memory_space<vmem>> -> memref<1x56x768xf32, #tpu.memory_space<vmem>>
        %swap3A_779 = tpu.memref_squeeze %swap3A_778 : memref<1x56x768xf32, #tpu.memory_space<vmem>> -> memref<56x768xf32, #tpu.memory_space<vmem>>
        %swap3A_780 = arith.index_cast %scan3A_166 : i32 to index
        %swap3A_781 = arith.constant 480 : index
        %swap3A_782 = tpu.vector_load %swap3A_779[%swap3A_780, %swap3A_781] {strides = array<i32>} : memref<56x768xf32, #tpu.memory_space<vmem>>, vector<1x16xf32>,
        %swap3A_783 = vector.shape_cast %swap3A_782 : vector<1x16xf32> to vector<16xf32>
        %swap3A_784 = vector.shape_cast %mul3A_775 : vector<16xf32> to vector<1x16xf32>
        tpu.vector_store %swap3A_779[%swap3A_780, %swap3A_781], %swap3A_784 {strides = array<i32>} : memref<56x768xf32, #tpu.memory_space<vmem>>, vector<1x16xf32>,
        %get3A_785 = arith.constant 0 : i32
        %get3A_786 = arith.constant 0 : i32
        %get3A_787 = tpu.memref_slice %arg6[%rem3A_115, %get3A_785, %get3A_786] : memref<3x56x768xf32, #tpu.memory_space<vmem>> -> memref<1x56x768xf32, #tpu.memory_space<vmem>>
        %get3A_788 = tpu.memref_squeeze %get3A_787 : memref<1x56x768xf32, #tpu.memory_space<vmem>> -> memref<56x768xf32, #tpu.memory_space<vmem>>
        %get3A_789 = arith.index_cast %scan3A_166 : i32 to index
        %get3A_790 = arith.constant 496 : index
        %get3A_791 = tpu.vector_load %get3A_788[%get3A_789, %get3A_790] {strides = array<i32>} : memref<56x768xf32, #tpu.memory_space<vmem>>, vector<1x16xf32>,
        %get3A_792 = vector.shape_cast %get3A_791 : vector<1x16xf32> to vector<16xf32>
        %mul3A_793 = arith.constant 27.7128124 : f32
        %mul3A_794 = vector.broadcast %mul3A_793 : f32 to vector<16xf32>
        %mul3A_795 = arith.mulf %get3A_792, %mul3A_794 : vector<16xf32>
        %swap3A_796 = arith.constant 0 : i32
        %swap3A_797 = arith.constant 0 : i32
        %swap3A_798 = tpu.memref_slice %arg6[%rem3A_115, %swap3A_796, %swap3A_797] : memref<3x56x768xf32, #tpu.memory_space<vmem>> -> memref<1x56x768xf32, #tpu.memory_space<vmem>>
        %swap3A_799 = tpu.memref_squeeze %swap3A_798 : memref<1x56x768xf32, #tpu.memory_space<vmem>> -> memref<56x768xf32, #tpu.memory_space<vmem>>
        %swap3A_800 = arith.index_cast %scan3A_166 : i32 to index
        %swap3A_801 = arith.constant 496 : index
        %swap3A_802 = tpu.vector_load %swap3A_799[%swap3A_800, %swap3A_801] {strides = array<i32>} : memref<56x768xf32, #tpu.memory_space<vmem>>, vector<1x16xf32>,
        %swap3A_803 = vector.shape_cast %swap3A_802 : vector<1x16xf32> to vector<16xf32>
        %swap3A_804 = vector.shape_cast %mul3A_795 : vector<16xf32> to vector<1x16xf32>
        tpu.vector_store %swap3A_799[%swap3A_800, %swap3A_801], %swap3A_804 {strides = array<i32>} : memref<56x768xf32, #tpu.memory_space<vmem>>, vector<1x16xf32>,
        %get3A_805 = arith.constant 0 : i32
        %get3A_806 = arith.constant 0 : i32
        %get3A_807 = tpu.memref_slice %arg6[%rem3A_115, %get3A_805, %get3A_806] : memref<3x56x768xf32, #tpu.memory_space<vmem>> -> memref<1x56x768xf32, #tpu.memory_space<vmem>>
        %get3A_808 = tpu.memref_squeeze %get3A_807 : memref<1x56x768xf32, #tpu.memory_space<vmem>> -> memref<56x768xf32, #tpu.memory_space<vmem>>
        %get3A_809 = arith.index_cast %scan3A_166 : i32 to index
        %get3A_810 = arith.constant 512 : index
        %get3A_811 = tpu.vector_load %get3A_808[%get3A_809, %get3A_810] {strides = array<i32>} : memref<56x768xf32, #tpu.memory_space<vmem>>, vector<1x16xf32>,
        %get3A_812 = vector.shape_cast %get3A_811 : vector<1x16xf32> to vector<16xf32>
        %mul3A_813 = arith.constant 27.7128124 : f32
        %mul3A_814 = vector.broadcast %mul3A_813 : f32 to vector<16xf32>
        %mul3A_815 = arith.mulf %get3A_812, %mul3A_814 : vector<16xf32>
        %swap3A_816 = arith.constant 0 : i32
        %swap3A_817 = arith.constant 0 : i32
        %swap3A_818 = tpu.memref_slice %arg6[%rem3A_115, %swap3A_816, %swap3A_817] : memref<3x56x768xf32, #tpu.memory_space<vmem>> -> memref<1x56x768xf32, #tpu.memory_space<vmem>>
        %swap3A_819 = tpu.memref_squeeze %swap3A_818 : memref<1x56x768xf32, #tpu.memory_space<vmem>> -> memref<56x768xf32, #tpu.memory_space<vmem>>
        %swap3A_820 = arith.index_cast %scan3A_166 : i32 to index
        %swap3A_821 = arith.constant 512 : index
        %swap3A_822 = tpu.vector_load %swap3A_819[%swap3A_820, %swap3A_821] {strides = array<i32>} : memref<56x768xf32, #tpu.memory_space<vmem>>, vector<1x16xf32>,
        %swap3A_823 = vector.shape_cast %swap3A_822 : vector<1x16xf32> to vector<16xf32>
        %swap3A_824 = vector.shape_cast %mul3A_815 : vector<16xf32> to vector<1x16xf32>
        tpu.vector_store %swap3A_819[%swap3A_820, %swap3A_821], %swap3A_824 {strides = array<i32>} : memref<56x768xf32, #tpu.memory_space<vmem>>, vector<1x16xf32>,
        %get3A_825 = arith.constant 0 : i32
        %get3A_826 = arith.constant 0 : i32
        %get3A_827 = tpu.memref_slice %arg6[%rem3A_115, %get3A_825, %get3A_826] : memref<3x56x768xf32, #tpu.memory_space<vmem>> -> memref<1x56x768xf32, #tpu.memory_space<vmem>>
        %get3A_828 = tpu.memref_squeeze %get3A_827 : memref<1x56x768xf32, #tpu.memory_space<vmem>> -> memref<56x768xf32, #tpu.memory_space<vmem>>
        %get3A_829 = arith.index_cast %scan3A_166 : i32 to index
        %get3A_830 = arith.constant 528 : index
        %get3A_831 = tpu.vector_load %get3A_828[%get3A_829, %get3A_830] {strides = array<i32>} : memref<56x768xf32, #tpu.memory_space<vmem>>, vector<1x16xf32>,
        %get3A_832 = vector.shape_cast %get3A_831 : vector<1x16xf32> to vector<16xf32>
        %mul3A_833 = arith.constant 27.7128124 : f32
        %mul3A_834 = vector.broadcast %mul3A_833 : f32 to vector<16xf32>
        %mul3A_835 = arith.mulf %get3A_832, %mul3A_834 : vector<16xf32>
        %swap3A_836 = arith.constant 0 : i32
        %swap3A_837 = arith.constant 0 : i32
        %swap3A_838 = tpu.memref_slice %arg6[%rem3A_115, %swap3A_836, %swap3A_837] : memref<3x56x768xf32, #tpu.memory_space<vmem>> -> memref<1x56x768xf32, #tpu.memory_space<vmem>>
        %swap3A_839 = tpu.memref_squeeze %swap3A_838 : memref<1x56x768xf32, #tpu.memory_space<vmem>> -> memref<56x768xf32, #tpu.memory_space<vmem>>
        %swap3A_840 = arith.index_cast %scan3A_166 : i32 to index
        %swap3A_841 = arith.constant 528 : index
        %swap3A_842 = tpu.vector_load %swap3A_839[%swap3A_840, %swap3A_841] {strides = array<i32>} : memref<56x768xf32, #tpu.memory_space<vmem>>, vector<1x16xf32>,
        %swap3A_843 = vector.shape_cast %swap3A_842 : vector<1x16xf32> to vector<16xf32>
        %swap3A_844 = vector.shape_cast %mul3A_835 : vector<16xf32> to vector<1x16xf32>
        tpu.vector_store %swap3A_839[%swap3A_840, %swap3A_841], %swap3A_844 {strides = array<i32>} : memref<56x768xf32, #tpu.memory_space<vmem>>, vector<1x16xf32>,
        %get3A_845 = arith.constant 0 : i32
        %get3A_846 = arith.constant 0 : i32
        %get3A_847 = tpu.memref_slice %arg6[%rem3A_115, %get3A_845, %get3A_846] : memref<3x56x768xf32, #tpu.memory_space<vmem>> -> memref<1x56x768xf32, #tpu.memory_space<vmem>>
        %get3A_848 = tpu.memref_squeeze %get3A_847 : memref<1x56x768xf32, #tpu.memory_space<vmem>> -> memref<56x768xf32, #tpu.memory_space<vmem>>
        %get3A_849 = arith.index_cast %scan3A_166 : i32 to index
        %get3A_850 = arith.constant 544 : index
        %get3A_851 = tpu.vector_load %get3A_848[%get3A_849, %get3A_850] {strides = array<i32>} : memref<56x768xf32, #tpu.memory_space<vmem>>, vector<1x16xf32>,
        %get3A_852 = vector.shape_cast %get3A_851 : vector<1x16xf32> to vector<16xf32>
        %mul3A_853 = arith.constant 27.7128124 : f32
        %mul3A_854 = vector.broadcast %mul3A_853 : f32 to vector<16xf32>
        %mul3A_855 = arith.mulf %get3A_852, %mul3A_854 : vector<16xf32>
        %swap3A_856 = arith.constant 0 : i32
        %swap3A_857 = arith.constant 0 : i32
        %swap3A_858 = tpu.memref_slice %arg6[%rem3A_115, %swap3A_856, %swap3A_857] : memref<3x56x768xf32, #tpu.memory_space<vmem>> -> memref<1x56x768xf32, #tpu.memory_space<vmem>>
        %swap3A_859 = tpu.memref_squeeze %swap3A_858 : memref<1x56x768xf32, #tpu.memory_space<vmem>> -> memref<56x768xf32, #tpu.memory_space<vmem>>
        %swap3A_860 = arith.index_cast %scan3A_166 : i32 to index
        %swap3A_861 = arith.constant 544 : index
        %swap3A_862 = tpu.vector_load %swap3A_859[%swap3A_860, %swap3A_861] {strides = array<i32>} : memref<56x768xf32, #tpu.memory_space<vmem>>, vector<1x16xf32>,
        %swap3A_863 = vector.shape_cast %swap3A_862 : vector<1x16xf32> to vector<16xf32>
        %swap3A_864 = vector.shape_cast %mul3A_855 : vector<16xf32> to vector<1x16xf32>
        tpu.vector_store %swap3A_859[%swap3A_860, %swap3A_861], %swap3A_864 {strides = array<i32>} : memref<56x768xf32, #tpu.memory_space<vmem>>, vector<1x16xf32>,
        %get3A_865 = arith.constant 0 : i32
        %get3A_866 = arith.constant 0 : i32
        %get3A_867 = tpu.memref_slice %arg6[%rem3A_115, %get3A_865, %get3A_866] : memref<3x56x768xf32, #tpu.memory_space<vmem>> -> memref<1x56x768xf32, #tpu.memory_space<vmem>>
        %get3A_868 = tpu.memref_squeeze %get3A_867 : memref<1x56x768xf32, #tpu.memory_space<vmem>> -> memref<56x768xf32, #tpu.memory_space<vmem>>
        %get3A_869 = arith.index_cast %scan3A_166 : i32 to index
        %get3A_870 = arith.constant 560 : index
        %get3A_871 = tpu.vector_load %get3A_868[%get3A_869, %get3A_870] {strides = array<i32>} : memref<56x768xf32, #tpu.memory_space<vmem>>, vector<1x16xf32>,
        %get3A_872 = vector.shape_cast %get3A_871 : vector<1x16xf32> to vector<16xf32>
        %mul3A_873 = arith.constant 27.7128124 : f32
        %mul3A_874 = vector.broadcast %mul3A_873 : f32 to vector<16xf32>
        %mul3A_875 = arith.mulf %get3A_872, %mul3A_874 : vector<16xf32>
        %swap3A_876 = arith.constant 0 : i32
        %swap3A_877 = arith.constant 0 : i32
        %swap3A_878 = tpu.memref_slice %arg6[%rem3A_115, %swap3A_876, %swap3A_877] : memref<3x56x768xf32, #tpu.memory_space<vmem>> -> memref<1x56x768xf32, #tpu.memory_space<vmem>>
        %swap3A_879 = tpu.memref_squeeze %swap3A_878 : memref<1x56x768xf32, #tpu.memory_space<vmem>> -> memref<56x768xf32, #tpu.memory_space<vmem>>
        %swap3A_880 = arith.index_cast %scan3A_166 : i32 to index
        %swap3A_881 = arith.constant 560 : index
        %swap3A_882 = tpu.vector_load %swap3A_879[%swap3A_880, %swap3A_881] {strides = array<i32>} : memref<56x768xf32, #tpu.memory_space<vmem>>, vector<1x16xf32>,
        %swap3A_883 = vector.shape_cast %swap3A_882 : vector<1x16xf32> to vector<16xf32>
        %swap3A_884 = vector.shape_cast %mul3A_875 : vector<16xf32> to vector<1x16xf32>
        tpu.vector_store %swap3A_879[%swap3A_880, %swap3A_881], %swap3A_884 {strides = array<i32>} : memref<56x768xf32, #tpu.memory_space<vmem>>, vector<1x16xf32>,
        %get3A_885 = arith.constant 0 : i32
        %get3A_886 = arith.constant 0 : i32
        %get3A_887 = tpu.memref_slice %arg6[%rem3A_115, %get3A_885, %get3A_886] : memref<3x56x768xf32, #tpu.memory_space<vmem>> -> memref<1x56x768xf32, #tpu.memory_space<vmem>>
        %get3A_888 = tpu.memref_squeeze %get3A_887 : memref<1x56x768xf32, #tpu.memory_space<vmem>> -> memref<56x768xf32, #tpu.memory_space<vmem>>
        %get3A_889 = arith.index_cast %scan3A_166 : i32 to index
        %get3A_890 = arith.constant 576 : index
        %get3A_891 = tpu.vector_load %get3A_888[%get3A_889, %get3A_890] {strides = array<i32>} : memref<56x768xf32, #tpu.memory_space<vmem>>, vector<1x16xf32>,
        %get3A_892 = vector.shape_cast %get3A_891 : vector<1x16xf32> to vector<16xf32>
        %mul3A_893 = arith.constant 27.7128124 : f32
        %mul3A_894 = vector.broadcast %mul3A_893 : f32 to vector<16xf32>
        %mul3A_895 = arith.mulf %get3A_892, %mul3A_894 : vector<16xf32>
        %swap3A_896 = arith.constant 0 : i32
        %swap3A_897 = arith.constant 0 : i32
        %swap3A_898 = tpu.memref_slice %arg6[%rem3A_115, %swap3A_896, %swap3A_897] : memref<3x56x768xf32, #tpu.memory_space<vmem>> -> memref<1x56x768xf32, #tpu.memory_space<vmem>>
        %swap3A_899 = tpu.memref_squeeze %swap3A_898 : memref<1x56x768xf32, #tpu.memory_space<vmem>> -> memref<56x768xf32, #tpu.memory_space<vmem>>
        %swap3A_900 = arith.index_cast %scan3A_166 : i32 to index
        %swap3A_901 = arith.constant 576 : index
        %swap3A_902 = tpu.vector_load %swap3A_899[%swap3A_900, %swap3A_901] {strides = array<i32>} : memref<56x768xf32, #tpu.memory_space<vmem>>, vector<1x16xf32>,
        %swap3A_903 = vector.shape_cast %swap3A_902 : vector<1x16xf32> to vector<16xf32>
        %swap3A_904 = vector.shape_cast %mul3A_895 : vector<16xf32> to vector<1x16xf32>
        tpu.vector_store %swap3A_899[%swap3A_900, %swap3A_901], %swap3A_904 {strides = array<i32>} : memref<56x768xf32, #tpu.memory_space<vmem>>, vector<1x16xf32>,
        %get3A_905 = arith.constant 0 : i32
        %get3A_906 = arith.constant 0 : i32
        %get3A_907 = tpu.memref_slice %arg6[%rem3A_115, %get3A_905, %get3A_906] : memref<3x56x768xf32, #tpu.memory_space<vmem>> -> memref<1x56x768xf32, #tpu.memory_space<vmem>>
        %get3A_908 = tpu.memref_squeeze %get3A_907 : memref<1x56x768xf32, #tpu.memory_space<vmem>> -> memref<56x768xf32, #tpu.memory_space<vmem>>
        %get3A_909 = arith.index_cast %scan3A_166 : i32 to index
        %get3A_910 = arith.constant 592 : index
        %get3A_911 = tpu.vector_load %get3A_908[%get3A_909, %get3A_910] {strides = array<i32>} : memref<56x768xf32, #tpu.memory_space<vmem>>, vector<1x16xf32>,
        %get3A_912 = vector.shape_cast %get3A_911 : vector<1x16xf32> to vector<16xf32>
        %mul3A_913 = arith.constant 27.7128124 : f32
        %mul3A_914 = vector.broadcast %mul3A_913 : f32 to vector<16xf32>
        %mul3A_915 = arith.mulf %get3A_912, %mul3A_914 : vector<16xf32>
        %swap3A_916 = arith.constant 0 : i32
        %swap3A_917 = arith.constant 0 : i32
        %swap3A_918 = tpu.memref_slice %arg6[%rem3A_115, %swap3A_916, %swap3A_917] : memref<3x56x768xf32, #tpu.memory_space<vmem>> -> memref<1x56x768xf32, #tpu.memory_space<vmem>>
        %swap3A_919 = tpu.memref_squeeze %swap3A_918 : memref<1x56x768xf32, #tpu.memory_space<vmem>> -> memref<56x768xf32, #tpu.memory_space<vmem>>
        %swap3A_920 = arith.index_cast %scan3A_166 : i32 to index
        %swap3A_921 = arith.constant 592 : index
        %swap3A_922 = tpu.vector_load %swap3A_919[%swap3A_920, %swap3A_921] {strides = array<i32>} : memref<56x768xf32, #tpu.memory_space<vmem>>, vector<1x16xf32>,
        %swap3A_923 = vector.shape_cast %swap3A_922 : vector<1x16xf32> to vector<16xf32>
        %swap3A_924 = vector.shape_cast %mul3A_915 : vector<16xf32> to vector<1x16xf32>
        tpu.vector_store %swap3A_919[%swap3A_920, %swap3A_921], %swap3A_924 {strides = array<i32>} : memref<56x768xf32, #tpu.memory_space<vmem>>, vector<1x16xf32>,
        %get3A_925 = arith.constant 0 : i32
        %get3A_926 = arith.constant 0 : i32
        %get3A_927 = tpu.memref_slice %arg6[%rem3A_115, %get3A_925, %get3A_926] : memref<3x56x768xf32, #tpu.memory_space<vmem>> -> memref<1x56x768xf32, #tpu.memory_space<vmem>>
        %get3A_928 = tpu.memref_squeeze %get3A_927 : memref<1x56x768xf32, #tpu.memory_space<vmem>> -> memref<56x768xf32, #tpu.memory_space<vmem>>
        %get3A_929 = arith.index_cast %scan3A_166 : i32 to index
        %get3A_930 = arith.constant 608 : index
        %get3A_931 = tpu.vector_load %get3A_928[%get3A_929, %get3A_930] {strides = array<i32>} : memref<56x768xf32, #tpu.memory_space<vmem>>, vector<1x16xf32>,
        %get3A_932 = vector.shape_cast %get3A_931 : vector<1x16xf32> to vector<16xf32>
        %mul3A_933 = arith.constant 27.7128124 : f32
        %mul3A_934 = vector.broadcast %mul3A_933 : f32 to vector<16xf32>
        %mul3A_935 = arith.mulf %get3A_932, %mul3A_934 : vector<16xf32>
        %swap3A_936 = arith.constant 0 : i32
        %swap3A_937 = arith.constant 0 : i32
        %swap3A_938 = tpu.memref_slice %arg6[%rem3A_115, %swap3A_936, %swap3A_937] : memref<3x56x768xf32, #tpu.memory_space<vmem>> -> memref<1x56x768xf32, #tpu.memory_space<vmem>>
        %swap3A_939 = tpu.memref_squeeze %swap3A_938 : memref<1x56x768xf32, #tpu.memory_space<vmem>> -> memref<56x768xf32, #tpu.memory_space<vmem>>
        %swap3A_940 = arith.index_cast %scan3A_166 : i32 to index
        %swap3A_941 = arith.constant 608 : index
        %swap3A_942 = tpu.vector_load %swap3A_939[%swap3A_940, %swap3A_941] {strides = array<i32>} : memref<56x768xf32, #tpu.memory_space<vmem>>, vector<1x16xf32>,
        %swap3A_943 = vector.shape_cast %swap3A_942 : vector<1x16xf32> to vector<16xf32>
        %swap3A_944 = vector.shape_cast %mul3A_935 : vector<16xf32> to vector<1x16xf32>
        tpu.vector_store %swap3A_939[%swap3A_940, %swap3A_941], %swap3A_944 {strides = array<i32>} : memref<56x768xf32, #tpu.memory_space<vmem>>, vector<1x16xf32>,
        %get3A_945 = arith.constant 0 : i32
        %get3A_946 = arith.constant 0 : i32
        %get3A_947 = tpu.memref_slice %arg6[%rem3A_115, %get3A_945, %get3A_946] : memref<3x56x768xf32, #tpu.memory_space<vmem>> -> memref<1x56x768xf32, #tpu.memory_space<vmem>>
        %get3A_948 = tpu.memref_squeeze %get3A_947 : memref<1x56x768xf32, #tpu.memory_space<vmem>> -> memref<56x768xf32, #tpu.memory_space<vmem>>
        %get3A_949 = arith.index_cast %scan3A_166 : i32 to index
        %get3A_950 = arith.constant 624 : index
        %get3A_951 = tpu.vector_load %get3A_948[%get3A_949, %get3A_950] {strides = array<i32>} : memref<56x768xf32, #tpu.memory_space<vmem>>, vector<1x16xf32>,
        %get3A_952 = vector.shape_cast %get3A_951 : vector<1x16xf32> to vector<16xf32>
        %mul3A_953 = arith.constant 27.7128124 : f32
        %mul3A_954 = vector.broadcast %mul3A_953 : f32 to vector<16xf32>
        %mul3A_955 = arith.mulf %get3A_952, %mul3A_954 : vector<16xf32>
        %swap3A_956 = arith.constant 0 : i32
        %swap3A_957 = arith.constant 0 : i32
        %swap3A_958 = tpu.memref_slice %arg6[%rem3A_115, %swap3A_956, %swap3A_957] : memref<3x56x768xf32, #tpu.memory_space<vmem>> -> memref<1x56x768xf32, #tpu.memory_space<vmem>>
        %swap3A_959 = tpu.memref_squeeze %swap3A_958 : memref<1x56x768xf32, #tpu.memory_space<vmem>> -> memref<56x768xf32, #tpu.memory_space<vmem>>
        %swap3A_960 = arith.index_cast %scan3A_166 : i32 to index
        %swap3A_961 = arith.constant 624 : index
        %swap3A_962 = tpu.vector_load %swap3A_959[%swap3A_960, %swap3A_961] {strides = array<i32>} : memref<56x768xf32, #tpu.memory_space<vmem>>, vector<1x16xf32>,
        %swap3A_963 = vector.shape_cast %swap3A_962 : vector<1x16xf32> to vector<16xf32>
        %swap3A_964 = vector.shape_cast %mul3A_955 : vector<16xf32> to vector<1x16xf32>
        tpu.vector_store %swap3A_959[%swap3A_960, %swap3A_961], %swap3A_964 {strides = array<i32>} : memref<56x768xf32, #tpu.memory_space<vmem>>, vector<1x16xf32>,
        %get3A_965 = arith.constant 0 : i32
        %get3A_966 = arith.constant 0 : i32
        %get3A_967 = tpu.memref_slice %arg6[%rem3A_115, %get3A_965, %get3A_966] : memref<3x56x768xf32, #tpu.memory_space<vmem>> -> memref<1x56x768xf32, #tpu.memory_space<vmem>>
        %get3A_968 = tpu.memref_squeeze %get3A_967 : memref<1x56x768xf32, #tpu.memory_space<vmem>> -> memref<56x768xf32, #tpu.memory_space<vmem>>
        %get3A_969 = arith.index_cast %scan3A_166 : i32 to index
        %get3A_970 = arith.constant 640 : index
        %get3A_971 = tpu.vector_load %get3A_968[%get3A_969, %get3A_970] {strides = array<i32>} : memref<56x768xf32, #tpu.memory_space<vmem>>, vector<1x16xf32>,
        %get3A_972 = vector.shape_cast %get3A_971 : vector<1x16xf32> to vector<16xf32>
        %mul3A_973 = arith.constant 27.7128124 : f32
        %mul3A_974 = vector.broadcast %mul3A_973 : f32 to vector<16xf32>
        %mul3A_975 = arith.mulf %get3A_972, %mul3A_974 : vector<16xf32>
        %swap3A_976 = arith.constant 0 : i32
        %swap3A_977 = arith.constant 0 : i32
        %swap3A_978 = tpu.memref_slice %arg6[%rem3A_115, %swap3A_976, %swap3A_977] : memref<3x56x768xf32, #tpu.memory_space<vmem>> -> memref<1x56x768xf32, #tpu.memory_space<vmem>>
        %swap3A_979 = tpu.memref_squeeze %swap3A_978 : memref<1x56x768xf32, #tpu.memory_space<vmem>> -> memref<56x768xf32, #tpu.memory_space<vmem>>
        %swap3A_980 = arith.index_cast %scan3A_166 : i32 to index
        %swap3A_981 = arith.constant 640 : index
        %swap3A_982 = tpu.vector_load %swap3A_979[%swap3A_980, %swap3A_981] {strides = array<i32>} : memref<56x768xf32, #tpu.memory_space<vmem>>, vector<1x16xf32>,
        %swap3A_983 = vector.shape_cast %swap3A_982 : vector<1x16xf32> to vector<16xf32>
        %swap3A_984 = vector.shape_cast %mul3A_975 : vector<16xf32> to vector<1x16xf32>
        tpu.vector_store %swap3A_979[%swap3A_980, %swap3A_981], %swap3A_984 {strides = array<i32>} : memref<56x768xf32, #tpu.memory_space<vmem>>, vector<1x16xf32>,
        %get3A_985 = arith.constant 0 : i32
        %get3A_986 = arith.constant 0 : i32
        %get3A_987 = tpu.memref_slice %arg6[%rem3A_115, %get3A_985, %get3A_986] : memref<3x56x768xf32, #tpu.memory_space<vmem>> -> memref<1x56x768xf32, #tpu.memory_space<vmem>>
        %get3A_988 = tpu.memref_squeeze %get3A_987 : memref<1x56x768xf32, #tpu.memory_space<vmem>> -> memref<56x768xf32, #tpu.memory_space<vmem>>
        %get3A_989 = arith.index_cast %scan3A_166 : i32 to index
        %get3A_990 = arith.constant 656 : index
        %get3A_991 = tpu.vector_load %get3A_988[%get3A_989, %get3A_990] {strides = array<i32>} : memref<56x768xf32, #tpu.memory_space<vmem>>, vector<1x16xf32>,
        %get3A_992 = vector.shape_cast %get3A_991 : vector<1x16xf32> to vector<16xf32>
        %mul3A_993 = arith.constant 27.7128124 : f32
        %mul3A_994 = vector.broadcast %mul3A_993 : f32 to vector<16xf32>
        %mul3A_995 = arith.mulf %get3A_992, %mul3A_994 : vector<16xf32>
        %swap3A_996 = arith.constant 0 : i32
        %swap3A_997 = arith.constant 0 : i32
        %swap3A_998 = tpu.memref_slice %arg6[%rem3A_115, %swap3A_996, %swap3A_997] : memref<3x56x768xf32, #tpu.memory_space<vmem>> -> memref<1x56x768xf32, #tpu.memory_space<vmem>>
        %swap3A_999 = tpu.memref_squeeze %swap3A_998 : memref<1x56x768xf32, #tpu.memory_space<vmem>> -> memref<56x768xf32, #tpu.memory_space<vmem>>
        %swap3A_1000 = arith.index_cast %scan3A_166 : i32 to index
        %swap3A_1001 = arith.constant 656 : index
        %swap3A_1002 = tpu.vector_load %swap3A_999[%swap3A_1000, %swap3A_1001] {strides = array<i32>} : memref<56x768xf32, #tpu.memory_space<vmem>>, vector<1x16xf32>,
        %swap3A_1003 = vector.shape_cast %swap3A_1002 : vector<1x16xf32> to vector<16xf32>
        %swap3A_1004 = vector.shape_cast %mul3A_995 : vector<16xf32> to vector<1x16xf32>
        tpu.vector_store %swap3A_999[%swap3A_1000, %swap3A_1001], %swap3A_1004 {strides = array<i32>} : memref<56x768xf32, #tpu.memory_space<vmem>>, vector<1x16xf32>,
        %get3A_1005 = arith.constant 0 : i32
        %get3A_1006 = arith.constant 0 : i32
        %get3A_1007 = tpu.memref_slice %arg6[%rem3A_115, %get3A_1005, %get3A_1006] : memref<3x56x768xf32, #tpu.memory_space<vmem>> -> memref<1x56x768xf32, #tpu.memory_space<vmem>>
        %get3A_1008 = tpu.memref_squeeze %get3A_1007 : memref<1x56x768xf32, #tpu.memory_space<vmem>> -> memref<56x768xf32, #tpu.memory_space<vmem>>
        %get3A_1009 = arith.index_cast %scan3A_166 : i32 to index
        %get3A_1010 = arith.constant 672 : index
        %get3A_1011 = tpu.vector_load %get3A_1008[%get3A_1009, %get3A_1010] {strides = array<i32>} : memref<56x768xf32, #tpu.memory_space<vmem>>, vector<1x16xf32>,
        %get3A_1012 = vector.shape_cast %get3A_1011 : vector<1x16xf32> to vector<16xf32>
        %mul3A_1013 = arith.constant 27.7128124 : f32
        %mul3A_1014 = vector.broadcast %mul3A_1013 : f32 to vector<16xf32>
        %mul3A_1015 = arith.mulf %get3A_1012, %mul3A_1014 : vector<16xf32>
        %swap3A_1016 = arith.constant 0 : i32
        %swap3A_1017 = arith.constant 0 : i32
        %swap3A_1018 = tpu.memref_slice %arg6[%rem3A_115, %swap3A_1016, %swap3A_1017] : memref<3x56x768xf32, #tpu.memory_space<vmem>> -> memref<1x56x768xf32, #tpu.memory_space<vmem>>
        %swap3A_1019 = tpu.memref_squeeze %swap3A_1018 : memref<1x56x768xf32, #tpu.memory_space<vmem>> -> memref<56x768xf32, #tpu.memory_space<vmem>>
        %swap3A_1020 = arith.index_cast %scan3A_166 : i32 to index
        %swap3A_1021 = arith.constant 672 : index
        %swap3A_1022 = tpu.vector_load %swap3A_1019[%swap3A_1020, %swap3A_1021] {strides = array<i32>} : memref<56x768xf32, #tpu.memory_space<vmem>>, vector<1x16xf32>,
        %swap3A_1023 = vector.shape_cast %swap3A_1022 : vector<1x16xf32> to vector<16xf32>
        %swap3A_1024 = vector.shape_cast %mul3A_1015 : vector<16xf32> to vector<1x16xf32>
        tpu.vector_store %swap3A_1019[%swap3A_1020, %swap3A_1021], %swap3A_1024 {strides = array<i32>} : memref<56x768xf32, #tpu.memory_space<vmem>>, vector<1x16xf32>,
        %get3A_1025 = arith.constant 0 : i32
        %get3A_1026 = arith.constant 0 : i32
        %get3A_1027 = tpu.memref_slice %arg6[%rem3A_115, %get3A_1025, %get3A_1026] : memref<3x56x768xf32, #tpu.memory_space<vmem>> -> memref<1x56x768xf32, #tpu.memory_space<vmem>>
        %get3A_1028 = tpu.memref_squeeze %get3A_1027 : memref<1x56x768xf32, #tpu.memory_space<vmem>> -> memref<56x768xf32, #tpu.memory_space<vmem>>
        %get3A_1029 = arith.index_cast %scan3A_166 : i32 to index
        %get3A_1030 = arith.constant 688 : index
        %get3A_1031 = tpu.vector_load %get3A_1028[%get3A_1029, %get3A_1030] {strides = array<i32>} : memref<56x768xf32, #tpu.memory_space<vmem>>, vector<1x16xf32>,
        %get3A_1032 = vector.shape_cast %get3A_1031 : vector<1x16xf32> to vector<16xf32>
        %mul3A_1033 = arith.constant 27.7128124 : f32
        %mul3A_1034 = vector.broadcast %mul3A_1033 : f32 to vector<16xf32>
        %mul3A_1035 = arith.mulf %get3A_1032, %mul3A_1034 : vector<16xf32>
        %swap3A_1036 = arith.constant 0 : i32
        %swap3A_1037 = arith.constant 0 : i32
        %swap3A_1038 = tpu.memref_slice %arg6[%rem3A_115, %swap3A_1036, %swap3A_1037] : memref<3x56x768xf32, #tpu.memory_space<vmem>> -> memref<1x56x768xf32, #tpu.memory_space<vmem>>
        %swap3A_1039 = tpu.memref_squeeze %swap3A_1038 : memref<1x56x768xf32, #tpu.memory_space<vmem>> -> memref<56x768xf32, #tpu.memory_space<vmem>>
        %swap3A_1040 = arith.index_cast %scan3A_166 : i32 to index
        %swap3A_1041 = arith.constant 688 : index
        %swap3A_1042 = tpu.vector_load %swap3A_1039[%swap3A_1040, %swap3A_1041] {strides = array<i32>} : memref<56x768xf32, #tpu.memory_space<vmem>>, vector<1x16xf32>,
        %swap3A_1043 = vector.shape_cast %swap3A_1042 : vector<1x16xf32> to vector<16xf32>
        %swap3A_1044 = vector.shape_cast %mul3A_1035 : vector<16xf32> to vector<1x16xf32>
        tpu.vector_store %swap3A_1039[%swap3A_1040, %swap3A_1041], %swap3A_1044 {strides = array<i32>} : memref<56x768xf32, #tpu.memory_space<vmem>>, vector<1x16xf32>,
        %get3A_1045 = arith.constant 0 : i32
        %get3A_1046 = arith.constant 0 : i32
        %get3A_1047 = tpu.memref_slice %arg6[%rem3A_115, %get3A_1045, %get3A_1046] : memref<3x56x768xf32, #tpu.memory_space<vmem>> -> memref<1x56x768xf32, #tpu.memory_space<vmem>>
        %get3A_1048 = tpu.memref_squeeze %get3A_1047 : memref<1x56x768xf32, #tpu.memory_space<vmem>> -> memref<56x768xf32, #tpu.memory_space<vmem>>
        %get3A_1049 = arith.index_cast %scan3A_166 : i32 to index
        %get3A_1050 = arith.constant 704 : index
        %get3A_1051 = tpu.vector_load %get3A_1048[%get3A_1049, %get3A_1050] {strides = array<i32>} : memref<56x768xf32, #tpu.memory_space<vmem>>, vector<1x16xf32>,
        %get3A_1052 = vector.shape_cast %get3A_1051 : vector<1x16xf32> to vector<16xf32>
        %mul3A_1053 = arith.constant 27.7128124 : f32
        %mul3A_1054 = vector.broadcast %mul3A_1053 : f32 to vector<16xf32>
        %mul3A_1055 = arith.mulf %get3A_1052, %mul3A_1054 : vector<16xf32>
        %swap3A_1056 = arith.constant 0 : i32
        %swap3A_1057 = arith.constant 0 : i32
        %swap3A_1058 = tpu.memref_slice %arg6[%rem3A_115, %swap3A_1056, %swap3A_1057] : memref<3x56x768xf32, #tpu.memory_space<vmem>> -> memref<1x56x768xf32, #tpu.memory_space<vmem>>
        %swap3A_1059 = tpu.memref_squeeze %swap3A_1058 : memref<1x56x768xf32, #tpu.memory_space<vmem>> -> memref<56x768xf32, #tpu.memory_space<vmem>>
        %swap3A_1060 = arith.index_cast %scan3A_166 : i32 to index
        %swap3A_1061 = arith.constant 704 : index
        %swap3A_1062 = tpu.vector_load %swap3A_1059[%swap3A_1060, %swap3A_1061] {strides = array<i32>} : memref<56x768xf32, #tpu.memory_space<vmem>>, vector<1x16xf32>,
        %swap3A_1063 = vector.shape_cast %swap3A_1062 : vector<1x16xf32> to vector<16xf32>
        %swap3A_1064 = vector.shape_cast %mul3A_1055 : vector<16xf32> to vector<1x16xf32>
        tpu.vector_store %swap3A_1059[%swap3A_1060, %swap3A_1061], %swap3A_1064 {strides = array<i32>} : memref<56x768xf32, #tpu.memory_space<vmem>>, vector<1x16xf32>,
        %get3A_1065 = arith.constant 0 : i32
        %get3A_1066 = arith.constant 0 : i32
        %get3A_1067 = tpu.memref_slice %arg6[%rem3A_115, %get3A_1065, %get3A_1066] : memref<3x56x768xf32, #tpu.memory_space<vmem>> -> memref<1x56x768xf32, #tpu.memory_space<vmem>>
        %get3A_1068 = tpu.memref_squeeze %get3A_1067 : memref<1x56x768xf32, #tpu.memory_space<vmem>> -> memref<56x768xf32, #tpu.memory_space<vmem>>
        %get3A_1069 = arith.index_cast %scan3A_166 : i32 to index
        %get3A_1070 = arith.constant 720 : index
        %get3A_1071 = tpu.vector_load %get3A_1068[%get3A_1069, %get3A_1070] {strides = array<i32>} : memref<56x768xf32, #tpu.memory_space<vmem>>, vector<1x16xf32>,
        %get3A_1072 = vector.shape_cast %get3A_1071 : vector<1x16xf32> to vector<16xf32>
        %mul3A_1073 = arith.constant 27.7128124 : f32
        %mul3A_1074 = vector.broadcast %mul3A_1073 : f32 to vector<16xf32>
        %mul3A_1075 = arith.mulf %get3A_1072, %mul3A_1074 : vector<16xf32>
        %swap3A_1076 = arith.constant 0 : i32
        %swap3A_1077 = arith.constant 0 : i32
        %swap3A_1078 = tpu.memref_slice %arg6[%rem3A_115, %swap3A_1076, %swap3A_1077] : memref<3x56x768xf32, #tpu.memory_space<vmem>> -> memref<1x56x768xf32, #tpu.memory_space<vmem>>
        %swap3A_1079 = tpu.memref_squeeze %swap3A_1078 : memref<1x56x768xf32, #tpu.memory_space<vmem>> -> memref<56x768xf32, #tpu.memory_space<vmem>>
        %swap3A_1080 = arith.index_cast %scan3A_166 : i32 to index
        %swap3A_1081 = arith.constant 720 : index
        %swap3A_1082 = tpu.vector_load %swap3A_1079[%swap3A_1080, %swap3A_1081] {strides = array<i32>} : memref<56x768xf32, #tpu.memory_space<vmem>>, vector<1x16xf32>,
        %swap3A_1083 = vector.shape_cast %swap3A_1082 : vector<1x16xf32> to vector<16xf32>
        %swap3A_1084 = vector.shape_cast %mul3A_1075 : vector<16xf32> to vector<1x16xf32>
        tpu.vector_store %swap3A_1079[%swap3A_1080, %swap3A_1081], %swap3A_1084 {strides = array<i32>} : memref<56x768xf32, #tpu.memory_space<vmem>>, vector<1x16xf32>,
        %get3A_1085 = arith.constant 0 : i32
        %get3A_1086 = arith.constant 0 : i32
        %get3A_1087 = tpu.memref_slice %arg6[%rem3A_115, %get3A_1085, %get3A_1086] : memref<3x56x768xf32, #tpu.memory_space<vmem>> -> memref<1x56x768xf32, #tpu.memory_space<vmem>>
        %get3A_1088 = tpu.memref_squeeze %get3A_1087 : memref<1x56x768xf32, #tpu.memory_space<vmem>> -> memref<56x768xf32, #tpu.memory_space<vmem>>
        %get3A_1089 = arith.index_cast %scan3A_166 : i32 to index
        %get3A_1090 = arith.constant 736 : index
        %get3A_1091 = tpu.vector_load %get3A_1088[%get3A_1089, %get3A_1090] {strides = array<i32>} : memref<56x768xf32, #tpu.memory_space<vmem>>, vector<1x16xf32>,
        %get3A_1092 = vector.shape_cast %get3A_1091 : vector<1x16xf32> to vector<16xf32>
        %mul3A_1093 = arith.constant 27.7128124 : f32
        %mul3A_1094 = vector.broadcast %mul3A_1093 : f32 to vector<16xf32>
        %mul3A_1095 = arith.mulf %get3A_1092, %mul3A_1094 : vector<16xf32>
        %swap3A_1096 = arith.constant 0 : i32
        %swap3A_1097 = arith.constant 0 : i32
        %swap3A_1098 = tpu.memref_slice %arg6[%rem3A_115, %swap3A_1096, %swap3A_1097] : memref<3x56x768xf32, #tpu.memory_space<vmem>> -> memref<1x56x768xf32, #tpu.memory_space<vmem>>
        %swap3A_1099 = tpu.memref_squeeze %swap3A_1098 : memref<1x56x768xf32, #tpu.memory_space<vmem>> -> memref<56x768xf32, #tpu.memory_space<vmem>>
        %swap3A_1100 = arith.index_cast %scan3A_166 : i32 to index
        %swap3A_1101 = arith.constant 736 : index
        %swap3A_1102 = tpu.vector_load %swap3A_1099[%swap3A_1100, %swap3A_1101] {strides = array<i32>} : memref<56x768xf32, #tpu.memory_space<vmem>>, vector<1x16xf32>,
        %swap3A_1103 = vector.shape_cast %swap3A_1102 : vector<1x16xf32> to vector<16xf32>
        %swap3A_1104 = vector.shape_cast %mul3A_1095 : vector<16xf32> to vector<1x16xf32>
        tpu.vector_store %swap3A_1099[%swap3A_1100, %swap3A_1101], %swap3A_1104 {strides = array<i32>} : memref<56x768xf32, #tpu.memory_space<vmem>>, vector<1x16xf32>,
        %get3A_1105 = arith.constant 0 : i32
        %get3A_1106 = arith.constant 0 : i32
        %get3A_1107 = tpu.memref_slice %arg6[%rem3A_115, %get3A_1105, %get3A_1106] : memref<3x56x768xf32, #tpu.memory_space<vmem>> -> memref<1x56x768xf32, #tpu.memory_space<vmem>>
        %get3A_1108 = tpu.memref_squeeze %get3A_1107 : memref<1x56x768xf32, #tpu.memory_space<vmem>> -> memref<56x768xf32, #tpu.memory_space<vmem>>
        %get3A_1109 = arith.index_cast %scan3A_166 : i32 to index
        %get3A_1110 = arith.constant 752 : index
        %get3A_1111 = tpu.vector_load %get3A_1108[%get3A_1109, %get3A_1110] {strides = array<i32>} : memref<56x768xf32, #tpu.memory_space<vmem>>, vector<1x16xf32>,
        %get3A_1112 = vector.shape_cast %get3A_1111 : vector<1x16xf32> to vector<16xf32>
        %mul3A_1113 = arith.constant 27.7128124 : f32
        %mul3A_1114 = vector.broadcast %mul3A_1113 : f32 to vector<16xf32>
        %mul3A_1115 = arith.mulf %get3A_1112, %mul3A_1114 : vector<16xf32>
        %swap3A_1116 = arith.constant 0 : i32
        %swap3A_1117 = arith.constant 0 : i32
        %swap3A_1118 = tpu.memref_slice %arg6[%rem3A_115, %swap3A_1116, %swap3A_1117] : memref<3x56x768xf32, #tpu.memory_space<vmem>> -> memref<1x56x768xf32, #tpu.memory_space<vmem>>
        %swap3A_1119 = tpu.memref_squeeze %swap3A_1118 : memref<1x56x768xf32, #tpu.memory_space<vmem>> -> memref<56x768xf32, #tpu.memory_space<vmem>>
        %swap3A_1120 = arith.index_cast %scan3A_166 : i32 to index
        %swap3A_1121 = arith.constant 752 : index
        %swap3A_1122 = tpu.vector_load %swap3A_1119[%swap3A_1120, %swap3A_1121] {strides = array<i32>} : memref<56x768xf32, #tpu.memory_space<vmem>>, vector<1x16xf32>,
        %swap3A_1123 = vector.shape_cast %swap3A_1122 : vector<1x16xf32> to vector<16xf32>
        %swap3A_1124 = vector.shape_cast %mul3A_1115 : vector<16xf32> to vector<1x16xf32>
        tpu.vector_store %swap3A_1119[%swap3A_1120, %swap3A_1121], %swap3A_1124 {strides = array<i32>} : memref<56x768xf32, #tpu.memory_space<vmem>>, vector<1x16xf32>,
      }
      %scan3A_147 = arith.constant 56 : i32
      %mul3A_148 = arith.constant 56 : i32
      %mul3A_149 = arith.muli %scan3A_111, %mul3A_148 : i32
      %add3A_150 = arith.addi %multiple_of3A, %mul3A_149 : i32
      %multiple_of3A_151 = tpu.assume_multiple %add3A_150, 8 : i32
      %dma_start3A_152 = arith.constant 0 : i32
      %dma_start3A_153 = arith.constant 0 : i32
      %dma_start3A_154 = tpu.memref_slice %arg6[%rem3A_115, %dma_start3A_152, %dma_start3A_153] : memref<3x56x768xf32, #tpu.memory_space<vmem>> -> memref<1x56x768xf32, #tpu.memory_space<vmem>>
      %dma_start3A_155 = tpu.memref_squeeze %dma_start3A_154 : memref<1x56x768xf32, #tpu.memory_space<vmem>> -> memref<56x768xf32, #tpu.memory_space<vmem>>
      %dma_start3A_156 = arith.constant 0 : i32
      %dma_start3A_157 = tpu.memref_slice %arg4[%select_n3A, %multiple_of3A_151, %dma_start3A_156] : memref<4x4096x768xf32, #tpu.memory_space<hbm>> -> memref<1x56x768xf32, #tpu.memory_space<hbm>>
      %dma_start3A_158 = tpu.memref_squeeze %dma_start3A_157 : memref<1x56x768xf32, #tpu.memory_space<hbm>> -> memref<56x768xf32, #tpu.memory_space<hbm>>
      %dma_start3A_159 = arith.constant 0 : i32
      %dma_start3A_160 = tpu.memref_slice %arg4[%select_n3A, %multiple_of3A_151, %dma_start3A_159] : memref<4x4096x768xf32, #tpu.memory_space<hbm>> -> memref<1x56x768xf32, #tpu.memory_space<hbm>>
      %dma_start3A_161 = tpu.memref_squeeze %dma_start3A_160 : memref<1x56x768xf32, #tpu.memory_space<hbm>> -> memref<56x768xf32, #tpu.memory_space<hbm>>
      %dma_start3A_162 = arith.constant 0 : i32
      %dma_start3A_163 = arith.constant 0 : i32
      %dma_start3A_164 = tpu.memref_slice %arg6[%rem3A_115, %dma_start3A_162, %dma_start3A_163] : memref<3x56x768xf32, #tpu.memory_space<vmem>> -> memref<1x56x768xf32, #tpu.memory_space<vmem>>
      %dma_start3A_165 = tpu.memref_squeeze %dma_start3A_164 : memref<1x56x768xf32, #tpu.memory_space<vmem>> -> memref<56x768xf32, #tpu.memory_space<vmem>>
      tpu.enqueue_dma source(%dma_start3A_165 : memref<56x768xf32, #tpu.memory_space<vmem>>) target(%dma_start3A_161 : memref<56x768xf32, #tpu.memory_space<hbm>>) target_semaphore(%arg8 : memref<!tpu.dma_semaphore, #tpu.memory_space<semaphore_mem>>)
    }
    %scan3A_80 = arith.constant 9 : i32
    %dma_wait3A_81 = arith.constant 0 : i32
    %dma_wait3A_82 = arith.constant 0 : i32
    %dma_wait3A_83 = arith.constant 0 : i32
    %dma_wait3A_84 = tpu.memref_slice %arg6[%dma_wait3A_81, %dma_wait3A_82, %dma_wait3A_83] : memref<3x56x768xf32, #tpu.memory_space<vmem>> -> memref<1x56x768xf32, #tpu.memory_space<vmem>>
    %dma_wait3A_85 = tpu.memref_squeeze %dma_wait3A_84 : memref<1x56x768xf32, #tpu.memory_space<vmem>> -> memref<56x768xf32, #tpu.memory_space<vmem>>
    %dma_wait3A_86 = arith.constant 0 : i32
    %dma_wait3A_87 = tpu.memref_slice %arg4[%select_n3A, %multiple_of3A, %dma_wait3A_86] : memref<4x4096x768xf32, #tpu.memory_space<hbm>> -> memref<1x56x768xf32, #tpu.memory_space<hbm>>
    %dma_wait3A_88 = tpu.memref_squeeze %dma_wait3A_87 : memref<1x56x768xf32, #tpu.memory_space<hbm>> -> memref<56x768xf32, #tpu.memory_space<hbm>>
    %dma_wait3A_89 = arith.constant 0 : i32
    %dma_wait3A_90 = tpu.memref_slice %arg4[%select_n3A, %multiple_of3A, %dma_wait3A_89] : memref<4x4096x768xf32, #tpu.memory_space<hbm>> -> memref<1x56x768xf32, #tpu.memory_space<hbm>>
    %dma_wait3A_91 = tpu.memref_squeeze %dma_wait3A_90 : memref<1x56x768xf32, #tpu.memory_space<hbm>> -> memref<56x768xf32, #tpu.memory_space<hbm>>
    %dma_wait3A_92 = arith.constant 0 : i32
    %dma_wait3A_93 = arith.constant 0 : i32
    %dma_wait3A_94 = tpu.memref_slice %arg6[%dma_wait3A_81, %dma_wait3A_92, %dma_wait3A_93] : memref<3x56x768xf32, #tpu.memory_space<vmem>> -> memref<1x56x768xf32, #tpu.memory_space<vmem>>
    %dma_wait3A_95 = tpu.memref_squeeze %dma_wait3A_94 : memref<1x56x768xf32, #tpu.memory_space<vmem>> -> memref<56x768xf32, #tpu.memory_space<vmem>>
    tpu.wait_dma2 semaphore(%arg8 : memref<!tpu.dma_semaphore, #tpu.memory_space<semaphore_mem>>) src(%dma_wait3A_95 : memref<56x768xf32, #tpu.memory_space<vmem>>) dst(%dma_wait3A_91 : memref<56x768xf32, #tpu.memory_space<hbm>>)
    %dma_wait3A_96 = arith.constant 0 : i32
    %dma_wait3A_97 = arith.constant 0 : i32
    %dma_wait3A_98 = arith.constant 0 : i32
    %dma_wait3A_99 = tpu.memref_slice %arg6[%dma_wait3A_96, %dma_wait3A_97, %dma_wait3A_98] : memref<3x56x768xf32, #tpu.memory_space<vmem>> -> memref<1x56x768xf32, #tpu.memory_space<vmem>>
    %dma_wait3A_100 = tpu.memref_squeeze %dma_wait3A_99 : memref<1x56x768xf32, #tpu.memory_space<vmem>> -> memref<56x768xf32, #tpu.memory_space<vmem>>
    %dma_wait3A_101 = arith.constant 0 : i32
    %dma_wait3A_102 = tpu.memref_slice %arg4[%select_n3A, %multiple_of3A, %dma_wait3A_101] : memref<4x4096x768xf32, #tpu.memory_space<hbm>> -> memref<1x56x768xf32, #tpu.memory_space<hbm>>
    %dma_wait3A_103 = tpu.memref_squeeze %dma_wait3A_102 : memref<1x56x768xf32, #tpu.memory_space<hbm>> -> memref<56x768xf32, #tpu.memory_space<hbm>>
    %dma_wait3A_104 = arith.constant 0 : i32
    %dma_wait3A_105 = tpu.memref_slice %arg4[%select_n3A, %multiple_of3A, %dma_wait3A_104] : memref<4x4096x768xf32, #tpu.memory_space<hbm>> -> memref<1x56x768xf32, #tpu.memory_space<hbm>>
    %dma_wait3A_106 = tpu.memref_squeeze %dma_wait3A_105 : memref<1x56x768xf32, #tpu.memory_space<hbm>> -> memref<56x768xf32, #tpu.memory_space<hbm>>
    %dma_wait3A_107 = arith.constant 0 : i32
    %dma_wait3A_108 = arith.constant 0 : i32
    %dma_wait3A_109 = tpu.memref_slice %arg6[%dma_wait3A_96, %dma_wait3A_107, %dma_wait3A_108] : memref<3x56x768xf32, #tpu.memory_space<vmem>> -> memref<1x56x768xf32, #tpu.memory_space<vmem>>
    %dma_wait3A_110 = tpu.memref_squeeze %dma_wait3A_109 : memref<1x56x768xf32, #tpu.memory_space<vmem>> -> memref<56x768xf32, #tpu.memory_space<vmem>>
    tpu.wait_dma2 semaphore(%arg8 : memref<!tpu.dma_semaphore, #tpu.memory_space<semaphore_mem>>) src(%dma_wait3A_110 : memref<56x768xf32, #tpu.memory_space<vmem>>) dst(%dma_wait3A_106 : memref<56x768xf32, #tpu.memory_space<hbm>>)
    return
  }
}

</mosaic_0001>

<sc_bundles>
// kernel: kernel.3.cloned.1.call-start
scs
__scs_entry_jumppad:
0x0: {  	(pc) =	sbr.rel $0x88, $3  }
0x1: {  	(tag) =	ssettag $0x0;
	lr =	simm.s32 $0x1  }
0x2: {  	[smem:$0x3F9F] =	sst lr;
	_ =	strace $0xD0000000  }
0x3: {  	_ = 	snop  }
0x4: {  	_ = 	snop  }
0x5: {  	_ = 	snop  }
0x6: {  	_ = 	snop  }
0x7: {  	_ = 	snop  }
__scs_overlays_trampoline_lowered:
0x8: {  	[smem:$0x3FAE] =	sst s0  }
0x9: {  	[smem:$0x3FAF] =	sst s1  }
0xa: {  	[smem:$0x3FB0] =	sst s2  }
0xb: {  	[smem:$0x3FB1] =	sst s3  }
0xc: {  	[smem:$0x3FB2] =	sst s4  }
0xd: {  	[smem:$0x3FB3] =	sst s5  }
0xe: {  	[smem:$0x3FB4] =	sst s6  }
0xf: {  	[smem:$0x3FB5] =	sst s7  }
0x10: {  	[smem:$0x3FB6] =	sst s8  }
0x11: {  	[smem:$0x3FB7] =	sst s9;
	s0 =	simm.s32 @!p0 $0x0  }
0x12: {  	s1 =	sld [smem:$0x3F9D];
	s0 =	simm.s32 @p0 $0x1  }
0x13: {  	[smem:$0x3FB8] =	sst s0;
	s0 =	simm.s32 @!p1 $0x0  }
0x14: {  	s2 =	sld [smem:$0x3F9C];
	s0 =	simm.s32 @p1 $0x1  }
0x15: {  	[smem:$0x3FB9] =	sst s0;
	s0 =	simm.s32 @!p2 $0x0  }
0x16: {  	s3 =	sld [smem:$0x3FDB];
	s0 =	simm.s32 @p2 $0x1  }
0x17: {  	s4 =	simm.s32 $0x1BF5;
	[smem:$0x3FBB] =	sst s0  }
0x18: {  	s0 =	sld [smem:$0x3F9E];
	_ =	swait.ge [sflag:s4], $0x0  }
0x19: {  	s7 =	sld [smem:$0x3F9F]  }
0x1a: {  	s8 =	sadd.s32 $0xFFFFE003, lr  }
0x1b: {  	s9 =	sadd.s32 $0xFFFFFEF7, lr;
	s5 =	simm.s32 $0xFFFFFFFF;
	p2 =	slt.u32 s8, $0xFFFFF086  }
0x1c: {  	p1 =	slt.u32 s9, $0xF7A;
	s5 =	simm.s32 @!p2 $0x0  }
0x1d: {  	s5 =	simm.s32 @p1 $0x1;
	p0 =	seq.s32 s7, s2  }
0x1e: {  	s7 =	smul.u32 @!p0 $0xF7A, s2;
	p2 =	seq.s32 @!p0 s5, $0x0  }
0x1f: {  	s9 =	smul.u32 $0xF7A, s1;
	s8 =	simm.s32 @!p0 $0x1BF5;
	p2 =	por !p2, p0  }
0x20: {  	[sflag:s8] =	ssyncset.s32 @!p0 $0xFFFFF086;
	s6 =	sadd.s32 @!p0 s3, s7;
	s7 =	simm.s32 @!p0 $0x108  }
0x21: {  	s3 =	sadd.s32 s3, s9;
	s6 =	sadd.s32 @!p0 $0x88, s6;
	s7 =	simm.s32 @p2 $0x1082  }
0x22: {  	[simem:s7], [sflag:s8] =	dma.local @!p0 [hbm:s6], $0xF7A  }
0x23: {  	s9 =	sor.u32 $0xD0000000, s2;
	s6 =	simm.s32 $0x108;
	_ =	swait.ge @!p0 [sflag:s8], $0x0  }
0x24: {  	s3 =	sadd.s32 $0x88, s3;
	s6 =	simm.s32 @!p1 $0x1082;
	[sflag:s4] =	ssyncset.s32 $0xFFFFF086  }
0x25: {  	[simem:s6], [sflag:s4] =	dma.local [hbm:s3], $0xF7A  }
0x26: {  	[smem:$0x3F9F] =	sst s1;
	(tag) =	ssettag s2;
	_ =	strace s9  }
0x27: {  	s1 =	sld [smem:$0x3FAF]  }
0x28: {  	s2 =	sld [smem:$0x3FB0]  }
0x29: {  	s4 =	sld [smem:$0x3FB2]  }
0x2a: {  	p0 =	seq.s32 s5, $0x0;
	s5 =	sld [smem:$0x3FB3]  }
0x2b: {  	s6 =	sld [smem:$0x3FB4]  }
0x2c: {  	s7 =	sld [smem:$0x3FB5]  }
0x2d: {  	s3 =	simm.s32 $0x108;
	s8 =	sld [smem:$0x3FB6]  }
0x2e: {  	s3 =	simm.s32 @!p0 $0x1082;
	s9 =	sld [smem:$0x3FB7]  }
0x2f: {  	lr =	sadd.s32 s0, s3;
	s0 =	sld [smem:$0x3FAE]  }
0x30: {  	s3 =	sld [smem:$0x3FB1]  }
0x31: {  	[smem:$0x3FBA] =	sst s10  }
0x32: {  	s10 =	sld [smem:$0x3FB8];
	_ =	sdelay $0x3  }
0x33: {  	p0 =	seq.s32 s10, $0x1;
	s10 =	sld [smem:$0x3FBA];
	_ =	sdelay $0x3  }
0x34: {  	[smem:$0x3FBA] =	sst s10  }
0x35: {  	s10 =	sld [smem:$0x3FB9];
	_ =	sdelay $0x3  }
0x36: {  	p1 =	seq.s32 s10, $0x1;
	s10 =	sld [smem:$0x3FBA];
	_ =	sdelay $0x3  }
0x37: {  	[smem:$0x3FBA] =	sst s10  }
0x38: {  	s10 =	sld [smem:$0x3FBB]  }
0x39: {  	_ = 	snop;
	(pc) =	sbr.ind lr, $3  }
0x3a: {  	_ = 	snop  }
0x3b: {  	_ = 	snop  }
0x3c: {  	p2 =	seq.s32 s10, $0x1;
	s10 =	sld [smem:$0x3FBA]  }
0x3d: {  	_ =	shalt  }
0x3e: {  	_ =	shalt  }
0x3f: {  	_ =	shalt  }
0x40: {  	_ =	shalt  }
0x41: {  	_ =	shalt  }
0x42: {  	_ =	shalt  }
0x43: {  	_ =	shalt  }
0x44: {  	_ =	shalt  }
0x45: {  	_ =	shalt  }
0x46: {  	_ =	shalt  }
0x47: {  	_ =	shalt  }
0x48: {  	_ =	shalt  }
0x49: {  	_ =	shalt  }
0x4a: {  	_ =	shalt  }
0x4b: {  	_ =	shalt  }
0x4c: {  	_ =	shalt  }
0x4d: {  	_ =	shalt  }
0x4e: {  	_ =	shalt  }
0x4f: {  	_ =	shalt  }
0x50: {  	_ =	shalt  }
0x51: {  	_ =	shalt  }
0x52: {  	_ =	shalt  }
0x53: {  	_ =	shalt  }
0x54: {  	_ =	shalt  }
0x55: {  	_ =	shalt  }
0x56: {  	_ =	shalt  }
0x57: {  	_ =	shalt  }
0x58: {  	_ =	shalt  }
0x59: {  	_ =	shalt  }
0x5a: {  	_ =	shalt  }
0x5b: {  	_ =	shalt  }
0x5c: {  	_ =	shalt  }
0x5d: {  	_ =	shalt  }
0x5e: {  	_ =	shalt  }
0x5f: {  	_ =	shalt  }
0x60: {  	_ =	shalt  }
0x61: {  	_ =	shalt  }
0x62: {  	_ =	shalt  }
0x63: {  	_ =	shalt  }
0x64: {  	_ =	shalt  }
0x65: {  	_ =	shalt  }
0x66: {  	_ =	shalt  }
0x67: {  	_ =	shalt  }
0x68: {  	_ =	shalt  }
0x69: {  	_ =	shalt  }
0x6a: {  	_ =	shalt  }
0x6b: {  	_ =	shalt  }
0x6c: {  	_ =	shalt  }
0x6d: {  	_ =	shalt  }
0x6e: {  	_ =	shalt  }
0x6f: {  	_ =	shalt  }
0x70: {  	_ =	shalt  }
0x71: {  	_ =	shalt  }
0x72: {  	_ =	shalt  }
0x73: {  	_ =	shalt  }
0x74: {  	_ =	shalt  }
0x75: {  	_ =	shalt  }
0x76: {  	_ =	shalt  }
0x77: {  	_ =	shalt  }
0x78: {  	_ =	shalt  }
0x79: {  	_ =	shalt  }
0x7a: {  	_ =	shalt  }
0x7b: {  	_ =	shalt  }
0x7c: {  	_ =	shalt  }
0x7d: {  	_ =	shalt  }
0x7e: {  	_ =	shalt  }
0x7f: {  	_ =	shalt  }
0x80: {  	_ =	shalt  }
0x81: {  	_ =	shalt  }
0x82: {  	_ =	shalt  }
0x83: {  	_ =	shalt  }
0x84: {  	_ =	shalt  }
0x85: {  	_ =	shalt  }
0x86: {  	_ =	shalt  }
0x87: {  	_ =	shalt  }
.Lfunc_end0:
.L_simem_size_0:
called_computation_lowered:
.L_overlay_start_0:
0x88: {  	s2 =	sld [smem:$0x3FD9]  }
0x89: {  	s3 =	sld [smem:$0x3FFE];
	_ =	sdelay $0x1  }
0x8a: {  	s1 =	srdreg.scid  }
0x8b: {  	s0 =	sand.u32 $0x1, s1  }
0x8c: {  	s18 =	sshll.u32 s0, $0xA;
	s2 =	sadd.s32 s3, s2  }
0x8d: {  	s2 =	sadd.s32 s2, s18  }
0x8e: {  	[smem:$0x3FC6] =	sst s2  }
0x8f: {  	_ = 	snop  }
0x90: {  	s2 =	sld [smem:$0x3FC9]  }
0x91: {  	s19 =	sld [smem:$0x3FC8]  }
0x92: {  	s4 =	sld [smem:$0x3FD0];
	(tm) =	ssettm $0x1  }
0x93: {  	s5 =	sld [smem:$0x3FFB];
	_ =	sdelay $0x3  }
0x94: {  	_ =	strace s5  }
0x95: {  	s5 =	sld [smem:$0x3FFC];
	_ =	sdelay $0x3  }
0x96: {  	_ =	strace s5  }
0x97: {  	s5 =	sld [smem:$0x3FFD];
	_ =	sdelay $0x3  }
0x98: {  	_ =	strace s5  }
0x99: {  	_ =	strace $0x8FFFFFFF  }
0x9a: {  	s20 =	sld [smem:$0x3FDB];
	_ =	sdelay $0x1  }
0x9b: {  	s6 =	simm.s32 $_scs_section_size  }
0x9c: {  	s7 =	simm.s32 $_size__tile_overlayer_lowered;
	s8 =	simm.s32 $_tile_overlayer_lowered  }
0x9d: {  	s23 =	simm.s32 $0x1BFF;
	s22 =	sshll.u32 s8, $0x1;
	s5 =	sadd.s32 s6, s20  }
0x9e: {  	s9 =	simm.s32 $0x0;
	s21 =	sshll.u32 s7, $0x1;
	s7 =	sadd.s32 s22, s5  }
0x9f: {  	[timem:s9], [sflag:s23] =	dma.local [hbm:s7], s21  }
0xa0: {  	_ =	swait.ge [sflag:s23], s21  }
0xa1: {  	s6 =	ssub.s32 $0x0, s21;
	[sflag:s23] =	ssyncset.done $0x0  }
0xa2: {  	[sflag:s23] =	ssyncadd.s32 s6;
	_ =	sdelay $0x1  }
0xa3: {  	s24 =	simm.s32 $0x1B8B  }
0xa4: {  	_ =	swait.ge [sflag:s24], $0x1  }
0xa5: {  	[sflag:s24] =	ssyncset.done $0x0  }
0xa6: {  	s25 =	simm.s32 $0x1B8E;
	[sflag:s24] =	ssyncadd.s32 $0xFFFFFFFF  }
0xa7: {  	s26 =	simm.s32 $execute0_lowered;
	[smem:$0x3FD2] =	sst s25  }
0xa8: {  	s6 =	sshll.u32 s26, $0x1;
	_ =	strace $0x80000046;
	[dreg:$0x1] =	wrdreg $0xFFFFFFFF  }
0xa9: {  	s28 =	simm.s32 $_size_execute0_lowered;
	s5 =	sadd.s32 s5, s6;
	[dreg:$0x0] =	wrdreg $0x0  }
0xaa: {  	s6 =	sshll.u32 s28, $0x1;
	[dreg:$0x2] =	wrdreg s5  }
0xab: {  	[dreg:$0x3] =	wrdreg s6  }
0xac: {  	[dreg:$0x4] =	wrdreg $0xC0  }
0xad: {  	_ =	task [dreg:s9], $0x5FFFF  }
0xae: {  	[dreg:$0x1] =	wrdreg $0xFFFFFFFF  }
0xaf: {  	[dreg:$0x0] =	wrdreg $0x60  }
0xb0: {  	[dreg:$0x2] =	wrdreg s2  }
0xb1: {  	[dreg:$0x3] =	wrdreg s19  }
0xb2: {  	[dreg:$0x4] =	wrdreg s4  }
0xb3: {  	[dreg:$0x5] =	wrdreg $0x9  }
0xb4: {  	_ =	task.clear_ibuf [dreg:s9], $0x6FFFF;
	_ =	strace $0x90000046  }
0xb5: {  	s29 =	simm.s32 $0x9;
	_ =	strace $0x80000048  }
0xb6: {  	_ =	swait.ge [sflag:s29], $0x1  }
0xb7: {  	[sflag:s29] =	ssyncadd.s32 $0xFFFFFFFF  }
0xb8: {  	_ =	strace $0x90000048  }
0xb9: {  	_ =	sfence  }
0xba: {  	s30 =	sld [smem:$0x0];
	_ =	sdelay $0x2  }
0xbb: {  	s31 =	sshll.u32 s1, $0xD;
	s1 =	sshrl.u32 s1, $0x2  }
0xbc: {  	s3 =	sand.u32 $0x4000, s31;
	s1 =	sadd.s32 s1, s30  }
0xbd: {  	s0 =	sor.u32 s3, s0;
	s1 =	sshll.u32 s1, $0x11  }
0xbe: {  	s0 =	sor.u32 s1, s0  }
0xbf: {  	s0 =	sadd.s32 $0x8F2B, s0  }
0xc0: {  	[sflag:s0] =	ssyncadd.remote.s32 $0x1  }
0xc1: {  	_ =	sfence.sel $0xFFFF  }
0xc2: {  	[dreg:$0x0] =	wrdreg $0xFFFFFFFF;
	(pc) =	sbr.abs _section_cstart, $3  }
0xc3: {  	[dreg:$0x1] =	wrdreg $0xFFFFFFFF  }
0xc4: {  	_ =	task.clear_ibuf [dreg:s9], $0x2FFFF;
	_ =	strace $0x9FFFFFFF  }
0xc5: {  	(tm) =	ssettm $0x7FFFFFFF  }
tec
execute0_lowered:
.L_overlay_start_1:
0x0: {  	(tag) =	ssettag $0x1  }
0x1: {  	s0 =	rddreg [dreg:$0x0]  }
0x2: {  	s2 =	rddreg [dreg:$0x1];
	s1 =	srdreg.scid  }
0x3: {  	s7 =	stileid.u32;
	s3 =	rddreg [dreg:$0x2];
	s13 =	simm.s32 $0x200  }
0x4: {  	s14 =	simm.s32 $0x4;
	s12 =	simm.s32 $0x12A00;
	s15 =	simm.s32 $0x13200  }
0x5: {  	s16 =	simm.s32 $0x13A00;
	s17 =	simm.s32 $0x14200;
	s18 =	simm.s32 $0x14A00  }
0x6: {  	s19 =	simm.s32 $0x3;
	s20 =	simm.s32 $0x1;
	s21 =	simm.s32 $0x2  }
0x7: {  	s22 =	simm.s32 $0x0;
	s1 =	sand.u32 $0x1, s1;
	s4 =	sshll.u32 s7, $0xA  }
0x8: {  	s7 =	sshrl.u32 s7, $0x2;
	s5 =	sshll.u32 s1, $0x9;
	s6 =	sand.u32 $0xC00, s4  }
0x9: {  	s4 =	simm.s32 $0x0;
	s1 =	ssub.s32 $0x2, s1;
	s5 =	sor.u32 s5, s6  }
0xa: {  	[smem:$0x7FF] =	sst s4;
	s6 =	smul.u32 $0x300000, s7;
	s8 =	sshrl.u32 s5, $0x3  }
0xb: {  	s7 =	sshll.u32 s7, $0x7;
	s10 =	sshrl.u32 s1, $0x1;
	s8 =	smul.u32 $0x1800, s8  }
0xc: {  	_ =	strace $0x80000047;
	s9 =	sshll.u32 s5, $0x2;
	s1 =	ssub.s32 s1, s10  }
0xd: {  	s7 =	sor.u32 s7, s9;
	s9 =	sadd.s32 $0x200, s2;
	s8 =	sadd.s32 s6, s8  }
0xe: {  	v2 =	vlaneseq.u32;
	s11 =	smax.u32 s1, $0x1;
	s7 =	sshrl.u32 s7, $0x3;
	s30 =	sadd.s32 $0x5E800, s8  }
0xf: {  	vm0 =	vmmov $0xffff;
	v1 =	vshrl.u32 v2, $0x3;
	s1 =	simm.s32 $0x11A00;
	s7 =	sadd.s32 s0, s7;
	s31 =	sshrl.u32 s30, $0x3  }
0x10: {  	v0 =	vand.u32 $0x7, v2;
	v2 =	vor.u32 $0x8, v2;
	v1 =	vmul.u32 $0x8, v1;
	s0 =	simm.s32 $0x12200;
	s8 =	sadd.s32 $0x100, s2;
	s10 =	sadd.s32 s3, s31  }
.LBB2_1:
0x11: {  	s23 =	simm.s32 $0x80  }
0x12: {  	[tilespmem:s4], [sflag:$0x4] =	stream.strided.gather [hbm4b:s7+s23], $0x200, s13, s23, $0x38;
	[tilespmem:$0x1FA00] =	vst v63  }
0x13: {  	_ =	swait.ge [sflag:s14], $0x200  }
0x14: {  	[sflag:s14] =	ssyncset.done $0x0  }
0x15: {  	[sflag:s14] =	ssyncadd.s32 $0xFFFFFE00  }
0x16: {  	v3 =	vld.msk [tilespmem:$0x1F8], $0xff;
	_ =	sdelay $0x4  }
0x17: {  	v4 =	vshrl.u32 v3, $0x3  }
0x18: {  	v4 =	vmul.u32 $0x30, v4  }
0x19: {  	v3 =	vand.u32 $0x7, v3  }
0x1a: {  	v3 =	vor.u32 v3, v4  }
0x1b: {  	v3 =	vperm.xlane v3, v0;
	_ =	sdelay $0x1  }
0x1c: {  	v3 =	vadd.s32 v1, v3;
	_ =	sdelay $0x4  }
0x1d: {  	[tilespmem:s13], [sflag:$0x3] =	stream.indirect_vreg.gather [hbm4b:s2+s4], $0x80, v3, vm0, $0xb8;
	[tilespmem:$0x1FA00] =	vst v63  }
0x1e: {  	s30 =	simm.s32 $0xA00  }
0x1f: {  	[tilespmem:s30], [sflag:$0x3] =	stream.indirect_vreg.gather [hbm4b:s8+s4], $0x80, v3, vm0, $0xb8;
	[tilespmem:$0x1FA00] =	vst v63  }
0x20: {  	s31 =	simm.s32 $0x1200  }
0x21: {  	[tilespmem:s31], [sflag:$0x3] =	stream.indirect_vreg.gather [hbm4b:s9+s4], $0x80, v3, vm0, $0xb8;
	[tilespmem:$0x1FA00] =	vst v63  }
0x22: {  	v3 =	vld [tilespmem:$0x0];
	_ =	sdelay $0x4  }
0x23: {  	v4 =	vshrl.u32 v3, $0x3  }
0x24: {  	v4 =	vmul.u32 $0x30, v4  }
0x25: {  	v3 =	vand.u32 $0x7, v3  }
0x26: {  	v3 =	vor.u32 v3, v4  }
0x27: {  	v4 =	vperm.xlane v3, v0;
	_ =	sdelay $0x1  }
0x28: {  	v4 =	vadd.s32 v1, v4;
	_ =	sdelay $0x3  }
0x29: {  	s24 =	simm.s32 $0xAA00;
	v3 =	vperm.xlane v3, v2  }
0x2a: {  	[tilespmem:s24], [sflag:$0x1] =	stream.indirect_vreg.gather [hbm4b:s2+s4], $0x80, v4, vm0, $0xb8;
	[tilespmem:$0x1FA00] =	vst v63  }
0x2b: {  	s25 =	simm.s32 $0xB200;
	v3 =	vadd.s32 v1, v3  }
0x2c: {  	[tilespmem:s25], [sflag:$0x1] =	stream.indirect_vreg.gather [hbm4b:s8+s4], $0x80, v4, vm0, $0xb8;
	[tilespmem:$0x1FA00] =	vst v63  }
0x2d: {  	s26 =	simm.s32 $0xBA00  }
0x2e: {  	[tilespmem:s26], [sflag:$0x1] =	stream.indirect_vreg.gather [hbm4b:s9+s4], $0x80, v4, vm0, $0xb8;
	[tilespmem:$0x1FA00] =	vst v63  }
0x2f: {  	s28 =	simm.s32 $0xC200  }
0x30: {  	[tilespmem:s28], [sflag:$0x1] =	stream.indirect_vreg.gather [hbm4b:s2+s4], $0x80, v3, vm0, $0xb8;
	[tilespmem:$0x1FA00] =	vst v63  }
0x31: {  	s29 =	simm.s32 $0xCA00  }
0x32: {  	[tilespmem:s29], [sflag:$0x1] =	stream.indirect_vreg.gather [hbm4b:s8+s4], $0x80, v3, vm0, $0xb8;
	[tilespmem:$0x1FA00] =	vst v63  }
0x33: {  	s30 =	simm.s32 $0xD200  }
0x34: {  	[tilespmem:s30], [sflag:$0x1] =	stream.indirect_vreg.gather [hbm4b:s9+s4], $0x80, v3, vm0, $0xb8;
	[tilespmem:$0x1FA00] =	vst v63  }
0x35: {  	v3 =	vld [tilespmem:$0x10];
	_ =	sdelay $0x4  }
0x36: {  	v4 =	vshrl.u32 v3, $0x3  }
0x37: {  	v4 =	vmul.u32 $0x30, v4  }
0x38: {  	v3 =	vand.u32 $0x7, v3  }
0x39: {  	v3 =	vor.u32 v3, v4  }
0x3a: {  	v4 =	vperm.xlane v3, v0;
	_ =	sdelay $0x1  }
0x3b: {  	v4 =	vadd.s32 v1, v4;
	_ =	sdelay $0x3  }
0x3c: {  	s31 =	simm.s32 $0xDA00;
	v3 =	vperm.xlane v3, v2  }
0x3d: {  	[tilespmem:s31], [sflag:$0x1] =	stream.indirect_vreg.gather [hbm4b:s2+s4], $0x80, v4, vm0, $0xb8;
	[tilespmem:$0x1FA00] =	vst v63  }
0x3e: {  	s24 =	simm.s32 $0xE200;
	v3 =	vadd.s32 v1, v3  }
0x3f: {  	[tilespmem:s24], [sflag:$0x1] =	stream.indirect_vreg.gather [hbm4b:s8+s4], $0x80, v4, vm0, $0xb8;
	[tilespmem:$0x1FA00] =	vst v63  }
0x40: {  	s25 =	simm.s32 $0xEA00  }
0x41: {  	[tilespmem:s25], [sflag:$0x1] =	stream.indirect_vreg.gather [hbm4b:s9+s4], $0x80, v4, vm0, $0xb8;
	[tilespmem:$0x1FA00] =	vst v63  }
0x42: {  	s26 =	simm.s32 $0xF200  }
0x43: {  	[tilespmem:s26], [sflag:$0x1] =	stream.indirect_vreg.gather [hbm4b:s2+s4], $0x80, v3, vm0, $0xb8;
	[tilespmem:$0x1FA00] =	vst v63  }
0x44: {  	s28 =	simm.s32 $0xFA00  }
0x45: {  	[tilespmem:s28], [sflag:$0x1] =	stream.indirect_vreg.gather [hbm4b:s8+s4], $0x80, v3, vm0, $0xb8;
	[tilespmem:$0x1FA00] =	vst v63  }
0x46: {  	s29 =	simm.s32 $0x10200  }
0x47: {  	[tilespmem:s29], [sflag:$0x1] =	stream.indirect_vreg.gather [hbm4b:s9+s4], $0x80, v3, vm0, $0xb8;
	[tilespmem:$0x1FA00] =	vst v63  }
0x48: {  	v3 =	vld [tilespmem:$0x20];
	_ =	sdelay $0x4  }
0x49: {  	v4 =	vshrl.u32 v3, $0x3  }
0x4a: {  	v4 =	vmul.u32 $0x30, v4  }
0x4b: {  	v3 =	vand.u32 $0x7, v3  }
0x4c: {  	v3 =	vor.u32 v3, v4  }
0x4d: {  	v4 =	vperm.xlane v3, v0;
	_ =	sdelay $0x1  }
0x4e: {  	v4 =	vadd.s32 v1, v4;
	_ =	sdelay $0x3  }
0x4f: {  	s30 =	simm.s32 $0x10A00;
	v3 =	vperm.xlane v3, v2  }
0x50: {  	[tilespmem:s30], [sflag:$0x1] =	stream.indirect_vreg.gather [hbm4b:s2+s4], $0x80, v4, vm0, $0xb8;
	[tilespmem:$0x1FA00] =	vst v63  }
0x51: {  	s31 =	simm.s32 $0x11200;
	v3 =	vadd.s32 v1, v3  }
0x52: {  	[tilespmem:s31], [sflag:$0x1] =	stream.indirect_vreg.gather [hbm4b:s8+s4], $0x80, v4, vm0, $0xb8;
	[tilespmem:$0x1FA00] =	vst v63  }
0x53: {  	_ = 	snop  }
0x54: {  	[tilespmem:s1], [sflag:$0x1] =	stream.indirect_vreg.gather [hbm4b:s9+s4], $0x80, v4, vm0, $0xb8;
	[tilespmem:$0x1FA00] =	vst v63  }
0x55: {  	_ = 	snop  }
0x56: {  	[tilespmem:s0], [sflag:$0x1] =	stream.indirect_vreg.gather [hbm4b:s2+s4], $0x80, v3, vm0, $0xb8;
	[tilespmem:$0x1FA00] =	vst v63  }
0x57: {  	_ = 	snop  }
0x58: {  	[tilespmem:s12], [sflag:$0x1] =	stream.indirect_vreg.gather [hbm4b:s8+s4], $0x80, v3, vm0, $0xb8;
	[tilespmem:$0x1FA00] =	vst v63  }
0x59: {  	_ = 	snop  }
0x5a: {  	[tilespmem:s15], [sflag:$0x1] =	stream.indirect_vreg.gather [hbm4b:s9+s4], $0x80, v3, vm0, $0xb8;
	[tilespmem:$0x1FA00] =	vst v63  }
0x5b: {  	v3 =	vld.msk [tilespmem:$0x30], $0xff;
	_ =	sdelay $0x4  }
0x5c: {  	v4 =	vshrl.u32 v3, $0x3  }
0x5d: {  	v4 =	vmul.u32 $0x30, v4  }
0x5e: {  	v3 =	vand.u32 $0x7, v3  }
0x5f: {  	v3 =	vor.u32 v3, v4  }
0x60: {  	v3 =	vperm.xlane v3, v0;
	_ =	sdelay $0x1  }
0x61: {  	v3 =	vadd.s32 v1, v3;
	_ =	sdelay $0x4  }
0x62: {  	[tilespmem:s16], [sflag:$0x1] =	stream.indirect_vreg.gather [hbm4b:s2+s4], $0x80, v3, vm0, $0xb8;
	[tilespmem:$0x1FA00] =	vst v63  }
0x63: {  	_ = 	snop  }
0x64: {  	[tilespmem:s17], [sflag:$0x1] =	stream.indirect_vreg.gather [hbm4b:s8+s4], $0x80, v3, vm0, $0xb8;
	[tilespmem:$0x1FA00] =	vst v63  }
0x65: {  	_ = 	snop  }
0x66: {  	[tilespmem:s18], [sflag:$0x1] =	stream.indirect_vreg.gather [hbm4b:s9+s4], $0x80, v3, vm0, $0xb8;
	[tilespmem:$0x1FA00] =	vst v63  }
0x67: {  	_ =	swait.ge [sflag:s19], $0x1800  }
0x68: {  	[sflag:s19] =	ssyncset.done $0x0  }
0x69: {  	s23 =	simm.s32 $0xFFFFFC00;
	[sflag:s19] =	ssyncadd.s32 $0xFFFFE800  }
0x6a: {  	v3 =	vld [tilespmem:s23+$0x600]  }
0x6b: {  	v4 =	vld [tilespmem:s23+$0x610]  }
0x6c: {  	v5 =	vld [tilespmem:s23+$0x620]  }
0x6d: {  	v6 =	vld [tilespmem:s23+$0x630]  }
0x6e: {  	v7 =	vld [tilespmem:s23+$0x640]  }
0x6f: {  	v8 =	vld [tilespmem:s23+$0x650];
	v3 =	vmul.f32 $2.771281240e+01, v3  }
0x70: {  	v9 =	vld [tilespmem:s23+$0x660];
	v4 =	vmul.f32 $2.771281240e+01, v4  }
0x71: {  	v5 =	vmul.f32 $2.771281240e+01, v5;
	[tilespmem:s23+$0x600] =	vst v3;
	v3 =	vld [tilespmem:s23+$0x670]  }
0x72: {  	v6 =	vmul.f32 $2.771281240e+01, v6;
	[tilespmem:s23+$0x610] =	vst v4;
	v4 =	vld [tilespmem:s23+$0xA00]  }
0x73: {  	v7 =	vmul.f32 $2.771281240e+01, v7;
	[tilespmem:s23+$0x620] =	vst v5;
	v5 =	vld [tilespmem:s23+$0xA10]  }
0x74: {  	v8 =	vmul.f32 $2.771281240e+01, v8;
	[tilespmem:s23+$0x630] =	vst v6;
	v6 =	vld [tilespmem:s23+$0xA20]  }
0x75: {  	v9 =	vmul.f32 $2.771281240e+01, v9;
	[tilespmem:s23+$0x640] =	vst v7;
	v7 =	vld [tilespmem:s23+$0xA30]  }
0x76: {  	[tilespmem:s23+$0x650] =	vst v8;
	v8 =	vld [tilespmem:s23+$0xA40];
	v3 =	vmul.f32 $2.771281240e+01, v3  }
0x77: {  	[tilespmem:s23+$0x660] =	vst v9;
	v9 =	vld [tilespmem:s23+$0xA50];
	v4 =	vmul.f32 $2.771281240e+01, v4  }
0x78: {  	v5 =	vmul.f32 $2.771281240e+01, v5;
	[tilespmem:s23+$0x670] =	vst v3;
	v3 =	vld [tilespmem:s23+$0xA60]  }
0x79: {  	v6 =	vmul.f32 $2.771281240e+01, v6;
	[tilespmem:s23+$0xA00] =	vst v4;
	v4 =	vld [tilespmem:s23+$0xA70]  }
0x7a: {  	v7 =	vmul.f32 $2.771281240e+01, v7;
	[tilespmem:s23+$0xA10] =	vst v5;
	v5 =	vld [tilespmem:s23+$0xE00]  }
0x7b: {  	v8 =	vmul.f32 $2.771281240e+01, v8;
	[tilespmem:s23+$0xA20] =	vst v6;
	v6 =	vld [tilespmem:s23+$0xE10]  }
0x7c: {  	v9 =	vmul.f32 $2.771281240e+01, v9;
	[tilespmem:s23+$0xA30] =	vst v7;
	v7 =	vld [tilespmem:s23+$0xE20]  }
0x7d: {  	[tilespmem:s23+$0xA40] =	vst v8;
	v8 =	vld [tilespmem:s23+$0xE30];
	v3 =	vmul.f32 $2.771281240e+01, v3  }
0x7e: {  	[tilespmem:s23+$0xA50] =	vst v9;
	v9 =	vld [tilespmem:s23+$0xE40];
	v4 =	vmul.f32 $2.771281240e+01, v4  }
0x7f: {  	v5 =	vmul.f32 $2.771281240e+01, v5;
	[tilespmem:s23+$0xA60] =	vst v3;
	v3 =	vld [tilespmem:s23+$0xE50]  }
0x80: {  	v6 =	vmul.f32 $2.771281240e+01, v6;
	[tilespmem:s23+$0xA70] =	vst v4;
	v4 =	vld [tilespmem:s23+$0xE60]  }
0x81: {  	v7 =	vmul.f32 $2.771281240e+01, v7;
	[tilespmem:s23+$0xE00] =	vst v5;
	v5 =	vld [tilespmem:s23+$0xE70]  }
0x82: {  	v8 =	vmul.f32 $2.771281240e+01, v8;
	[tilespmem:s23+$0xE10] =	vst v6;
	v6 =	vld [tilespmem:s23+$0x1200]  }
0x83: {  	v9 =	vmul.f32 $2.771281240e+01, v9;
	[tilespmem:s23+$0xE20] =	vst v7;
	v7 =	vld [tilespmem:s23+$0x1210]  }
0x84: {  	[tilespmem:s23+$0xE30] =	vst v8;
	v8 =	vld [tilespmem:s23+$0x1220];
	v3 =	vmul.f32 $2.771281240e+01, v3  }
0x85: {  	[tilespmem:s23+$0xE40] =	vst v9;
	v9 =	vld [tilespmem:s23+$0x1230];
	v4 =	vmul.f32 $2.771281240e+01, v4  }
0x86: {  	v5 =	vmul.f32 $2.771281240e+01, v5;
	[tilespmem:s23+$0xE50] =	vst v3;
	v3 =	vld [tilespmem:s23+$0x1240]  }
0x87: {  	v6 =	vmul.f32 $2.771281240e+01, v6;
	[tilespmem:s23+$0xE60] =	vst v4;
	v4 =	vld [tilespmem:s23+$0x1250]  }
0x88: {  	v7 =	vmul.f32 $2.771281240e+01, v7;
	[tilespmem:s23+$0xE70] =	vst v5;
	v5 =	vld [tilespmem:s23+$0x1260]  }
0x89: {  	v8 =	vmul.f32 $2.771281240e+01, v8;
	[tilespmem:s23+$0x1200] =	vst v6;
	v6 =	vld [tilespmem:s23+$0x1270]  }
0x8a: {  	v9 =	vmul.f32 $2.771281240e+01, v9;
	[tilespmem:s23+$0x1210] =	vst v7;
	v7 =	vld [tilespmem:s23+$0x1600]  }
0x8b: {  	[tilespmem:s23+$0x1220] =	vst v8;
	v8 =	vld [tilespmem:s23+$0x1610];
	v3 =	vmul.f32 $2.771281240e+01, v3  }
0x8c: {  	[tilespmem:s23+$0x1230] =	vst v9;
	v9 =	vld [tilespmem:s23+$0x1620];
	v4 =	vmul.f32 $2.771281240e+01, v4  }
0x8d: {  	v5 =	vmul.f32 $2.771281240e+01, v5;
	[tilespmem:s23+$0x1240] =	vst v3;
	v3 =	vld [tilespmem:s23+$0x1630]  }
0x8e: {  	v6 =	vmul.f32 $2.771281240e+01, v6;
	[tilespmem:s23+$0x1250] =	vst v4;
	v4 =	vld [tilespmem:s23+$0x1640]  }
0x8f: {  	v7 =	vmul.f32 $2.771281240e+01, v7;
	[tilespmem:s23+$0x1260] =	vst v5;
	v5 =	vld [tilespmem:s23+$0x1650]  }
0x90: {  	v8 =	vmul.f32 $2.771281240e+01, v8;
	[tilespmem:s23+$0x1270] =	vst v6;
	v6 =	vld [tilespmem:s23+$0x1660]  }
0x91: {  	v9 =	vmul.f32 $2.771281240e+01, v9;
	[tilespmem:s23+$0x1600] =	vst v7;
	v7 =	vld [tilespmem:s23+$0x1670]  }
0x92: {  	[tilespmem:s23+$0x1610] =	vst v8;
	v8 =	vld [tilespmem:s23+$0x1A00];
	v3 =	vmul.f32 $2.771281240e+01, v3  }
0x93: {  	v10 =	vld [tilespmem:s23+$0x1A10];
	[tilespmem:s23+$0x1620] =	vst v9;
	v9 =	vmul.f32 $2.771281240e+01, v4  }
0x94: {  	v4 =	vld [tilespmem:s23+$0x1A20];
	v5 =	vmul.f32 $2.771281240e+01, v5;
	[tilespmem:s23+$0x1630] =	vst v3  }
0x95: {  	v6 =	vmul.f32 $2.771281240e+01, v6;
	[tilespmem:s23+$0x1640] =	vst v9;
	v3 =	vld [tilespmem:s23+$0x1A30]  }
0x96: {  	v7 =	vmul.f32 $2.771281240e+01, v7;
	[tilespmem:s23+$0x1650] =	vst v5;
	v5 =	vld [tilespmem:s23+$0x1A40]  }
0x97: {  	[tilespmem:s23+$0x1660] =	vst v6;
	v6 =	vld [tilespmem:s23+$0x1A50];
	v9 =	vmul.f32 $2.771281240e+01, v8  }
0x98: {  	s24 =	simm.s32 $0xFFFFF200;
	[tilespmem:s23+$0x1670] =	vst v7;
	v8 =	vmul.f32 $2.771281240e+01, v10;
	v7 =	vld [tilespmem:s23+$0x1A60]  }
.LBB2_2:
0x99: {  	s25 =	sshra.s32 s24, $0x2;
	p0 =	sne.s32 s24, $0xFFFFFE00;
	[tilespmem:s23+$0x1A00] =	vst v9;
	v4 =	vmul.f32 $2.771281240e+01, v4;
	v9 =	vld [tilespmem:s23+$0x1A70]  }
0x9a: {  	v10 =	vld [tilespmem:s25+$0x600];
	[tilespmem:s23+$0x1A10] =	vst v8;
	v3 =	vmul.f32 $2.771281240e+01, v3  }
0x9b: {  	v8 =	vld [tilespmem:s25+$0x610];
	[tilespmem:s23+$0x1A20] =	vst v4;
	v4 =	vmul.f32 $2.771281240e+01, v5  }
0x9c: {  	v5 =	vld [tilespmem:s25+$0x620];
	[tilespmem:s23+$0x1A30] =	vst v3;
	v3 =	vmul.f32 $2.771281240e+01, v6  }
0x9d: {  	v6 =	vld [tilespmem:s25+$0x630];
	[tilespmem:s23+$0x1A40] =	vst v4;
	v4 =	vmul.f32 $2.771281240e+01, v7  }
0x9e: {  	v7 =	vld [tilespmem:s25+$0x640];
	[tilespmem:s23+$0x1A50] =	vst v3;
	v3 =	vmul.f32 $2.771281240e+01, v9  }
0x9f: {  	v9 =	vmul.f32 $2.771281240e+01, v10;
	v10 =	vld [tilespmem:s25+$0x650];
	[tilespmem:s23+$0x1A60] =	vst v4  }
0xa0: {  	v4 =	vmul.f32 $2.771281240e+01, v8;
	v8 =	vld [tilespmem:s25+$0x660];
	[tilespmem:s23+$0x1A70] =	vst v3;
	s23 =	smov.u32 s25  }
0xa1: {  	[tilespmem:s23+$0x600] =	vst v9;
	v3 =	vmul.f32 $2.771281240e+01, v5;
	v5 =	vld [tilespmem:s23+$0x670]  }
0xa2: {  	[tilespmem:s23+$0x610] =	vst v4;
	v4 =	vmul.f32 $2.771281240e+01, v6;
	v6 =	vld [tilespmem:s23+$0xA00]  }
0xa3: {  	[tilespmem:s23+$0x620] =	vst v3;
	v3 =	vmul.f32 $2.771281240e+01, v7;
	v7 =	vld [tilespmem:s23+$0xA10]  }
0xa4: {  	[tilespmem:s23+$0x630] =	vst v4;
	v4 =	vmul.f32 $2.771281240e+01, v10;
	v9 =	vld [tilespmem:s23+$0xA20]  }
0xa5: {  	[tilespmem:s23+$0x640] =	vst v3;
	v3 =	vmul.f32 $2.771281240e+01, v8;
	v8 =	vld [tilespmem:s23+$0xA30]  }
0xa6: {  	[tilespmem:s23+$0x650] =	vst v4;
	v4 =	vmul.f32 $2.771281240e+01, v5;
	v5 =	vld [tilespmem:s23+$0xA40]  }
0xa7: {  	[tilespmem:s23+$0x660] =	vst v3;
	v3 =	vmul.f32 $2.771281240e+01, v6;
	v6 =	vld [tilespmem:s23+$0xA50]  }
0xa8: {  	[tilespmem:s23+$0x670] =	vst v4;
	v4 =	vmul.f32 $2.771281240e+01, v7;
	v7 =	vld [tilespmem:s23+$0xA60]  }
0xa9: {  	[tilespmem:s23+$0xA00] =	vst v3;
	v3 =	vmul.f32 $2.771281240e+01, v9;
	v9 =	vld [tilespmem:s23+$0xA70]  }
0xaa: {  	[tilespmem:s23+$0xA10] =	vst v4;
	v4 =	vmul.f32 $2.771281240e+01, v8;
	v8 =	vld [tilespmem:s23+$0xE00]  }
0xab: {  	[tilespmem:s23+$0xA20] =	vst v3;
	v3 =	vmul.f32 $2.771281240e+01, v5;
	v5 =	vld [tilespmem:s23+$0xE10]  }
0xac: {  	[tilespmem:s23+$0xA30] =	vst v4;
	v4 =	vmul.f32 $2.771281240e+01, v6;
	v6 =	vld [tilespmem:s23+$0xE20]  }
0xad: {  	[tilespmem:s23+$0xA40] =	vst v3;
	v3 =	vmul.f32 $2.771281240e+01, v7;
	v7 =	vld [tilespmem:s23+$0xE30]  }
0xae: {  	[tilespmem:s23+$0xA50] =	vst v4;
	v4 =	vmul.f32 $2.771281240e+01, v9;
	v9 =	vld [tilespmem:s23+$0xE40]  }
0xaf: {  	[tilespmem:s23+$0xA60] =	vst v3;
	v3 =	vmul.f32 $2.771281240e+01, v8;
	v8 =	vld [tilespmem:s23+$0xE50]  }
0xb0: {  	[tilespmem:s23+$0xA70] =	vst v4;
	v4 =	vmul.f32 $2.771281240e+01, v5;
	v5 =	vld [tilespmem:s23+$0xE60]  }
0xb1: {  	[tilespmem:s23+$0xE00] =	vst v3;
	v3 =	vmul.f32 $2.771281240e+01, v6;
	v6 =	vld [tilespmem:s23+$0xE70]  }
0xb2: {  	[tilespmem:s23+$0xE10] =	vst v4;
	v4 =	vmul.f32 $2.771281240e+01, v7;
	v7 =	vld [tilespmem:s23+$0x1200]  }
0xb3: {  	[tilespmem:s23+$0xE20] =	vst v3;
	v3 =	vmul.f32 $2.771281240e+01, v9;
	v9 =	vld [tilespmem:s23+$0x1210]  }
0xb4: {  	[tilespmem:s23+$0xE30] =	vst v4;
	v4 =	vmul.f32 $2.771281240e+01, v8;
	v8 =	vld [tilespmem:s23+$0x1220]  }
0xb5: {  	[tilespmem:s23+$0xE40] =	vst v3;
	v3 =	vmul.f32 $2.771281240e+01, v5;
	v5 =	vld [tilespmem:s23+$0x1230]  }
0xb6: {  	[tilespmem:s23+$0xE50] =	vst v4;
	v4 =	vmul.f32 $2.771281240e+01, v6;
	v6 =	vld [tilespmem:s23+$0x1240]  }
0xb7: {  	[tilespmem:s23+$0xE60] =	vst v3;
	v3 =	vmul.f32 $2.771281240e+01, v7;
	v7 =	vld [tilespmem:s23+$0x1250]  }
0xb8: {  	[tilespmem:s23+$0xE70] =	vst v4;
	v4 =	vmul.f32 $2.771281240e+01, v9;
	v9 =	vld [tilespmem:s23+$0x1260]  }
0xb9: {  	[tilespmem:s23+$0x1200] =	vst v3;
	v3 =	vmul.f32 $2.771281240e+01, v8;
	v8 =	vld [tilespmem:s23+$0x1270]  }
0xba: {  	[tilespmem:s23+$0x1210] =	vst v4;
	v4 =	vmul.f32 $2.771281240e+01, v5;
	v5 =	vld [tilespmem:s23+$0x1600]  }
0xbb: {  	[tilespmem:s23+$0x1220] =	vst v3;
	v3 =	vmul.f32 $2.771281240e+01, v6;
	v6 =	vld [tilespmem:s23+$0x1610]  }
0xbc: {  	[tilespmem:s23+$0x1230] =	vst v4;
	v4 =	vmul.f32 $2.771281240e+01, v7;
	v7 =	vld [tilespmem:s23+$0x1620]  }
0xbd: {  	[tilespmem:s23+$0x1240] =	vst v3;
	v3 =	vmul.f32 $2.771281240e+01, v9;
	v9 =	vld [tilespmem:s23+$0x1630]  }
0xbe: {  	[tilespmem:s23+$0x1250] =	vst v4;
	v4 =	vmul.f32 $2.771281240e+01, v8;
	v8 =	vld [tilespmem:s23+$0x1640]  }
0xbf: {  	[tilespmem:s23+$0x1260] =	vst v3;
	v3 =	vmul.f32 $2.771281240e+01, v5;
	v5 =	vld [tilespmem:s23+$0x1650]  }
0xc0: {  	[tilespmem:s23+$0x1270] =	vst v4;
	v4 =	vmul.f32 $2.771281240e+01, v6;
	v6 =	vld [tilespmem:s23+$0x1660]  }
0xc1: {  	[tilespmem:s23+$0x1600] =	vst v3;
	v3 =	vmul.f32 $2.771281240e+01, v7;
	v7 =	vld [tilespmem:s23+$0x1670]  }
0xc2: {  	[tilespmem:s23+$0x1610] =	vst v4;
	v4 =	vmul.f32 $2.771281240e+01, v9;
	v9 =	vld [tilespmem:s23+$0x1A00]  }
0xc3: {  	[tilespmem:s23+$0x1620] =	vst v3;
	v3 =	vmul.f32 $2.771281240e+01, v8;
	v8 =	vld [tilespmem:s23+$0x1A10]  }
.Ltmp0:
0xc4: {  	[tilespmem:s23+$0x1630] =	vst v4;
	v5 =	vmul.f32 $2.771281240e+01, v5;
	v4 =	vld [tilespmem:s23+$0x1A20];
	(pc) =	sbr.rel @p0 .LBB2_2-.Ltmp0, $4  }
0xc5: {  	[tilespmem:s23+$0x1640] =	vst v3;
	v6 =	vmul.f32 $2.771281240e+01, v6;
	v3 =	vld [tilespmem:s23+$0x1A30]  }
0xc6: {  	[tilespmem:s23+$0x1650] =	vst v5;
	v7 =	vmul.f32 $2.771281240e+01, v7;
	v5 =	vld [tilespmem:s23+$0x1A40]  }
0xc7: {  	[tilespmem:s23+$0x1660] =	vst v6;
	v9 =	vmul.f32 $2.771281240e+01, v9;
	v6 =	vld [tilespmem:s23+$0x1A50]  }
0xc8: {  	s24 =	sadd.s32 $0x200, s24;
	[tilespmem:s23+$0x1670] =	vst v7;
	v8 =	vmul.f32 $2.771281240e+01, v8;
	v7 =	vld [tilespmem:s23+$0x1A60]  }
0xc9: {  	[tilespmem:s23+$0x1A00] =	vst v9;
	v4 =	vmul.f32 $2.771281240e+01, v4;
	v61 =	vld [tilespmem:s23+$0x1A70]  }
0xca: {  	[tilespmem:s23+$0x1A10] =	vst v8;
	v3 =	vmul.f32 $2.771281240e+01, v3  }
0xcb: {  	[tilespmem:s23+$0x1A20] =	vst v4;
	v62 =	vmul.f32 $2.771281240e+01, v5  }
0xcc: {  	[tilespmem:s23+$0x1A30] =	vst v3;
	v3 =	vmul.f32 $2.771281240e+01, v6  }
0xcd: {  	[tilespmem:s23+$0x1A40] =	vst v62;
	v63 =	vmul.f32 $2.771281240e+01, v7  }
0xce: {  	[tilespmem:s23+$0x1A50] =	vst v3;
	v3 =	vmul.f32 $2.771281240e+01, v61  }
0xcf: {  	[tilespmem:s23+$0x1A60] =	vst v63  }
0xd0: {  	[tilespmem:s23+$0x1A70] =	vst v3;
	s23 =	simm.s32 $0x0  }
0xd1: {  	[hbm4b:s10+s23] =	stream.linear.scatter [tilespmem:s13], [sflag:$0x3], $0x1800, $0x38;
	[tilespmem:$0x1FA00] =	vst v63  }
.LBB2_4:
0xd2: {  	p1 =	seq.s32 s23, $0x8  }
.Ltmp1:
0xd3: {  	p0 =	slt.u32 s23, $0x2;
	(pc) =	sbr.rel @p1 .LBB2_6-.Ltmp1, $4  }
0xd4: {  	s25 =	simm.s32 @!p0 $0x2  }
0xd5: {  	_ =	swait.ge @!p0 [sflag:s25], $0xA800  }
0xd6: {  	[sflag:s25] =	ssyncset.done @!p0 $0x0  }
0xd7: {  	s24 =	sadd.s32 $0x1, s23;
	[sflag:s25] =	ssyncadd.s32 @!p0 $0xFFFF5800  }
0xd8: {  	p0 =	sne.s32 s23, $0x1  }
0xd9: {  	s25 =	simm.s32 @!p0 $0x3  }
0xda: {  	s26 =	smul.u32 $0xE0, s24;
	_ =	swait.ge @!p0 [sflag:s25], $0x1800  }
0xdb: {  	[sflag:s25] =	ssyncset.done @!p0 $0x0  }
0xdc: {  	[sflag:s25] =	ssyncadd.s32 @!p0 $0xFFFFE800;
	s25 =	sshra.s32 s26, $0x2  }
0xdd: {  	v3 =	vld [tilespmem:s25+$0x0];
	_ =	sdelay $0x2  }
0xde: {  	s31 =	sadd.s32 $0x2, s23  }
0xdf: {  	s28 =	sand.u32 $0xFF, s31  }
0xe0: {  	s28 =	smul.u32 $0xAB, s28;
	v4 =	vshrl.u32 v3, $0x3  }
0xe1: {  	v4 =	vmul.u32 $0x30, v4  }
0xe2: {  	s28 =	sshrl.u32 s28, $0x9;
	v3 =	vand.u32 $0x7, v3  }
0xe3: {  	s28 =	smul.u32 $0x3, s28;
	v3 =	vor.u32 v3, v4  }
0xe4: {  	v4 =	vperm.xlane v3, v0  }
0xe5: {  	s26 =	ssub.s32 s31, s28  }
0xe6: {  	s26 =	sand.u32 $0xFF, s26;
	v4 =	vadd.s32 v1, v4  }
0xe7: {  	s26 =	smul.u32 $0x2A000, s26;
	_ =	sdelay $0x1  }
0xe8: {  	s26 =	sshrl.u32 s26, $0x2  }
0xe9: {  	s29 =	sor.u32 $0x200, s26;
	v3 =	vperm.xlane v3, v2  }
0xea: {  	[tilespmem:s29], [sflag:$0x1] =	stream.indirect_vreg.gather [hbm4b:s2+s4], $0x80, v4, vm0, $0xb8;
	[tilespmem:$0x1FA00] =	vst v63  }
0xeb: {  	s30 =	sadd.s32 $0xA00, s26;
	v3 =	vadd.s32 v1, v3  }
0xec: {  	[tilespmem:s30], [sflag:$0x1] =	stream.indirect_vreg.gather [hbm4b:s8+s4], $0x80, v4, vm0, $0xb8;
	[tilespmem:$0x1FA00] =	vst v63  }
0xed: {  	s31 =	sadd.s32 $0x1200, s26  }
0xee: {  	[tilespmem:s31], [sflag:$0x1] =	stream.indirect_vreg.gather [hbm4b:s9+s4], $0x80, v4, vm0, $0xb8;
	[tilespmem:$0x1FA00] =	vst v63  }
0xef: {  	s29 =	sadd.s32 $0x1A00, s26  }
0xf0: {  	[tilespmem:s29], [sflag:$0x1] =	stream.indirect_vreg.gather [hbm4b:s2+s4], $0x80, v3, vm0, $0xb8;
	[tilespmem:$0x1FA00] =	vst v63  }
0xf1: {  	s30 =	sadd.s32 $0x2200, s26  }
0xf2: {  	[tilespmem:s30], [sflag:$0x1] =	stream.indirect_vreg.gather [hbm4b:s8+s4], $0x80, v3, vm0, $0xb8;
	[tilespmem:$0x1FA00] =	vst v63  }
0xf3: {  	s31 =	sadd.s32 $0x2A00, s26  }
0xf4: {  	[tilespmem:s31], [sflag:$0x1] =	stream.indirect_vreg.gather [hbm4b:s9+s4], $0x80, v3, vm0, $0xb8;
	[tilespmem:$0x1FA00] =	vst v63  }
0xf5: {  	v3 =	vld [tilespmem:s25+$0x10];
	_ =	sdelay $0x4  }
0xf6: {  	v61 =	vshrl.u32 v3, $0x3  }
0xf7: {  	v4 =	vmul.u32 $0x30, v61  }
0xf8: {  	v3 =	vand.u32 $0x7, v3  }
0xf9: {  	v3 =	vor.u32 v3, v4  }
0xfa: {  	v4 =	vperm.xlane v3, v0;
	_ =	sdelay $0x1  }
0xfb: {  	v4 =	vadd.s32 v1, v4;
	_ =	sdelay $0x3  }
0xfc: {  	s29 =	sadd.s32 $0x3200, s26;
	v3 =	vperm.xlane v3, v2  }
0xfd: {  	[tilespmem:s29], [sflag:$0x1] =	stream.indirect_vreg.gather [hbm4b:s2+s4], $0x80, v4, vm0, $0xb8;
	[tilespmem:$0x1FA00] =	vst v63  }
0xfe: {  	s30 =	sadd.s32 $0x3A00, s26;
	v3 =	vadd.s32 v1, v3  }
0xff: {  	[tilespmem:s30], [sflag:$0x1] =	stream.indirect_vreg.gather [hbm4b:s8+s4], $0x80, v4, vm0, $0xb8;
	[tilespmem:$0x1FA00] =	vst v63  }
0x100: {  	s31 =	sadd.s32 $0x4200, s26  }
0x101: {  	[tilespmem:s31], [sflag:$0x1] =	stream.indirect_vreg.gather [hbm4b:s9+s4], $0x80, v4, vm0, $0xb8;
	[tilespmem:$0x1FA00] =	vst v63  }
0x102: {  	s29 =	sadd.s32 $0x4A00, s26  }
0x103: {  	[tilespmem:s29], [sflag:$0x1] =	stream.indirect_vreg.gather [hbm4b:s2+s4], $0x80, v3, vm0, $0xb8;
	[tilespmem:$0x1FA00] =	vst v63  }
0x104: {  	s30 =	sadd.s32 $0x5200, s26  }
0x105: {  	[tilespmem:s30], [sflag:$0x1] =	stream.indirect_vreg.gather [hbm4b:s8+s4], $0x80, v3, vm0, $0xb8;
	[tilespmem:$0x1FA00] =	vst v63  }
0x106: {  	s31 =	sadd.s32 $0x5A00, s26  }
0x107: {  	[tilespmem:s31], [sflag:$0x1] =	stream.indirect_vreg.gather [hbm4b:s9+s4], $0x80, v3, vm0, $0xb8;
	[tilespmem:$0x1FA00] =	vst v63  }
0x108: {  	v3 =	vld [tilespmem:s25+$0x20];
	_ =	sdelay $0x4  }
0x109: {  	v62 =	vshrl.u32 v3, $0x3  }
0x10a: {  	v4 =	vmul.u32 $0x30, v62  }
0x10b: {  	v3 =	vand.u32 $0x7, v3  }
0x10c: {  	v3 =	vor.u32 v3, v4  }
0x10d: {  	v4 =	vperm.xlane v3, v0;
	_ =	sdelay $0x1  }
0x10e: {  	v4 =	vadd.s32 v1, v4;
	_ =	sdelay $0x3  }
0x10f: {  	s29 =	sadd.s32 $0x6200, s26;
	v3 =	vperm.xlane v3, v2  }
0x110: {  	[tilespmem:s29], [sflag:$0x1] =	stream.indirect_vreg.gather [hbm4b:s2+s4], $0x80, v4, vm0, $0xb8;
	[tilespmem:$0x1FA00] =	vst v63  }
0x111: {  	s30 =	sadd.s32 $0x6A00, s26;
	v3 =	vadd.s32 v1, v3  }
0x112: {  	[tilespmem:s30], [sflag:$0x1] =	stream.indirect_vreg.gather [hbm4b:s8+s4], $0x80, v4, vm0, $0xb8;
	[tilespmem:$0x1FA00] =	vst v63  }
0x113: {  	s31 =	sadd.s32 $0x7200, s26  }
0x114: {  	[tilespmem:s31], [sflag:$0x1] =	stream.indirect_vreg.gather [hbm4b:s9+s4], $0x80, v4, vm0, $0xb8;
	[tilespmem:$0x1FA00] =	vst v63  }
0x115: {  	s29 =	sadd.s32 $0x7A00, s26  }
0x116: {  	[tilespmem:s29], [sflag:$0x1] =	stream.indirect_vreg.gather [hbm4b:s2+s4], $0x80, v3, vm0, $0xb8;
	[tilespmem:$0x1FA00] =	vst v63  }
0x117: {  	s30 =	sadd.s32 $0x8200, s26  }
0x118: {  	[tilespmem:s30], [sflag:$0x1] =	stream.indirect_vreg.gather [hbm4b:s8+s4], $0x80, v3, vm0, $0xb8;
	[tilespmem:$0x1FA00] =	vst v63  }
0x119: {  	s31 =	sadd.s32 $0x8A00, s26  }
0x11a: {  	[tilespmem:s31], [sflag:$0x1] =	stream.indirect_vreg.gather [hbm4b:s9+s4], $0x80, v3, vm0, $0xb8;
	[tilespmem:$0x1FA00] =	vst v63  }
0x11b: {  	v3 =	vld.msk [tilespmem:s25+$0x30], $0xff;
	_ =	sdelay $0x4  }
0x11c: {  	v63 =	vshrl.u32 v3, $0x3  }
0x11d: {  	v4 =	vmul.u32 $0x30, v63  }
0x11e: {  	v3 =	vand.u32 $0x7, v3  }
0x11f: {  	v3 =	vor.u32 v3, v4  }
0x120: {  	v3 =	vperm.xlane v3, v0;
	_ =	sdelay $0x1  }
0x121: {  	v3 =	vadd.s32 v1, v3;
	_ =	sdelay $0x3  }
0x122: {  	s29 =	sadd.s32 $0x9200, s26  }
0x123: {  	[tilespmem:s29], [sflag:$0x1] =	stream.indirect_vreg.gather [hbm4b:s2+s4], $0x80, v3, vm0, $0xb8;
	[tilespmem:$0x1FA00] =	vst v63  }
0x124: {  	s30 =	sadd.s32 $0x9A00, s26  }
0x125: {  	[tilespmem:s30], [sflag:$0x1] =	stream.indirect_vreg.gather [hbm4b:s8+s4], $0x80, v3, vm0, $0xb8;
	[tilespmem:$0x1FA00] =	vst v63  }
0x126: {  	s31 =	sadd.s32 $0xA200, s26  }
0x127: {  	[tilespmem:s31], [sflag:$0x1] =	stream.indirect_vreg.gather [hbm4b:s9+s4], $0x80, v3, vm0, $0xb8;
	[tilespmem:$0x1FA00] =	vst v63  }
.LBB2_6:
0x128: {  	s25 =	smul.u32 $0xAB, s24;
	_ =	sdelay $0x1  }
0x129: {  	s25 =	sshrl.u32 s25, $0x9  }
0x12a: {  	s25 =	sand.u32 $0x7F, s25  }
0x12b: {  	s25 =	smul.u32 $0x3, s25;
	_ =	sdelay $0x1  }
0x12c: {  	s25 =	ssub.s32 s24, s25  }
0x12d: {  	s25 =	sand.u32 $0xFF, s25  }
0x12e: {  	s26 =	simm.s32 $0x0;
	s25 =	smul.u32 $0x2A000, s25  }
0x12f: {  	s26 =	smul.u32 $0x6000, s26  }
0x130: {  	_ =	swait.ge [sflag:s20], $0xA800;
	s25 =	sshrl.u32 s25, $0x2  }
0x131: {  	s28 =	simm.s32 $0x0;
	s26 =	sshra.s32 s26, $0x2;
	s25 =	sor.u32 $0x200, s25  }
0x132: {  	[sflag:s20] =	ssyncset.done $0x0;
	s29 =	sand.u32 $0x380, s28;
	s26 =	sadd.s32 s26, s25  }
0x133: {  	[sflag:s20] =	ssyncadd.s32 $0xFFFF5800;
	s26 =	sadd.s32 s29, s26  }
0x134: {  	v3 =	vld [tilespmem:s26+$0x0]  }
0x135: {  	v4 =	vld [tilespmem:s26+$0x10]  }
0x136: {  	v5 =	vld [tilespmem:s26+$0x20]  }
0x137: {  	v6 =	vld [tilespmem:s26+$0x30]  }
0x138: {  	v7 =	vld [tilespmem:s26+$0x40]  }
0x139: {  	v8 =	vld [tilespmem:s26+$0x50];
	v3 =	vmul.f32 $2.771281240e+01, v3  }
0x13a: {  	v9 =	vld [tilespmem:s26+$0x60];
	v4 =	vmul.f32 $2.771281240e+01, v4  }
0x13b: {  	[tilespmem:s26+$0x0] =	vst v3;
	v3 =	vmul.f32 $2.771281240e+01, v5;
	v5 =	vld [tilespmem:s26+$0x70]  }
0x13c: {  	[tilespmem:s26+$0x10] =	vst v4;
	v4 =	vmul.f32 $2.771281240e+01, v6;
	v6 =	vld [tilespmem:s26+$0x400]  }
0x13d: {  	[tilespmem:s26+$0x20] =	vst v3;
	v3 =	vmul.f32 $2.771281240e+01, v7;
	v7 =	vld [tilespmem:s26+$0x410]  }
0x13e: {  	[tilespmem:s26+$0x30] =	vst v4;
	v4 =	vmul.f32 $2.771281240e+01, v8;
	v8 =	vld [tilespmem:s26+$0x420]  }
0x13f: {  	[tilespmem:s26+$0x40] =	vst v3;
	v3 =	vmul.f32 $2.771281240e+01, v9;
	v9 =	vld [tilespmem:s26+$0x430]  }
0x140: {  	[tilespmem:s26+$0x50] =	vst v4;
	v4 =	vmul.f32 $2.771281240e+01, v5;
	v5 =	vld [tilespmem:s26+$0x440]  }
0x141: {  	[tilespmem:s26+$0x60] =	vst v3;
	v3 =	vmul.f32 $2.771281240e+01, v6;
	v6 =	vld [tilespmem:s26+$0x450]  }
0x142: {  	[tilespmem:s26+$0x70] =	vst v4;
	v4 =	vmul.f32 $2.771281240e+01, v7;
	v7 =	vld [tilespmem:s26+$0x460]  }
0x143: {  	[tilespmem:s26+$0x400] =	vst v3;
	v3 =	vmul.f32 $2.771281240e+01, v8;
	v8 =	vld [tilespmem:s26+$0x470]  }
0x144: {  	[tilespmem:s26+$0x410] =	vst v4;
	v4 =	vmul.f32 $2.771281240e+01, v9;
	v9 =	vld [tilespmem:s26+$0x800]  }
0x145: {  	[tilespmem:s26+$0x420] =	vst v3;
	v3 =	vmul.f32 $2.771281240e+01, v5;
	v5 =	vld [tilespmem:s26+$0x810]  }
0x146: {  	[tilespmem:s26+$0x430] =	vst v4;
	v4 =	vmul.f32 $2.771281240e+01, v6;
	v6 =	vld [tilespmem:s26+$0x820]  }
0x147: {  	[tilespmem:s26+$0x440] =	vst v3;
	v3 =	vmul.f32 $2.771281240e+01, v7;
	v7 =	vld [tilespmem:s26+$0x830]  }
0x148: {  	[tilespmem:s26+$0x450] =	vst v4;
	v4 =	vmul.f32 $2.771281240e+01, v8;
	v8 =	vld [tilespmem:s26+$0x840]  }
0x149: {  	[tilespmem:s26+$0x460] =	vst v3;
	v3 =	vmul.f32 $2.771281240e+01, v9;
	v9 =	vld [tilespmem:s26+$0x850]  }
0x14a: {  	[tilespmem:s26+$0x470] =	vst v4;
	v4 =	vmul.f32 $2.771281240e+01, v5;
	v5 =	vld [tilespmem:s26+$0x860]  }
0x14b: {  	[tilespmem:s26+$0x800] =	vst v3;
	v3 =	vmul.f32 $2.771281240e+01, v6;
	v6 =	vld [tilespmem:s26+$0x870]  }
0x14c: {  	[tilespmem:s26+$0x810] =	vst v4;
	v4 =	vmul.f32 $2.771281240e+01, v7;
	v7 =	vld [tilespmem:s26+$0xC00]  }
0x14d: {  	[tilespmem:s26+$0x820] =	vst v3;
	v3 =	vmul.f32 $2.771281240e+01, v8;
	v8 =	vld [tilespmem:s26+$0xC10]  }
0x14e: {  	[tilespmem:s26+$0x830] =	vst v4;
	v4 =	vmul.f32 $2.771281240e+01, v9;
	v9 =	vld [tilespmem:s26+$0xC20]  }
0x14f: {  	[tilespmem:s26+$0x840] =	vst v3;
	v3 =	vmul.f32 $2.771281240e+01, v5;
	v5 =	vld [tilespmem:s26+$0xC30]  }
0x150: {  	[tilespmem:s26+$0x850] =	vst v4;
	v4 =	vmul.f32 $2.771281240e+01, v6;
	v6 =	vld [tilespmem:s26+$0xC40]  }
0x151: {  	[tilespmem:s26+$0x860] =	vst v3;
	v3 =	vmul.f32 $2.771281240e+01, v7;
	v7 =	vld [tilespmem:s26+$0xC50]  }
0x152: {  	[tilespmem:s26+$0x870] =	vst v4;
	v4 =	vmul.f32 $2.771281240e+01, v8;
	v8 =	vld [tilespmem:s26+$0xC60]  }
0x153: {  	[tilespmem:s26+$0xC00] =	vst v3;
	v3 =	vmul.f32 $2.771281240e+01, v9;
	v9 =	vld [tilespmem:s26+$0xC70]  }
0x154: {  	[tilespmem:s26+$0xC10] =	vst v4;
	v4 =	vmul.f32 $2.771281240e+01, v5;
	v5 =	vld [tilespmem:s26+$0x1000]  }
0x155: {  	[tilespmem:s26+$0xC20] =	vst v3;
	v3 =	vmul.f32 $2.771281240e+01, v6;
	v6 =	vld [tilespmem:s26+$0x1010]  }
0x156: {  	v10 =	vld [tilespmem:s26+$0x1020];
	[tilespmem:s26+$0xC30] =	vst v4;
	v4 =	vmul.f32 $2.771281240e+01, v7  }
0x157: {  	[tilespmem:s26+$0xC40] =	vst v3;
	v3 =	vmul.f32 $2.771281240e+01, v8;
	v8 =	vld [tilespmem:s26+$0x1030]  }
0x158: {  	v11 =	vld [tilespmem:s26+$0x1040];
	[tilespmem:s26+$0xC50] =	vst v4;
	v4 =	vmul.f32 $2.771281240e+01, v9  }
0x159: {  	v7 =	vld [tilespmem:s26+$0x1050];
	[tilespmem:s26+$0xC60] =	vst v3;
	v3 =	vmul.f32 $2.771281240e+01, v5  }
0x15a: {  	v5 =	vld [tilespmem:s26+$0x1060];
	[tilespmem:s26+$0xC70] =	vst v4;
	v4 =	vmul.f32 $2.771281240e+01, v6  }
0x15b: {  	v6 =	vld [tilespmem:s26+$0x1070];
	[tilespmem:s26+$0x1000] =	vst v3;
	v3 =	vmul.f32 $2.771281240e+01, v10  }
0x15c: {  	[tilespmem:s26+$0x1010] =	vst v4;
	v4 =	vld [tilespmem:s26+$0x1400];
	v9 =	vmul.f32 $2.771281240e+01, v8  }
0x15d: {  	s29 =	simm.s32 $0x1;
	v8 =	vmul.f32 $2.771281240e+01, v11;
	[tilespmem:s26+$0x1020] =	vst v3;
	v3 =	vld [tilespmem:s26+$0x1410]  }
.LBB2_7:
0x15e: {  	s30 =	sshrl.u32 s29, $0x3;
	p0 =	sne.s32 s29, $0x37;
	[tilespmem:s26+$0x1030] =	vst v9;
	v7 =	vmul.f32 $2.771281240e+01, v7;
	v9 =	vld [tilespmem:s26+$0x1420]  }
0x15f: {  	s30 =	smul.u32 $0x6000, s30;
	[tilespmem:s26+$0x1040] =	vst v8;
	v5 =	vmul.f32 $2.771281240e+01, v5;
	v8 =	vld [tilespmem:s26+$0x1430]  }
0x160: {  	[tilespmem:s26+$0x1050] =	vst v7;
	v6 =	vmul.f32 $2.771281240e+01, v6;
	v7 =	vld [tilespmem:s26+$0x1440]  }
0x161: {  	s28 =	sadd.s32 $0x80, s28;
	s30 =	sshra.s32 s30, $0x2;
	[tilespmem:s26+$0x1060] =	vst v5;
	v4 =	vmul.f32 $2.771281240e+01, v4;
	v5 =	vld [tilespmem:s26+$0x1450]  }
0x162: {  	s31 =	sand.u32 $0x380, s28;
	s30 =	sadd.s32 s30, s25;
	[tilespmem:s26+$0x1070] =	vst v6;
	v3 =	vmul.f32 $2.771281240e+01, v3;
	v6 =	vld [tilespmem:s26+$0x1460]  }
0x163: {  	s30 =	sadd.s32 s31, s30;
	[tilespmem:s26+$0x1400] =	vst v4;
	v4 =	vmul.f32 $2.771281240e+01, v9;
	v9 =	vld [tilespmem:s26+$0x1470]  }
0x164: {  	v10 =	vld [tilespmem:s30+$0x0];
	[tilespmem:s26+$0x1410] =	vst v3;
	v3 =	vmul.f32 $2.771281240e+01, v8  }
0x165: {  	v8 =	vld [tilespmem:s30+$0x10];
	[tilespmem:s26+$0x1420] =	vst v4;
	v4 =	vmul.f32 $2.771281240e+01, v7  }
0x166: {  	v7 =	vld [tilespmem:s30+$0x20];
	[tilespmem:s26+$0x1430] =	vst v3;
	v3 =	vmul.f32 $2.771281240e+01, v5  }
0x167: {  	v5 =	vld [tilespmem:s30+$0x30];
	[tilespmem:s26+$0x1440] =	vst v4;
	v4 =	vmul.f32 $2.771281240e+01, v6  }
0x168: {  	v6 =	vld [tilespmem:s30+$0x40];
	[tilespmem:s26+$0x1450] =	vst v3;
	v3 =	vmul.f32 $2.771281240e+01, v9  }
0x169: {  	v9 =	vmul.f32 $2.771281240e+01, v10;
	v10 =	vld [tilespmem:s30+$0x50];
	[tilespmem:s26+$0x1460] =	vst v4  }
0x16a: {  	v4 =	vmul.f32 $2.771281240e+01, v8;
	v8 =	vld [tilespmem:s30+$0x60];
	[tilespmem:s26+$0x1470] =	vst v3;
	s26 =	smov.u32 s30  }
0x16b: {  	[tilespmem:s26+$0x0] =	vst v9;
	v3 =	vmul.f32 $2.771281240e+01, v7;
	v7 =	vld [tilespmem:s26+$0x70]  }
0x16c: {  	[tilespmem:s26+$0x10] =	vst v4;
	v4 =	vmul.f32 $2.771281240e+01, v5;
	v5 =	vld [tilespmem:s26+$0x400]  }
0x16d: {  	[tilespmem:s26+$0x20] =	vst v3;
	v3 =	vmul.f32 $2.771281240e+01, v6;
	v6 =	vld [tilespmem:s26+$0x410]  }
0x16e: {  	[tilespmem:s26+$0x30] =	vst v4;
	v4 =	vmul.f32 $2.771281240e+01, v10;
	v9 =	vld [tilespmem:s26+$0x420]  }
0x16f: {  	[tilespmem:s26+$0x40] =	vst v3;
	v3 =	vmul.f32 $2.771281240e+01, v8;
	v8 =	vld [tilespmem:s26+$0x430]  }
0x170: {  	[tilespmem:s26+$0x50] =	vst v4;
	v4 =	vmul.f32 $2.771281240e+01, v7;
	v7 =	vld [tilespmem:s26+$0x440]  }
0x171: {  	[tilespmem:s26+$0x60] =	vst v3;
	v3 =	vmul.f32 $2.771281240e+01, v5;
	v5 =	vld [tilespmem:s26+$0x450]  }
0x172: {  	[tilespmem:s26+$0x70] =	vst v4;
	v4 =	vmul.f32 $2.771281240e+01, v6;
	v6 =	vld [tilespmem:s26+$0x460]  }
0x173: {  	[tilespmem:s26+$0x400] =	vst v3;
	v3 =	vmul.f32 $2.771281240e+01, v9;
	v9 =	vld [tilespmem:s26+$0x470]  }
0x174: {  	[tilespmem:s26+$0x410] =	vst v4;
	v4 =	vmul.f32 $2.771281240e+01, v8;
	v8 =	vld [tilespmem:s26+$0x800]  }
0x175: {  	[tilespmem:s26+$0x420] =	vst v3;
	v3 =	vmul.f32 $2.771281240e+01, v7;
	v7 =	vld [tilespmem:s26+$0x810]  }
0x176: {  	[tilespmem:s26+$0x430] =	vst v4;
	v4 =	vmul.f32 $2.771281240e+01, v5;
	v5 =	vld [tilespmem:s26+$0x820]  }
0x177: {  	[tilespmem:s26+$0x440] =	vst v3;
	v3 =	vmul.f32 $2.771281240e+01, v6;
	v6 =	vld [tilespmem:s26+$0x830]  }
0x178: {  	[tilespmem:s26+$0x450] =	vst v4;
	v4 =	vmul.f32 $2.771281240e+01, v9;
	v9 =	vld [tilespmem:s26+$0x840]  }
0x179: {  	[tilespmem:s26+$0x460] =	vst v3;
	v3 =	vmul.f32 $2.771281240e+01, v8;
	v8 =	vld [tilespmem:s26+$0x850]  }
0x17a: {  	[tilespmem:s26+$0x470] =	vst v4;
	v4 =	vmul.f32 $2.771281240e+01, v7;
	v7 =	vld [tilespmem:s26+$0x860]  }
0x17b: {  	[tilespmem:s26+$0x800] =	vst v3;
	v3 =	vmul.f32 $2.771281240e+01, v5;
	v5 =	vld [tilespmem:s26+$0x870]  }
0x17c: {  	[tilespmem:s26+$0x810] =	vst v4;
	v4 =	vmul.f32 $2.771281240e+01, v6;
	v6 =	vld [tilespmem:s26+$0xC00]  }
0x17d: {  	[tilespmem:s26+$0x820] =	vst v3;
	v3 =	vmul.f32 $2.771281240e+01, v9;
	v9 =	vld [tilespmem:s26+$0xC10]  }
0x17e: {  	[tilespmem:s26+$0x830] =	vst v4;
	v4 =	vmul.f32 $2.771281240e+01, v8;
	v8 =	vld [tilespmem:s26+$0xC20]  }
0x17f: {  	[tilespmem:s26+$0x840] =	vst v3;
	v3 =	vmul.f32 $2.771281240e+01, v7;
	v7 =	vld [tilespmem:s26+$0xC30]  }
0x180: {  	[tilespmem:s26+$0x850] =	vst v4;
	v4 =	vmul.f32 $2.771281240e+01, v5;
	v5 =	vld [tilespmem:s26+$0xC40]  }
0x181: {  	[tilespmem:s26+$0x860] =	vst v3;
	v3 =	vmul.f32 $2.771281240e+01, v6;
	v6 =	vld [tilespmem:s26+$0xC50]  }
0x182: {  	[tilespmem:s26+$0x870] =	vst v4;
	v4 =	vmul.f32 $2.771281240e+01, v9;
	v9 =	vld [tilespmem:s26+$0xC60]  }
0x183: {  	[tilespmem:s26+$0xC00] =	vst v3;
	v3 =	vmul.f32 $2.771281240e+01, v8;
	v8 =	vld [tilespmem:s26+$0xC70]  }
0x184: {  	[tilespmem:s26+$0xC10] =	vst v4;
	v4 =	vmul.f32 $2.771281240e+01, v7;
	v7 =	vld [tilespmem:s26+$0x1000]  }
0x185: {  	[tilespmem:s26+$0xC20] =	vst v3;
	v3 =	vmul.f32 $2.771281240e+01, v5;
	v5 =	vld [tilespmem:s26+$0x1010]  }
0x186: {  	[tilespmem:s26+$0xC30] =	vst v4;
	v4 =	vmul.f32 $2.771281240e+01, v6;
	v6 =	vld [tilespmem:s26+$0x1020]  }
0x187: {  	[tilespmem:s26+$0xC40] =	vst v3;
	v3 =	vmul.f32 $2.771281240e+01, v9;
	v9 =	vld [tilespmem:s26+$0x1030]  }
0x188: {  	[tilespmem:s26+$0xC50] =	vst v4;
	v4 =	vmul.f32 $2.771281240e+01, v8;
	v8 =	vld [tilespmem:s26+$0x1040]  }
.Ltmp2:
0x189: {  	[tilespmem:s26+$0xC60] =	vst v3;
	v3 =	vmul.f32 $2.771281240e+01, v7;
	v7 =	vld [tilespmem:s26+$0x1050];
	(pc) =	sbr.rel @p0 .LBB2_7-.Ltmp2, $4  }
0x18a: {  	[tilespmem:s26+$0xC70] =	vst v4;
	v4 =	vmul.f32 $2.771281240e+01, v5;
	v5 =	vld [tilespmem:s26+$0x1060]  }
0x18b: {  	[tilespmem:s26+$0x1000] =	vst v3;
	v3 =	vmul.f32 $2.771281240e+01, v6;
	v6 =	vld [tilespmem:s26+$0x1070]  }
0x18c: {  	[tilespmem:s26+$0x1010] =	vst v4;
	v9 =	vmul.f32 $2.771281240e+01, v9;
	v4 =	vld [tilespmem:s26+$0x1400]  }
0x18d: {  	s29 =	sadd.s32 $0x1, s29;
	[tilespmem:s26+$0x1020] =	vst v3;
	v8 =	vmul.f32 $2.771281240e+01, v8;
	v3 =	vld [tilespmem:s26+$0x1410]  }
0x18e: {  	[tilespmem:s26+$0x1030] =	vst v9;
	v7 =	vmul.f32 $2.771281240e+01, v7;
	v55 =	vld [tilespmem:s26+$0x1420]  }
0x18f: {  	v56 =	vld [tilespmem:s26+$0x1430];
	[tilespmem:s26+$0x1040] =	vst v8;
	v5 =	vmul.f32 $2.771281240e+01, v5  }
0x190: {  	v57 =	vld [tilespmem:s26+$0x1440];
	[tilespmem:s26+$0x1050] =	vst v7;
	v6 =	vmul.f32 $2.771281240e+01, v6  }
0x191: {  	v58 =	vld [tilespmem:s26+$0x1450];
	[tilespmem:s26+$0x1060] =	vst v5;
	v4 =	vmul.f32 $2.771281240e+01, v4  }
0x192: {  	v59 =	vld [tilespmem:s26+$0x1460];
	s23 =	smul.u32 $0x38, s23;
	[tilespmem:s26+$0x1070] =	vst v6;
	v3 =	vmul.f32 $2.771281240e+01, v3  }
0x193: {  	v61 =	vld [tilespmem:s26+$0x1470];
	[tilespmem:s26+$0x1400] =	vst v4;
	v60 =	vmul.f32 $2.771281240e+01, v55  }
0x194: {  	s23 =	sadd.s32 s5, s23;
	[tilespmem:s26+$0x1410] =	vst v3;
	v3 =	vmul.f32 $2.771281240e+01, v56  }
0x195: {  	s23 =	sshrl.u32 s23, $0x3;
	v62 =	vmul.f32 $2.771281240e+01, v57;
	[tilespmem:s26+$0x1420] =	vst v60  }
0x196: {  	s23 =	smul.u32 $0x1800, s23;
	[tilespmem:s26+$0x1430] =	vst v3;
	v3 =	vmul.f32 $2.771281240e+01, v58  }
0x197: {  	p0 =	sne.s32 s24, $0x9;
	v63 =	vmul.f32 $2.771281240e+01, v59;
	[tilespmem:s26+$0x1440] =	vst v62  }
.Ltmp3:
0x198: {  	s23 =	sadd.s32 s6, s23;
	[tilespmem:s26+$0x1450] =	vst v3;
	v3 =	vmul.f32 $2.771281240e+01, v61;
	(pc) =	sbr.rel @p0 .LBB2_4-.Ltmp3, $4  }
0x199: {  	[tilespmem:s26+$0x1460] =	vst v63;
	s23 =	sshrl.u32 s23, $0x3  }
0x19a: {  	s23 =	sadd.s32 s3, s23;
	[tilespmem:s26+$0x1470] =	vst v3  }
0x19b: {  	[hbm4b:s23+s4] =	stream.linear.scatter [tilespmem:s25], [sflag:$0x2], $0xA800, $0x38;
	[tilespmem:$0x1FA00] =	vst v63  }
0x19c: {  	s23 =	smov.u32 s24  }
0x19d: {  	s22 =	sadd.s32 $0x1, s22  }
0x19e: {  	_ =	swait.ge [sflag:s21], $0xA800;
	p0 =	sne.s32 s22, s11  }
.Ltmp4:
0x19f: {  	[sflag:s21] =	ssyncset.done $0x0;
	(pc) =	sbr.rel @p0 .LBB2_1-.Ltmp4, $4  }
0x1a0: {  	[sflag:s21] =	ssyncadd.s32 $0xFFFF5800  }
0x1a1: {  	_ =	swait.ge [sflag:s21], $0xA800  }
0x1a2: {  	[sflag:s21] =	ssyncset.done $0x0  }
0x1a3: {  	[sflag:s21] =	ssyncadd.s32 $0xFFFF5800  }
0x1a4: {  	_ =	sfence.sel $0x180000  }
0x1a5: {  	[bflag:$0x0] =	sbarrier.arrive $0xFFFF  }
0x1a6: {  	_ =	strace $0x90000047  }
0x1a7: {  	s0 =	stileid.u32;
	[bflag:$0x2] =	sbarrier.arrive $0xFFFF  }
0x1a8: {  	p0 =	sne.s32 s0, $0x0;
	s0 =	rddreg [dreg:$0x3]  }
0x1a9: {  	s0 =	sadd.s32 @!p0 $0x100000, s0  }
0x1aa: {  	[sflag:s0] =	ssyncadd.tile.s32 @!p0 $0x1;
	_ =	shalt  }
.Lfunc_end2:
_tile_overlayer_lowered:
.L_overlay_start_2:
0x1ab: {  	(tag) =	ssettag $0x2  }
0x1ac: {  	s0 =	rddreg [dreg:$0x0];
	s2 =	stileid.u32  }
0x1ad: {  	s1 =	rddreg [dreg:$0x1];
	p0 =	sne.s32 s2, $0x0  }
0x1ae: {  	s3 =	rddreg [dreg:$0x2];
	[bflag:$0x3] =	sbarrier.arrive $0xFFFF;
	s2 =	simm.s32 @!p0 $0x1C04  }
0x1af: {  	[timem:s3], [sflag:s2] =	dma.local @!p0 [hbm:s0], s1  }
0x1b0: {  	s0 =	simm.s32 @!p0 $0x4  }
0x1b1: {  	_ =	swait.ge @!p0 [sflag:s0], s1  }
0x1b2: {  	s1 =	ssub.s32 @!p0 $0x0, s1;
	[sflag:s0] =	ssyncset.done @!p0 $0x0  }
0x1b3: {  	[sflag:s0] =	ssyncadd.s32 @!p0 s1  }
0x1b4: {  	[bflag:$0x3] =	sbarrier.arrive $0xFFFF  }
0x1b5: {  	_ =	shalt  }

</sc_bundles>
